<compile_context>
chip_gen: v7x
topology: tpu7x:2x2x1
jax: 0.10.2.dev20260603
libtpu: 0.0.44.dev20260713+nightly
codegen_flags: <defaults>
</compile_context>

<pallas_src>
import jax
import jax.numpy as jnp
from jax import lax
from jax.experimental import pallas as pl
from jax.experimental.pallas import tpu as pltpu
from jax.experimental.pallas import tpu_sc as plsc

DIM = 1024
E = 8
H = 2048
N = 4096
NA = 2 * N
EPAD = 16
NEG = -1e30

BS = 512
NBLK = NA // BS + E
NSLOT = NBLK * BS

NW = 32
TPW = N // NW
SCCH = 32
GCH = 32


def _gelu_exact(u):
    return 0.5 * u * (1.0 + jax.lax.erf(u * (2.0 ** -0.5)))


def _router_body(x_ref, rw_ref, rb_ref, w_ref, i_ref):
    x = x_ref[...]
    logits = jnp.dot(x, rw_ref[...], preferred_element_type=jnp.float32)
    logits = logits + rb_ref[...]
    m = jnp.max(logits, axis=1, keepdims=True)
    ex = jnp.exp(logits - m)
    probs = ex / jnp.sum(ex, axis=1, keepdims=True)
    lane = jax.lax.broadcasted_iota(jnp.int32, probs.shape, 1)
    m1 = jnp.max(probs, axis=1, keepdims=True)
    i1 = jnp.min(jnp.where(probs == m1, lane, 512), axis=1, keepdims=True)
    probs2 = jnp.where(lane == i1, NEG, probs)
    m2 = jnp.max(probs2, axis=1, keepdims=True)
    i2 = jnp.min(jnp.where(probs2 == m2, lane, 512), axis=1, keepdims=True)
    w = jnp.where(lane == 0, m1, 0.0) + jnp.where(lane == 1, m2, 0.0)
    ii = jnp.where(lane == 0, i1, 0) + jnp.where(lane == 1, i2, 0)
    w_ref[...] = w[:, :EPAD]
    i_ref[...] = ii[:, :EPAD]


def _meta_body(ej_ref, p_ref, blk_ref):
    ej = ej_ref[...]
    rows, cols = ej.shape
    r1 = jax.lax.broadcasted_iota(jnp.int32, (cols, cols), 0)
    c1 = jax.lax.broadcasted_iota(jnp.int32, (cols, cols), 1)
    U = (r1 <= c1).astype(jnp.float32)
    r2 = jax.lax.broadcasted_iota(jnp.int32, (rows, rows), 0)
    c2 = jax.lax.broadcasted_iota(jnp.int32, (rows, rows), 1)
    S = (c2 < r2).astype(jnp.float32)

    start = jnp.zeros((), jnp.int32)
    p = jnp.zeros(ej.shape, jnp.int32)
    bi = jax.lax.broadcasted_iota(jnp.int32, (8, 128), 1) * BS
    blk = jnp.zeros((8, 128), jnp.int32)
    for e in range(E):
        m = (ej == e).astype(jnp.float32)
        intra = jnp.dot(m, U, preferred_element_type=jnp.float32)
        rowtot = intra[:, cols - 1:cols]
        rowoff = jnp.dot(S, rowtot, preferred_element_type=jnp.float32)
        rank_excl = (intra + rowoff - 1.0).astype(jnp.int32)
        p = p + jnp.where(ej == e, start + rank_excl, 0)
        cnt = jnp.sum(m).astype(jnp.int32)
        cap = ((cnt + BS - 1) // BS) * BS
        blk = blk + jnp.where(
            jnp.logical_and(bi >= start, bi < start + cap), e, 0)
        start = start + cap
    blk = blk + jnp.where(bi >= start, E - 1, 0)
    p_ref[...] = p
    blk_ref[...] = blk


def _sc_scatter_body(x_hbm, pidx_hbm, xg_hbm, idx_v, rows0, rows1,
                     sem_i0, sem_i1, sem_o):
    wid = lax.axis_index("s") * 2 + lax.axis_index("c")
    nch = TPW // SCCH
    bufs = (rows0, rows1)
    sems = (sem_i0, sem_i1)
    pltpu.sync_copy(pidx_hbm.at[wid], idx_v)
    cps = [None] * nch
    cps[0] = pltpu.async_copy(
        x_hbm.at[pl.ds(wid * TPW, SCCH)], rows0, sem_i0)
    cps[1] = pltpu.async_copy(
        x_hbm.at[pl.ds(wid * TPW + SCCH, SCCH)], rows1, sem_i1)
    for c in range(nch):
        buf = bufs[c % 2]
        cps[c].wait()
        cp0 = pltpu.async_copy(buf, xg_hbm.at[idx_v.at[2 * c]], sem_o)
        cp1 = pltpu.async_copy(buf, xg_hbm.at[idx_v.at[2 * c + 1]], sem_o)
        cp0.wait()
        cp1.wait()
        if c + 2 < nch:
            cps[c + 2] = pltpu.async_copy(
                x_hbm.at[pl.ds(wid * TPW + (c + 2) * SCCH, SCCH)],
                bufs[c % 2], sems[c % 2])


def _group_body(blk_ref, xg_ref, w1_ref, b1_ref, w2_ref, b2_ref, y_ref):
    x = xg_ref[...].astype(jnp.bfloat16)
    h = jnp.dot(x, w1_ref[0].astype(jnp.bfloat16),
                preferred_element_type=jnp.float32)
    h = h + b1_ref[0]
    h = _gelu_exact(h).astype(jnp.bfloat16)
    y = jnp.dot(h, w2_ref[0].astype(jnp.bfloat16),
                preferred_element_type=jnp.float32)
    y_ref[...] = y + b2_ref[0]


def _sc_gather_body(y_hbm, gidx_hbm, yg_hbm, idx_v, rows0, rows1,
                    sem_i0, sem_i1):
    wid = lax.axis_index("s") * 2 + lax.axis_index("c")
    nch = NA // NW // GCH
    bufs = (rows0, rows1)
    sems = (sem_i0, sem_i1)
    pltpu.sync_copy(gidx_hbm.at[wid], idx_v)
    cps = [None] * nch
    cps[0] = pltpu.async_copy(y_hbm.at[idx_v.at[0]], rows0, sem_i0)
    cps[1] = pltpu.async_copy(y_hbm.at[idx_v.at[1]], rows1, sem_i1)
    for c in range(nch):
        cps[c].wait()
        pltpu.sync_copy(bufs[c % 2],
                        yg_hbm.at[pl.ds(wid * (NA // NW) + c * GCH, GCH)])
        if c + 2 < nch:
            cps[c + 2] = pltpu.async_copy(
                y_hbm.at[idx_v.at[c + 2]], bufs[c % 2], sems[c % 2])


def _shared_body(x_ref, w1_ref, b1_ref, w2_ref, b2_ref, wts_ref, yg_ref,
                 out_ref):
    x = x_ref[...].astype(jnp.bfloat16)
    h = jnp.dot(x, w1_ref[...].astype(jnp.bfloat16),
                preferred_element_type=jnp.float32)
    h = h + b1_ref[...]
    h = _gelu_exact(h).astype(jnp.bfloat16)
    y = jnp.dot(h, w2_ref[...].astype(jnp.bfloat16),
                preferred_element_type=jnp.float32)
    yg = yg_ref[...]
    w0 = wts_ref[:, 0:1]
    w1 = wts_ref[:, 1:2]
    out_ref[...] = (y + b2_ref[...] + yg[:, :DIM] * w0
                    + yg[:, DIM:] * w1)


def kernel(x, router_W, router_b, W1, b1, W2, b2, sW1, sb1, sW2, sb2):
    B, S, dim = x.shape
    xf = x.reshape(N, dim)

    rw = jnp.zeros((dim, 128), jnp.float32).at[:, :E].set(router_W)
    rb = jnp.full((1, 128), NEG, jnp.float32).at[0, :E].set(router_b)
    TB = 1024
    wts, tops = pl.pallas_call(
        _router_body,
        grid=(N // TB,),
        in_specs=[
            pl.BlockSpec((TB, dim), lambda t: (t, 0)),
            pl.BlockSpec((dim, 128), lambda t: (0, 0)),
            pl.BlockSpec((1, 128), lambda t: (0, 0)),
        ],
        out_specs=[
            pl.BlockSpec((TB, EPAD), lambda t: (t, 0)),
            pl.BlockSpec((TB, EPAD), lambda t: (t, 0)),
        ],
        out_shape=[
            jax.ShapeDtypeStruct((N, EPAD), jnp.float32),
            jax.ShapeDtypeStruct((N, EPAD), jnp.int32),
        ],
    )(xf, rw, rb)

    ej = tops[:, :2].reshape(64, 128)

    p2d, blk2d = pl.pallas_call(
        _meta_body,
        out_shape=[
            jax.ShapeDtypeStruct((64, 128), jnp.int32),
            jax.ShapeDtypeStruct((8, 128), jnp.int32),
        ],
    )(ej)
    p = p2d.reshape(NA)
    blk_expert = blk2d[0, :NBLK]

    pidx = p.reshape(NW, TPW // SCCH, SCCH, 2).transpose(0, 1, 3, 2)
    pidx = pidx.reshape(NW, 2 * (TPW // SCCH), SCCH)
    mesh = plsc.VectorSubcoreMesh(core_axis_name="c", subcore_axis_name="s")
    xg = pl.kernel(
        _sc_scatter_body,
        mesh=mesh,
        out_type=jax.ShapeDtypeStruct((NSLOT, DIM), jnp.float32),
        scratch_types=[
            pltpu.VMEM((2 * (TPW // SCCH), SCCH), jnp.int32),
            pltpu.VMEM((SCCH, DIM), jnp.float32),
            pltpu.VMEM((SCCH, DIM), jnp.float32),
            pltpu.SemaphoreType.DMA,
            pltpu.SemaphoreType.DMA,
            pltpu.SemaphoreType.DMA,
        ],
    )(xf, pidx)

    b1r = b1[:, None]
    b2r = b2[:, None]
    y = pl.pallas_call(
        _group_body,
        grid_spec=pltpu.PrefetchScalarGridSpec(
            num_scalar_prefetch=1,
            grid=(NBLK,),
            in_specs=[
                pl.BlockSpec((BS, DIM), lambda b, s: (b, 0)),
                pl.BlockSpec((1, DIM, H), lambda b, s: (s[b], 0, 0)),
                pl.BlockSpec((1, 1, H), lambda b, s: (s[b], 0, 0)),
                pl.BlockSpec((1, H, DIM), lambda b, s: (s[b], 0, 0)),
                pl.BlockSpec((1, 1, DIM), lambda b, s: (s[b], 0, 0)),
            ],
            out_specs=pl.BlockSpec((BS, DIM), lambda b, s: (b, 0)),
        ),
        out_shape=jax.ShapeDtypeStruct((NSLOT, DIM), jnp.float32),
        compiler_params=pltpu.CompilerParams(
            vmem_limit_bytes=62 * 1024 * 1024),
    )(blk_expert, xg, W1, b1r, W2, b2r)

    gidx = p.reshape(NW, NA // NW // GCH, GCH)
    yg = pl.kernel(
        _sc_gather_body,
        mesh=mesh,
        out_type=jax.ShapeDtypeStruct((NA, DIM), jnp.float32),
        scratch_types=[
            pltpu.VMEM((NA // NW // GCH, GCH), jnp.int32),
            pltpu.VMEM((GCH, DIM), jnp.float32),
            pltpu.VMEM((GCH, DIM), jnp.float32),
            pltpu.SemaphoreType.DMA,
            pltpu.SemaphoreType.DMA,
        ],
    )(y, gidx)

    yg2 = yg.reshape(N, 2 * DIM)
    TBS = 512
    out = pl.pallas_call(
        _shared_body,
        grid=(N // TBS,),
        in_specs=[
            pl.BlockSpec((TBS, dim), lambda t: (t, 0)),
            pl.BlockSpec((dim, H), lambda t: (0, 0)),
            pl.BlockSpec((1, H), lambda t: (0, 0)),
            pl.BlockSpec((H, dim), lambda t: (0, 0)),
            pl.BlockSpec((1, dim), lambda t: (0, 0)),
            pl.BlockSpec((TBS, EPAD), lambda t: (t, 0)),
            pl.BlockSpec((TBS, 2 * DIM), lambda t: (t, 0)),
        ],
        out_specs=pl.BlockSpec((TBS, dim), lambda t: (t, 0)),
        out_shape=jax.ShapeDtypeStruct((N, dim), jnp.float32),
        compiler_params=pltpu.CompilerParams(
            vmem_limit_bytes=62 * 1024 * 1024),
    )(xf, sW1, sb1[None], sW2, sb2[None], wts, yg2)

    return out.reshape(B, S, dim)

# --- scband reference (transcript-rebuilt; emitter-appended) ---
"""Pipeline reference for scband-mixture-of-experts-25099788878446 (READ-ONLY COPY).

The authoritative reference and input builder live on the scoring server;
editing this copy changes nothing except your own understanding.
"""

import jax, jax.numpy as jnp
import numpy as np


def setup_inputs(seed: int = 0) -> dict:
    key = jax.random.key(seed)
    ks = jax.random.split(key, 8)
    dim, E, h = 1024, 8, 2048
    B, S = 2, 2048
    sc = lambda k, shape: jax.random.normal(k, shape, dtype=jnp.float32) * 0.02
    return {
        "x": jax.random.normal(ks[0], (B, S, dim), dtype=jnp.float32),
        "router_W": sc(ks[1], (dim, E)),
        "router_b": jnp.zeros((E,), jnp.float32),
        "W1": sc(ks[2], (E, dim, h)),
        "b1": jnp.zeros((E, h), jnp.float32),
        "W2": sc(ks[3], (E, h, dim)),
        "b2": jnp.zeros((E, dim), jnp.float32),
        "sW1": sc(ks[4], (dim, h)),
        "sb1": jnp.zeros((h,), jnp.float32),
        "sW2": sc(ks[5], (h, dim)),
        "sb2": jnp.zeros((dim,), jnp.float32),
    }


def reference(x, router_W, router_b, W1, b1, W2, b2, sW1, sb1, sW2, sb2):
    num_selected = 2
    # router (eval mode: no gaussian noise)
    logits = jnp.einsum('bsd,de->bse', x, router_W) + router_b
    weights = jax.nn.softmax(logits, axis=-1)
    topw, topi = jax.lax.top_k(weights, num_selected)
    # shared expert: Linear -> GELU(exact) -> Linear
    shared_h = jax.nn.gelu(jnp.einsum('bsd,dh->bsh', x, sW1) + sb1, approximate=False)
    shared = jnp.einsum('bsh,hd->bsd', shared_h, sW2) + sb2
    # compute all experts densely, then gather by routed index (math-equivalent
    # to the per-mask loop in the torch module)
    hidden = jax.nn.gelu(jnp.einsum('bsd,edh->bseh', x, W1) + b1[None, None, :, :], approximate=False)
    all_out = jnp.einsum('bseh,ehd->bsed', hidden, W2) + b2[None, None, :, :]
    expert_out = jnp.zeros_like(x)
    for i in range(num_selected):
        idx = topi[..., i]  # [B, S]
        sel = jnp.take_along_axis(all_out, idx[..., None, None], axis=2)[..., 0, :]
        expert_out = expert_out + sel * topw[..., i:i + 1]
    return shared + expert_out

if __name__ == "__main__":
    import jax
    _d = setup_inputs()
    print(jax.jit(kernel)(*tuple(_d.values())))

</pallas_src>

<mosaic_0001>
#map = affine_map<(d0, d1) -> (0, 0)>
#map1 = affine_map<(d0, d1) -> (0, 0, 0)>
module attributes {stable_mosaic.version = 14 : i64} {
  func.func @_sc_gather_body(%arg0: i32, %arg1: i32, %arg2: memref<12288x1024xf32, #tpu.memory_space<hbm>>, %arg3: memref<32x8x32xi32, #tpu.memory_space<hbm>>, %arg4: memref<8192x1024xf32, #tpu.memory_space<hbm>>, %arg5: memref<8x32xi32, #tpu.memory_space<vmem>>, %arg6: memref<32x1024xf32, #tpu.memory_space<vmem>>, %arg7: memref<32x1024xf32, #tpu.memory_space<vmem>>, %arg8: memref<!tpu.dma_semaphore, #tpu.memory_space<semaphore_mem>>, %arg9: memref<!tpu.dma_semaphore, #tpu.memory_space<semaphore_mem>>) attributes {dimension_semantics = [#tpu.dimension_semantics<core_parallel>, #tpu.dimension_semantics<subcore_parallel>], iteration_bounds = array<i64: 2, 16>, scalar_prefetch = 0 : i64, scratch_operands = 5 : i64, tpu.core_type = #tpu.core_type<sc_vector_subcore>, window_params = [{transform_indices = #map}, {transform_indices = #map1}, {transform_indices = #map}]} {
    %mul3A = arith.constant 2 : i32
    %mul3A_0 = arith.muli %arg1, %mul3A : i32
    %add3A = arith.addi %mul3A_0, %arg0 : i32
    "tpu.region"() ({
      %run_scoped3A = tpu.sem_alloc : memref<!tpu.dma_semaphore, #tpu.memory_space<semaphore_mem>>
      %dma_start3A_143 = arith.constant 0 : i32
      %dma_start3A_144 = arith.constant 0 : i32
      %dma_start3A_145 = tpu.memref_slice %arg3[%add3A, %dma_start3A_143, %dma_start3A_144] : memref<32x8x32xi32, #tpu.memory_space<hbm>> -> memref<1x8x32xi32, #tpu.memory_space<hbm>>
      %dma_start3A_146 = tpu.memref_squeeze %dma_start3A_145 : memref<1x8x32xi32, #tpu.memory_space<hbm>> -> memref<8x32xi32, #tpu.memory_space<hbm>>
      %dma_start3A_147 = arith.constant 0 : i32
      %dma_start3A_148 = arith.constant 0 : i32
      %dma_start3A_149 = tpu.memref_slice %arg3[%add3A, %dma_start3A_147, %dma_start3A_148] : memref<32x8x32xi32, #tpu.memory_space<hbm>> -> memref<1x8x32xi32, #tpu.memory_space<hbm>>
      %dma_start3A_150 = tpu.memref_squeeze %dma_start3A_149 : memref<1x8x32xi32, #tpu.memory_space<hbm>> -> memref<8x32xi32, #tpu.memory_space<hbm>>
      tpu.enqueue_dma source(%dma_start3A_150 : memref<8x32xi32, #tpu.memory_space<hbm>>) target(%arg5 : memref<8x32xi32, #tpu.memory_space<vmem>>) target_semaphore(%run_scoped3A : memref<!tpu.dma_semaphore, #tpu.memory_space<semaphore_mem>>)
      %dma_wait3A_151 = arith.constant 0 : i32
      %dma_wait3A_152 = arith.constant 0 : i32
      %dma_wait3A_153 = tpu.memref_slice %arg3[%add3A, %dma_wait3A_151, %dma_wait3A_152] : memref<32x8x32xi32, #tpu.memory_space<hbm>> -> memref<1x8x32xi32, #tpu.memory_space<hbm>>
      %dma_wait3A_154 = tpu.memref_squeeze %dma_wait3A_153 : memref<1x8x32xi32, #tpu.memory_space<hbm>> -> memref<8x32xi32, #tpu.memory_space<hbm>>
      %dma_wait3A_155 = arith.constant 0 : i32
      %dma_wait3A_156 = arith.constant 0 : i32
      %dma_wait3A_157 = tpu.memref_slice %arg3[%add3A, %dma_wait3A_155, %dma_wait3A_156] : memref<32x8x32xi32, #tpu.memory_space<hbm>> -> memref<1x8x32xi32, #tpu.memory_space<hbm>>
      %dma_wait3A_158 = tpu.memref_squeeze %dma_wait3A_157 : memref<1x8x32xi32, #tpu.memory_space<hbm>> -> memref<8x32xi32, #tpu.memory_space<hbm>>
      tpu.wait_dma2 semaphore(%run_scoped3A : memref<!tpu.dma_semaphore, #tpu.memory_space<semaphore_mem>>) src(%dma_wait3A_158 : memref<8x32xi32, #tpu.memory_space<hbm>>) dst(%arg5 : memref<8x32xi32, #tpu.memory_space<vmem>>)
      tpu.yield
    }) : () -> ()
    %dma_start3A = arith.constant 0 : i32
    %dma_start3A_1 = arith.constant 0 : i32
    %dma_start3A_2 = tpu.memref_slice %arg5[%dma_start3A, %dma_start3A_1] : memref<8x32xi32, #tpu.memory_space<vmem>> -> memref<1x32xi32, #tpu.memory_space<vmem>>
    %dma_start3A_3 = tpu.memref_squeeze %dma_start3A_2 : memref<1x32xi32, #tpu.memory_space<vmem>> -> memref<32xi32, #tpu.memory_space<vmem>>
    %dma_start3A_4 = arith.constant 0 : i32
    %dma_start3A_5 = arith.constant 0 : i32
    %dma_start3A_6 = tpu.memref_slice %arg2[%dma_start3A_4, %dma_start3A_5] : memref<12288x1024xf32, #tpu.memory_space<hbm>> -> memref<12288x1024xf32, #tpu.memory_space<hbm>>
    tpu.enqueue_indirect_dma source(%dma_start3A_6 : memref<12288x1024xf32, #tpu.memory_space<hbm>>) target(%arg6 : memref<32x1024xf32, #tpu.memory_space<vmem>>) offsets(%dma_start3A_3 : memref<32xi32, #tpu.memory_space<vmem>>) semaphore(%arg8 : memref<!tpu.dma_semaphore, #tpu.memory_space<semaphore_mem>>)
    %dma_start3A_7 = arith.constant 1 : i32
    %dma_start3A_8 = arith.constant 0 : i32
    %dma_start3A_9 = tpu.memref_slice %arg5[%dma_start3A_7, %dma_start3A_8] : memref<8x32xi32, #tpu.memory_space<vmem>> -> memref<1x32xi32, #tpu.memory_space<vmem>>
    %dma_start3A_10 = tpu.memref_squeeze %dma_start3A_9 : memref<1x32xi32, #tpu.memory_space<vmem>> -> memref<32xi32, #tpu.memory_space<vmem>>
    %dma_start3A_11 = arith.constant 0 : i32
    %dma_start3A_12 = arith.constant 0 : i32
    %dma_start3A_13 = tpu.memref_slice %arg2[%dma_start3A_11, %dma_start3A_12] : memref<12288x1024xf32, #tpu.memory_space<hbm>> -> memref<12288x1024xf32, #tpu.memory_space<hbm>>
    tpu.enqueue_indirect_dma source(%dma_start3A_13 : memref<12288x1024xf32, #tpu.memory_space<hbm>>) target(%arg7 : memref<32x1024xf32, #tpu.memory_space<vmem>>) offsets(%dma_start3A_10 : memref<32xi32, #tpu.memory_space<vmem>>) semaphore(%arg9 : memref<!tpu.dma_semaphore, #tpu.memory_space<semaphore_mem>>)
    %dma_wait3A = arith.constant 0 : i32
    %dma_wait3A_14 = arith.constant 0 : i32
    %dma_wait3A_15 = tpu.memref_slice %arg5[%dma_wait3A, %dma_wait3A_14] : memref<8x32xi32, #tpu.memory_space<vmem>> -> memref<1x32xi32, #tpu.memory_space<vmem>>
    %dma_wait3A_16 = tpu.memref_squeeze %dma_wait3A_15 : memref<1x32xi32, #tpu.memory_space<vmem>> -> memref<32xi32, #tpu.memory_space<vmem>>
    %dma_wait3A_17 = arith.constant 0 : i32
    %dma_wait3A_18 = arith.constant 0 : i32
    %dma_wait3A_19 = tpu.memref_slice %arg2[%dma_wait3A_17, %dma_wait3A_18] : memref<12288x1024xf32, #tpu.memory_space<hbm>> -> memref<12288x1024xf32, #tpu.memory_space<hbm>>
    tpu.wait_indirect_dma semaphore(%arg8 : memref<!tpu.dma_semaphore, #tpu.memory_space<semaphore_mem>>) src(%dma_wait3A_19 : memref<12288x1024xf32, #tpu.memory_space<hbm>>) dst(%arg6 : memref<32x1024xf32, #tpu.memory_space<vmem>>)
    %mul3A_20 = arith.constant 256 : i32
    %mul3A_21 = arith.muli %add3A, %mul3A_20 : i32
    %add3A_22 = arith.constant 0 : i32
    %add3A_23 = arith.addi %mul3A_21, %add3A_22 : i32
    "tpu.region"() ({
      %run_scoped3A = tpu.sem_alloc : memref<!tpu.dma_semaphore, #tpu.memory_space<semaphore_mem>>
      %dma_start3A_143 = arith.constant 0 : i32
      %dma_start3A_144 = tpu.memref_slice %arg4[%add3A_23, %dma_start3A_143] : memref<8192x1024xf32, #tpu.memory_space<hbm>> -> memref<32x1024xf32, #tpu.memory_space<hbm>>
      %dma_start3A_145 = arith.constant 0 : i32
      %dma_start3A_146 = tpu.memref_slice %arg4[%add3A_23, %dma_start3A_145] : memref<8192x1024xf32, #tpu.memory_space<hbm>> -> memref<32x1024xf32, #tpu.memory_space<hbm>>
      tpu.enqueue_dma source(%arg6 : memref<32x1024xf32, #tpu.memory_space<vmem>>) target(%dma_start3A_146 : memref<32x1024xf32, #tpu.memory_space<hbm>>) target_semaphore(%run_scoped3A : memref<!tpu.dma_semaphore, #tpu.memory_space<semaphore_mem>>)
      %dma_wait3A_147 = arith.constant 0 : i32
      %dma_wait3A_148 = tpu.memref_slice %arg4[%add3A_23, %dma_wait3A_147] : memref<8192x1024xf32, #tpu.memory_space<hbm>> -> memref<32x1024xf32, #tpu.memory_space<hbm>>
      %dma_wait3A_149 = arith.constant 0 : i32
      %dma_wait3A_150 = tpu.memref_slice %arg4[%add3A_23, %dma_wait3A_149] : memref<8192x1024xf32, #tpu.memory_space<hbm>> -> memref<32x1024xf32, #tpu.memory_space<hbm>>
      tpu.wait_dma2 semaphore(%run_scoped3A : memref<!tpu.dma_semaphore, #tpu.memory_space<semaphore_mem>>) src(%arg6 : memref<32x1024xf32, #tpu.memory_space<vmem>>) dst(%dma_wait3A_150 : memref<32x1024xf32, #tpu.memory_space<hbm>>)
      tpu.yield
    }) : () -> ()
    %dma_start3A_24 = arith.constant 2 : i32
    %dma_start3A_25 = arith.constant 0 : i32
    %dma_start3A_26 = tpu.memref_slice %arg5[%dma_start3A_24, %dma_start3A_25] : memref<8x32xi32, #tpu.memory_space<vmem>> -> memref<1x32xi32, #tpu.memory_space<vmem>>
    %dma_start3A_27 = tpu.memref_squeeze %dma_start3A_26 : memref<1x32xi32, #tpu.memory_space<vmem>> -> memref<32xi32, #tpu.memory_space<vmem>>
    %dma_start3A_28 = arith.constant 0 : i32
    %dma_start3A_29 = arith.constant 0 : i32
    %dma_start3A_30 = tpu.memref_slice %arg2[%dma_start3A_28, %dma_start3A_29] : memref<12288x1024xf32, #tpu.memory_space<hbm>> -> memref<12288x1024xf32, #tpu.memory_space<hbm>>
    tpu.enqueue_indirect_dma source(%dma_start3A_30 : memref<12288x1024xf32, #tpu.memory_space<hbm>>) target(%arg6 : memref<32x1024xf32, #tpu.memory_space<vmem>>) offsets(%dma_start3A_27 : memref<32xi32, #tpu.memory_space<vmem>>) semaphore(%arg8 : memref<!tpu.dma_semaphore, #tpu.memory_space<semaphore_mem>>)
    %dma_wait3A_31 = arith.constant 1 : i32
    %dma_wait3A_32 = arith.constant 0 : i32
    %dma_wait3A_33 = tpu.memref_slice %arg5[%dma_wait3A_31, %dma_wait3A_32] : memref<8x32xi32, #tpu.memory_space<vmem>> -> memref<1x32xi32, #tpu.memory_space<vmem>>
    %dma_wait3A_34 = tpu.memref_squeeze %dma_wait3A_33 : memref<1x32xi32, #tpu.memory_space<vmem>> -> memref<32xi32, #tpu.memory_space<vmem>>
    %dma_wait3A_35 = arith.constant 0 : i32
    %dma_wait3A_36 = arith.constant 0 : i32
    %dma_wait3A_37 = tpu.memref_slice %arg2[%dma_wait3A_35, %dma_wait3A_36] : memref<12288x1024xf32, #tpu.memory_space<hbm>> -> memref<12288x1024xf32, #tpu.memory_space<hbm>>
    tpu.wait_indirect_dma semaphore(%arg9 : memref<!tpu.dma_semaphore, #tpu.memory_space<semaphore_mem>>) src(%dma_wait3A_37 : memref<12288x1024xf32, #tpu.memory_space<hbm>>) dst(%arg7 : memref<32x1024xf32, #tpu.memory_space<vmem>>)
    %mul3A_38 = arith.constant 256 : i32
    %mul3A_39 = arith.muli %add3A, %mul3A_38 : i32
    %add3A_40 = arith.constant 32 : i32
    %add3A_41 = arith.addi %mul3A_39, %add3A_40 : i32
    "tpu.region"() ({
      %run_scoped3A = tpu.sem_alloc : memref<!tpu.dma_semaphore, #tpu.memory_space<semaphore_mem>>
      %dma_start3A_143 = arith.constant 0 : i32
      %dma_start3A_144 = tpu.memref_slice %arg4[%add3A_41, %dma_start3A_143] : memref<8192x1024xf32, #tpu.memory_space<hbm>> -> memref<32x1024xf32, #tpu.memory_space<hbm>>
      %dma_start3A_145 = arith.constant 0 : i32
      %dma_start3A_146 = tpu.memref_slice %arg4[%add3A_41, %dma_start3A_145] : memref<8192x1024xf32, #tpu.memory_space<hbm>> -> memref<32x1024xf32, #tpu.memory_space<hbm>>
      tpu.enqueue_dma source(%arg7 : memref<32x1024xf32, #tpu.memory_space<vmem>>) target(%dma_start3A_146 : memref<32x1024xf32, #tpu.memory_space<hbm>>) target_semaphore(%run_scoped3A : memref<!tpu.dma_semaphore, #tpu.memory_space<semaphore_mem>>)
      %dma_wait3A_147 = arith.constant 0 : i32
      %dma_wait3A_148 = tpu.memref_slice %arg4[%add3A_41, %dma_wait3A_147] : memref<8192x1024xf32, #tpu.memory_space<hbm>> -> memref<32x1024xf32, #tpu.memory_space<hbm>>
      %dma_wait3A_149 = arith.constant 0 : i32
      %dma_wait3A_150 = tpu.memref_slice %arg4[%add3A_41, %dma_wait3A_149] : memref<8192x1024xf32, #tpu.memory_space<hbm>> -> memref<32x1024xf32, #tpu.memory_space<hbm>>
      tpu.wait_dma2 semaphore(%run_scoped3A : memref<!tpu.dma_semaphore, #tpu.memory_space<semaphore_mem>>) src(%arg7 : memref<32x1024xf32, #tpu.memory_space<vmem>>) dst(%dma_wait3A_150 : memref<32x1024xf32, #tpu.memory_space<hbm>>)
      tpu.yield
    }) : () -> ()
    %dma_start3A_42 = arith.constant 3 : i32
    %dma_start3A_43 = arith.constant 0 : i32
    %dma_start3A_44 = tpu.memref_slice %arg5[%dma_start3A_42, %dma_start3A_43] : memref<8x32xi32, #tpu.memory_space<vmem>> -> memref<1x32xi32, #tpu.memory_space<vmem>>
    %dma_start3A_45 = tpu.memref_squeeze %dma_start3A_44 : memref<1x32xi32, #tpu.memory_space<vmem>> -> memref<32xi32, #tpu.memory_space<vmem>>
    %dma_start3A_46 = arith.constant 0 : i32
    %dma_start3A_47 = arith.constant 0 : i32
    %dma_start3A_48 = tpu.memref_slice %arg2[%dma_start3A_46, %dma_start3A_47] : memref<12288x1024xf32, #tpu.memory_space<hbm>> -> memref<12288x1024xf32, #tpu.memory_space<hbm>>
    tpu.enqueue_indirect_dma source(%dma_start3A_48 : memref<12288x1024xf32, #tpu.memory_space<hbm>>) target(%arg7 : memref<32x1024xf32, #tpu.memory_space<vmem>>) offsets(%dma_start3A_45 : memref<32xi32, #tpu.memory_space<vmem>>) semaphore(%arg9 : memref<!tpu.dma_semaphore, #tpu.memory_space<semaphore_mem>>)
    %dma_wait3A_49 = arith.constant 2 : i32
    %dma_wait3A_50 = arith.constant 0 : i32
    %dma_wait3A_51 = tpu.memref_slice %arg5[%dma_wait3A_49, %dma_wait3A_50] : memref<8x32xi32, #tpu.memory_space<vmem>> -> memref<1x32xi32, #tpu.memory_space<vmem>>
    %dma_wait3A_52 = tpu.memref_squeeze %dma_wait3A_51 : memref<1x32xi32, #tpu.memory_space<vmem>> -> memref<32xi32, #tpu.memory_space<vmem>>
    %dma_wait3A_53 = arith.constant 0 : i32
    %dma_wait3A_54 = arith.constant 0 : i32
    %dma_wait3A_55 = tpu.memref_slice %arg2[%dma_wait3A_53, %dma_wait3A_54] : memref<12288x1024xf32, #tpu.memory_space<hbm>> -> memref<12288x1024xf32, #tpu.memory_space<hbm>>
    tpu.wait_indirect_dma semaphore(%arg8 : memref<!tpu.dma_semaphore, #tpu.memory_space<semaphore_mem>>) src(%dma_wait3A_55 : memref<12288x1024xf32, #tpu.memory_space<hbm>>) dst(%arg6 : memref<32x1024xf32, #tpu.memory_space<vmem>>)
    %mul3A_56 = arith.constant 256 : i32
    %mul3A_57 = arith.muli %add3A, %mul3A_56 : i32
    %add3A_58 = arith.constant 64 : i32
    %add3A_59 = arith.addi %mul3A_57, %add3A_58 : i32
    "tpu.region"() ({
      %run_scoped3A = tpu.sem_alloc : memref<!tpu.dma_semaphore, #tpu.memory_space<semaphore_mem>>
      %dma_start3A_143 = arith.constant 0 : i32
      %dma_start3A_144 = tpu.memref_slice %arg4[%add3A_59, %dma_start3A_143] : memref<8192x1024xf32, #tpu.memory_space<hbm>> -> memref<32x1024xf32, #tpu.memory_space<hbm>>
      %dma_start3A_145 = arith.constant 0 : i32
      %dma_start3A_146 = tpu.memref_slice %arg4[%add3A_59, %dma_start3A_145] : memref<8192x1024xf32, #tpu.memory_space<hbm>> -> memref<32x1024xf32, #tpu.memory_space<hbm>>
      tpu.enqueue_dma source(%arg6 : memref<32x1024xf32, #tpu.memory_space<vmem>>) target(%dma_start3A_146 : memref<32x1024xf32, #tpu.memory_space<hbm>>) target_semaphore(%run_scoped3A : memref<!tpu.dma_semaphore, #tpu.memory_space<semaphore_mem>>)
      %dma_wait3A_147 = arith.constant 0 : i32
      %dma_wait3A_148 = tpu.memref_slice %arg4[%add3A_59, %dma_wait3A_147] : memref<8192x1024xf32, #tpu.memory_space<hbm>> -> memref<32x1024xf32, #tpu.memory_space<hbm>>
      %dma_wait3A_149 = arith.constant 0 : i32
      %dma_wait3A_150 = tpu.memref_slice %arg4[%add3A_59, %dma_wait3A_149] : memref<8192x1024xf32, #tpu.memory_space<hbm>> -> memref<32x1024xf32, #tpu.memory_space<hbm>>
      tpu.wait_dma2 semaphore(%run_scoped3A : memref<!tpu.dma_semaphore, #tpu.memory_space<semaphore_mem>>) src(%arg6 : memref<32x1024xf32, #tpu.memory_space<vmem>>) dst(%dma_wait3A_150 : memref<32x1024xf32, #tpu.memory_space<hbm>>)
      tpu.yield
    }) : () -> ()
    %dma_start3A_60 = arith.constant 4 : i32
    %dma_start3A_61 = arith.constant 0 : i32
    %dma_start3A_62 = tpu.memref_slice %arg5[%dma_start3A_60, %dma_start3A_61] : memref<8x32xi32, #tpu.memory_space<vmem>> -> memref<1x32xi32, #tpu.memory_space<vmem>>
    %dma_start3A_63 = tpu.memref_squeeze %dma_start3A_62 : memref<1x32xi32, #tpu.memory_space<vmem>> -> memref<32xi32, #tpu.memory_space<vmem>>
    %dma_start3A_64 = arith.constant 0 : i32
    %dma_start3A_65 = arith.constant 0 : i32
    %dma_start3A_66 = tpu.memref_slice %arg2[%dma_start3A_64, %dma_start3A_65] : memref<12288x1024xf32, #tpu.memory_space<hbm>> -> memref<12288x1024xf32, #tpu.memory_space<hbm>>
    tpu.enqueue_indirect_dma source(%dma_start3A_66 : memref<12288x1024xf32, #tpu.memory_space<hbm>>) target(%arg6 : memref<32x1024xf32, #tpu.memory_space<vmem>>) offsets(%dma_start3A_63 : memref<32xi32, #tpu.memory_space<vmem>>) semaphore(%arg8 : memref<!tpu.dma_semaphore, #tpu.memory_space<semaphore_mem>>)
    %dma_wait3A_67 = arith.constant 3 : i32
    %dma_wait3A_68 = arith.constant 0 : i32
    %dma_wait3A_69 = tpu.memref_slice %arg5[%dma_wait3A_67, %dma_wait3A_68] : memref<8x32xi32, #tpu.memory_space<vmem>> -> memref<1x32xi32, #tpu.memory_space<vmem>>
    %dma_wait3A_70 = tpu.memref_squeeze %dma_wait3A_69 : memref<1x32xi32, #tpu.memory_space<vmem>> -> memref<32xi32, #tpu.memory_space<vmem>>
    %dma_wait3A_71 = arith.constant 0 : i32
    %dma_wait3A_72 = arith.constant 0 : i32
    %dma_wait3A_73 = tpu.memref_slice %arg2[%dma_wait3A_71, %dma_wait3A_72] : memref<12288x1024xf32, #tpu.memory_space<hbm>> -> memref<12288x1024xf32, #tpu.memory_space<hbm>>
    tpu.wait_indirect_dma semaphore(%arg9 : memref<!tpu.dma_semaphore, #tpu.memory_space<semaphore_mem>>) src(%dma_wait3A_73 : memref<12288x1024xf32, #tpu.memory_space<hbm>>) dst(%arg7 : memref<32x1024xf32, #tpu.memory_space<vmem>>)
    %mul3A_74 = arith.constant 256 : i32
    %mul3A_75 = arith.muli %add3A, %mul3A_74 : i32
    %add3A_76 = arith.constant 96 : i32
    %add3A_77 = arith.addi %mul3A_75, %add3A_76 : i32
    "tpu.region"() ({
      %run_scoped3A = tpu.sem_alloc : memref<!tpu.dma_semaphore, #tpu.memory_space<semaphore_mem>>
      %dma_start3A_143 = arith.constant 0 : i32
      %dma_start3A_144 = tpu.memref_slice %arg4[%add3A_77, %dma_start3A_143] : memref<8192x1024xf32, #tpu.memory_space<hbm>> -> memref<32x1024xf32, #tpu.memory_space<hbm>>
      %dma_start3A_145 = arith.constant 0 : i32
      %dma_start3A_146 = tpu.memref_slice %arg4[%add3A_77, %dma_start3A_145] : memref<8192x1024xf32, #tpu.memory_space<hbm>> -> memref<32x1024xf32, #tpu.memory_space<hbm>>
      tpu.enqueue_dma source(%arg7 : memref<32x1024xf32, #tpu.memory_space<vmem>>) target(%dma_start3A_146 : memref<32x1024xf32, #tpu.memory_space<hbm>>) target_semaphore(%run_scoped3A : memref<!tpu.dma_semaphore, #tpu.memory_space<semaphore_mem>>)
      %dma_wait3A_147 = arith.constant 0 : i32
      %dma_wait3A_148 = tpu.memref_slice %arg4[%add3A_77, %dma_wait3A_147] : memref<8192x1024xf32, #tpu.memory_space<hbm>> -> memref<32x1024xf32, #tpu.memory_space<hbm>>
      %dma_wait3A_149 = arith.constant 0 : i32
      %dma_wait3A_150 = tpu.memref_slice %arg4[%add3A_77, %dma_wait3A_149] : memref<8192x1024xf32, #tpu.memory_space<hbm>> -> memref<32x1024xf32, #tpu.memory_space<hbm>>
      tpu.wait_dma2 semaphore(%run_scoped3A : memref<!tpu.dma_semaphore, #tpu.memory_space<semaphore_mem>>) src(%arg7 : memref<32x1024xf32, #tpu.memory_space<vmem>>) dst(%dma_wait3A_150 : memref<32x1024xf32, #tpu.memory_space<hbm>>)
      tpu.yield
    }) : () -> ()
    %dma_start3A_78 = arith.constant 5 : i32
    %dma_start3A_79 = arith.constant 0 : i32
    %dma_start3A_80 = tpu.memref_slice %arg5[%dma_start3A_78, %dma_start3A_79] : memref<8x32xi32, #tpu.memory_space<vmem>> -> memref<1x32xi32, #tpu.memory_space<vmem>>
    %dma_start3A_81 = tpu.memref_squeeze %dma_start3A_80 : memref<1x32xi32, #tpu.memory_space<vmem>> -> memref<32xi32, #tpu.memory_space<vmem>>
    %dma_start3A_82 = arith.constant 0 : i32
    %dma_start3A_83 = arith.constant 0 : i32
    %dma_start3A_84 = tpu.memref_slice %arg2[%dma_start3A_82, %dma_start3A_83] : memref<12288x1024xf32, #tpu.memory_space<hbm>> -> memref<12288x1024xf32, #tpu.memory_space<hbm>>
    tpu.enqueue_indirect_dma source(%dma_start3A_84 : memref<12288x1024xf32, #tpu.memory_space<hbm>>) target(%arg7 : memref<32x1024xf32, #tpu.memory_space<vmem>>) offsets(%dma_start3A_81 : memref<32xi32, #tpu.memory_space<vmem>>) semaphore(%arg9 : memref<!tpu.dma_semaphore, #tpu.memory_space<semaphore_mem>>)
    %dma_wait3A_85 = arith.constant 4 : i32
    %dma_wait3A_86 = arith.constant 0 : i32
    %dma_wait3A_87 = tpu.memref_slice %arg5[%dma_wait3A_85, %dma_wait3A_86] : memref<8x32xi32, #tpu.memory_space<vmem>> -> memref<1x32xi32, #tpu.memory_space<vmem>>
    %dma_wait3A_88 = tpu.memref_squeeze %dma_wait3A_87 : memref<1x32xi32, #tpu.memory_space<vmem>> -> memref<32xi32, #tpu.memory_space<vmem>>
    %dma_wait3A_89 = arith.constant 0 : i32
    %dma_wait3A_90 = arith.constant 0 : i32
    %dma_wait3A_91 = tpu.memref_slice %arg2[%dma_wait3A_89, %dma_wait3A_90] : memref<12288x1024xf32, #tpu.memory_space<hbm>> -> memref<12288x1024xf32, #tpu.memory_space<hbm>>
    tpu.wait_indirect_dma semaphore(%arg8 : memref<!tpu.dma_semaphore, #tpu.memory_space<semaphore_mem>>) src(%dma_wait3A_91 : memref<12288x1024xf32, #tpu.memory_space<hbm>>) dst(%arg6 : memref<32x1024xf32, #tpu.memory_space<vmem>>)
    %mul3A_92 = arith.constant 256 : i32
    %mul3A_93 = arith.muli %add3A, %mul3A_92 : i32
    %add3A_94 = arith.constant 128 : i32
    %add3A_95 = arith.addi %mul3A_93, %add3A_94 : i32
    "tpu.region"() ({
      %run_scoped3A = tpu.sem_alloc : memref<!tpu.dma_semaphore, #tpu.memory_space<semaphore_mem>>
      %dma_start3A_143 = arith.constant 0 : i32
      %dma_start3A_144 = tpu.memref_slice %arg4[%add3A_95, %dma_start3A_143] : memref<8192x1024xf32, #tpu.memory_space<hbm>> -> memref<32x1024xf32, #tpu.memory_space<hbm>>
      %dma_start3A_145 = arith.constant 0 : i32
      %dma_start3A_146 = tpu.memref_slice %arg4[%add3A_95, %dma_start3A_145] : memref<8192x1024xf32, #tpu.memory_space<hbm>> -> memref<32x1024xf32, #tpu.memory_space<hbm>>
      tpu.enqueue_dma source(%arg6 : memref<32x1024xf32, #tpu.memory_space<vmem>>) target(%dma_start3A_146 : memref<32x1024xf32, #tpu.memory_space<hbm>>) target_semaphore(%run_scoped3A : memref<!tpu.dma_semaphore, #tpu.memory_space<semaphore_mem>>)
      %dma_wait3A_147 = arith.constant 0 : i32
      %dma_wait3A_148 = tpu.memref_slice %arg4[%add3A_95, %dma_wait3A_147] : memref<8192x1024xf32, #tpu.memory_space<hbm>> -> memref<32x1024xf32, #tpu.memory_space<hbm>>
      %dma_wait3A_149 = arith.constant 0 : i32
      %dma_wait3A_150 = tpu.memref_slice %arg4[%add3A_95, %dma_wait3A_149] : memref<8192x1024xf32, #tpu.memory_space<hbm>> -> memref<32x1024xf32, #tpu.memory_space<hbm>>
      tpu.wait_dma2 semaphore(%run_scoped3A : memref<!tpu.dma_semaphore, #tpu.memory_space<semaphore_mem>>) src(%arg6 : memref<32x1024xf32, #tpu.memory_space<vmem>>) dst(%dma_wait3A_150 : memref<32x1024xf32, #tpu.memory_space<hbm>>)
      tpu.yield
    }) : () -> ()
    %dma_start3A_96 = arith.constant 6 : i32
    %dma_start3A_97 = arith.constant 0 : i32
    %dma_start3A_98 = tpu.memref_slice %arg5[%dma_start3A_96, %dma_start3A_97] : memref<8x32xi32, #tpu.memory_space<vmem>> -> memref<1x32xi32, #tpu.memory_space<vmem>>
    %dma_start3A_99 = tpu.memref_squeeze %dma_start3A_98 : memref<1x32xi32, #tpu.memory_space<vmem>> -> memref<32xi32, #tpu.memory_space<vmem>>
    %dma_start3A_100 = arith.constant 0 : i32
    %dma_start3A_101 = arith.constant 0 : i32
    %dma_start3A_102 = tpu.memref_slice %arg2[%dma_start3A_100, %dma_start3A_101] : memref<12288x1024xf32, #tpu.memory_space<hbm>> -> memref<12288x1024xf32, #tpu.memory_space<hbm>>
    tpu.enqueue_indirect_dma source(%dma_start3A_102 : memref<12288x1024xf32, #tpu.memory_space<hbm>>) target(%arg6 : memref<32x1024xf32, #tpu.memory_space<vmem>>) offsets(%dma_start3A_99 : memref<32xi32, #tpu.memory_space<vmem>>) semaphore(%arg8 : memref<!tpu.dma_semaphore, #tpu.memory_space<semaphore_mem>>)
    %dma_wait3A_103 = arith.constant 5 : i32
    %dma_wait3A_104 = arith.constant 0 : i32
    %dma_wait3A_105 = tpu.memref_slice %arg5[%dma_wait3A_103, %dma_wait3A_104] : memref<8x32xi32, #tpu.memory_space<vmem>> -> memref<1x32xi32, #tpu.memory_space<vmem>>
    %dma_wait3A_106 = tpu.memref_squeeze %dma_wait3A_105 : memref<1x32xi32, #tpu.memory_space<vmem>> -> memref<32xi32, #tpu.memory_space<vmem>>
    %dma_wait3A_107 = arith.constant 0 : i32
    %dma_wait3A_108 = arith.constant 0 : i32
    %dma_wait3A_109 = tpu.memref_slice %arg2[%dma_wait3A_107, %dma_wait3A_108] : memref<12288x1024xf32, #tpu.memory_space<hbm>> -> memref<12288x1024xf32, #tpu.memory_space<hbm>>
    tpu.wait_indirect_dma semaphore(%arg9 : memref<!tpu.dma_semaphore, #tpu.memory_space<semaphore_mem>>) src(%dma_wait3A_109 : memref<12288x1024xf32, #tpu.memory_space<hbm>>) dst(%arg7 : memref<32x1024xf32, #tpu.memory_space<vmem>>)
    %mul3A_110 = arith.constant 256 : i32
    %mul3A_111 = arith.muli %add3A, %mul3A_110 : i32
    %add3A_112 = arith.constant 160 : i32
    %add3A_113 = arith.addi %mul3A_111, %add3A_112 : i32
    "tpu.region"() ({
      %run_scoped3A = tpu.sem_alloc : memref<!tpu.dma_semaphore, #tpu.memory_space<semaphore_mem>>
      %dma_start3A_143 = arith.constant 0 : i32
      %dma_start3A_144 = tpu.memref_slice %arg4[%add3A_113, %dma_start3A_143] : memref<8192x1024xf32, #tpu.memory_space<hbm>> -> memref<32x1024xf32, #tpu.memory_space<hbm>>
      %dma_start3A_145 = arith.constant 0 : i32
      %dma_start3A_146 = tpu.memref_slice %arg4[%add3A_113, %dma_start3A_145] : memref<8192x1024xf32, #tpu.memory_space<hbm>> -> memref<32x1024xf32, #tpu.memory_space<hbm>>
      tpu.enqueue_dma source(%arg7 : memref<32x1024xf32, #tpu.memory_space<vmem>>) target(%dma_start3A_146 : memref<32x1024xf32, #tpu.memory_space<hbm>>) target_semaphore(%run_scoped3A : memref<!tpu.dma_semaphore, #tpu.memory_space<semaphore_mem>>)
      %dma_wait3A_147 = arith.constant 0 : i32
      %dma_wait3A_148 = tpu.memref_slice %arg4[%add3A_113, %dma_wait3A_147] : memref<8192x1024xf32, #tpu.memory_space<hbm>> -> memref<32x1024xf32, #tpu.memory_space<hbm>>
      %dma_wait3A_149 = arith.constant 0 : i32
      %dma_wait3A_150 = tpu.memref_slice %arg4[%add3A_113, %dma_wait3A_149] : memref<8192x1024xf32, #tpu.memory_space<hbm>> -> memref<32x1024xf32, #tpu.memory_space<hbm>>
      tpu.wait_dma2 semaphore(%run_scoped3A : memref<!tpu.dma_semaphore, #tpu.memory_space<semaphore_mem>>) src(%arg7 : memref<32x1024xf32, #tpu.memory_space<vmem>>) dst(%dma_wait3A_150 : memref<32x1024xf32, #tpu.memory_space<hbm>>)
      tpu.yield
    }) : () -> ()
    %dma_start3A_114 = arith.constant 7 : i32
    %dma_start3A_115 = arith.constant 0 : i32
    %dma_start3A_116 = tpu.memref_slice %arg5[%dma_start3A_114, %dma_start3A_115] : memref<8x32xi32, #tpu.memory_space<vmem>> -> memref<1x32xi32, #tpu.memory_space<vmem>>
    %dma_start3A_117 = tpu.memref_squeeze %dma_start3A_116 : memref<1x32xi32, #tpu.memory_space<vmem>> -> memref<32xi32, #tpu.memory_space<vmem>>
    %dma_start3A_118 = arith.constant 0 : i32
    %dma_start3A_119 = arith.constant 0 : i32
    %dma_start3A_120 = tpu.memref_slice %arg2[%dma_start3A_118, %dma_start3A_119] : memref<12288x1024xf32, #tpu.memory_space<hbm>> -> memref<12288x1024xf32, #tpu.memory_space<hbm>>
    tpu.enqueue_indirect_dma source(%dma_start3A_120 : memref<12288x1024xf32, #tpu.memory_space<hbm>>) target(%arg7 : memref<32x1024xf32, #tpu.memory_space<vmem>>) offsets(%dma_start3A_117 : memref<32xi32, #tpu.memory_space<vmem>>) semaphore(%arg9 : memref<!tpu.dma_semaphore, #tpu.memory_space<semaphore_mem>>)
    %dma_wait3A_121 = arith.constant 6 : i32
    %dma_wait3A_122 = arith.constant 0 : i32
    %dma_wait3A_123 = tpu.memref_slice %arg5[%dma_wait3A_121, %dma_wait3A_122] : memref<8x32xi32, #tpu.memory_space<vmem>> -> memref<1x32xi32, #tpu.memory_space<vmem>>
    %dma_wait3A_124 = tpu.memref_squeeze %dma_wait3A_123 : memref<1x32xi32, #tpu.memory_space<vmem>> -> memref<32xi32, #tpu.memory_space<vmem>>
    %dma_wait3A_125 = arith.constant 0 : i32
    %dma_wait3A_126 = arith.constant 0 : i32
    %dma_wait3A_127 = tpu.memref_slice %arg2[%dma_wait3A_125, %dma_wait3A_126] : memref<12288x1024xf32, #tpu.memory_space<hbm>> -> memref<12288x1024xf32, #tpu.memory_space<hbm>>
    tpu.wait_indirect_dma semaphore(%arg8 : memref<!tpu.dma_semaphore, #tpu.memory_space<semaphore_mem>>) src(%dma_wait3A_127 : memref<12288x1024xf32, #tpu.memory_space<hbm>>) dst(%arg6 : memref<32x1024xf32, #tpu.memory_space<vmem>>)
    %mul3A_128 = arith.constant 256 : i32
    %mul3A_129 = arith.muli %add3A, %mul3A_128 : i32
    %add3A_130 = arith.constant 192 : i32
    %add3A_131 = arith.addi %mul3A_129, %add3A_130 : i32
    "tpu.region"() ({
      %run_scoped3A = tpu.sem_alloc : memref<!tpu.dma_semaphore, #tpu.memory_space<semaphore_mem>>
      %dma_start3A_143 = arith.constant 0 : i32
      %dma_start3A_144 = tpu.memref_slice %arg4[%add3A_131, %dma_start3A_143] : memref<8192x1024xf32, #tpu.memory_space<hbm>> -> memref<32x1024xf32, #tpu.memory_space<hbm>>
      %dma_start3A_145 = arith.constant 0 : i32
      %dma_start3A_146 = tpu.memref_slice %arg4[%add3A_131, %dma_start3A_145] : memref<8192x1024xf32, #tpu.memory_space<hbm>> -> memref<32x1024xf32, #tpu.memory_space<hbm>>
      tpu.enqueue_dma source(%arg6 : memref<32x1024xf32, #tpu.memory_space<vmem>>) target(%dma_start3A_146 : memref<32x1024xf32, #tpu.memory_space<hbm>>) target_semaphore(%run_scoped3A : memref<!tpu.dma_semaphore, #tpu.memory_space<semaphore_mem>>)
      %dma_wait3A_147 = arith.constant 0 : i32
      %dma_wait3A_148 = tpu.memref_slice %arg4[%add3A_131, %dma_wait3A_147] : memref<8192x1024xf32, #tpu.memory_space<hbm>> -> memref<32x1024xf32, #tpu.memory_space<hbm>>
      %dma_wait3A_149 = arith.constant 0 : i32
      %dma_wait3A_150 = tpu.memref_slice %arg4[%add3A_131, %dma_wait3A_149] : memref<8192x1024xf32, #tpu.memory_space<hbm>> -> memref<32x1024xf32, #tpu.memory_space<hbm>>
      tpu.wait_dma2 semaphore(%run_scoped3A : memref<!tpu.dma_semaphore, #tpu.memory_space<semaphore_mem>>) src(%arg6 : memref<32x1024xf32, #tpu.memory_space<vmem>>) dst(%dma_wait3A_150 : memref<32x1024xf32, #tpu.memory_space<hbm>>)
      tpu.yield
    }) : () -> ()
    %dma_wait3A_132 = arith.constant 7 : i32
    %dma_wait3A_133 = arith.constant 0 : i32
    %dma_wait3A_134 = tpu.memref_slice %arg5[%dma_wait3A_132, %dma_wait3A_133] : memref<8x32xi32, #tpu.memory_space<vmem>> -> memref<1x32xi32, #tpu.memory_space<vmem>>
    %dma_wait3A_135 = tpu.memref_squeeze %dma_wait3A_134 : memref<1x32xi32, #tpu.memory_space<vmem>> -> memref<32xi32, #tpu.memory_space<vmem>>
    %dma_wait3A_136 = arith.constant 0 : i32
    %dma_wait3A_137 = arith.constant 0 : i32
    %dma_wait3A_138 = tpu.memref_slice %arg2[%dma_wait3A_136, %dma_wait3A_137] : memref<12288x1024xf32, #tpu.memory_space<hbm>> -> memref<12288x1024xf32, #tpu.memory_space<hbm>>
    tpu.wait_indirect_dma semaphore(%arg9 : memref<!tpu.dma_semaphore, #tpu.memory_space<semaphore_mem>>) src(%dma_wait3A_138 : memref<12288x1024xf32, #tpu.memory_space<hbm>>) dst(%arg7 : memref<32x1024xf32, #tpu.memory_space<vmem>>)
    %mul3A_139 = arith.constant 256 : i32
    %mul3A_140 = arith.muli %add3A, %mul3A_139 : i32
    %add3A_141 = arith.constant 224 : i32
    %add3A_142 = arith.addi %mul3A_140, %add3A_141 : i32
    "tpu.region"() ({
      %run_scoped3A = tpu.sem_alloc : memref<!tpu.dma_semaphore, #tpu.memory_space<semaphore_mem>>
      %dma_start3A_143 = arith.constant 0 : i32
      %dma_start3A_144 = tpu.memref_slice %arg4[%add3A_142, %dma_start3A_143] : memref<8192x1024xf32, #tpu.memory_space<hbm>> -> memref<32x1024xf32, #tpu.memory_space<hbm>>
      %dma_start3A_145 = arith.constant 0 : i32
      %dma_start3A_146 = tpu.memref_slice %arg4[%add3A_142, %dma_start3A_145] : memref<8192x1024xf32, #tpu.memory_space<hbm>> -> memref<32x1024xf32, #tpu.memory_space<hbm>>
      tpu.enqueue_dma source(%arg7 : memref<32x1024xf32, #tpu.memory_space<vmem>>) target(%dma_start3A_146 : memref<32x1024xf32, #tpu.memory_space<hbm>>) target_semaphore(%run_scoped3A : memref<!tpu.dma_semaphore, #tpu.memory_space<semaphore_mem>>)
      %dma_wait3A_147 = arith.constant 0 : i32
      %dma_wait3A_148 = tpu.memref_slice %arg4[%add3A_142, %dma_wait3A_147] : memref<8192x1024xf32, #tpu.memory_space<hbm>> -> memref<32x1024xf32, #tpu.memory_space<hbm>>
      %dma_wait3A_149 = arith.constant 0 : i32
      %dma_wait3A_150 = tpu.memref_slice %arg4[%add3A_142, %dma_wait3A_149] : memref<8192x1024xf32, #tpu.memory_space<hbm>> -> memref<32x1024xf32, #tpu.memory_space<hbm>>
      tpu.wait_dma2 semaphore(%run_scoped3A : memref<!tpu.dma_semaphore, #tpu.memory_space<semaphore_mem>>) src(%arg7 : memref<32x1024xf32, #tpu.memory_space<vmem>>) dst(%dma_wait3A_150 : memref<32x1024xf32, #tpu.memory_space<hbm>>)
      tpu.yield
    }) : () -> ()
    return
  }
}

#map = affine_map<(d0, d1) -> (0, 0)>
#map1 = affine_map<(d0, d1) -> (0, 0, 0)>
module attributes {stable_mosaic.version = 14 : i64} {
  func.func @_sc_scatter_body(%arg0: i32, %arg1: i32, %arg2: memref<4096x1024xf32, #tpu.memory_space<hbm>>, %arg3: memref<32x8x32xi32, #tpu.memory_space<hbm>>, %arg4: memref<12288x1024xf32, #tpu.memory_space<hbm>>, %arg5: memref<8x32xi32, #tpu.memory_space<vmem>>, %arg6: memref<32x1024xf32, #tpu.memory_space<vmem>>, %arg7: memref<32x1024xf32, #tpu.memory_space<vmem>>, %arg8: memref<!tpu.dma_semaphore, #tpu.memory_space<semaphore_mem>>, %arg9: memref<!tpu.dma_semaphore, #tpu.memory_space<semaphore_mem>>, %arg10: memref<!tpu.dma_semaphore, #tpu.memory_space<semaphore_mem>>) attributes {dimension_semantics = [#tpu.dimension_semantics<core_parallel>, #tpu.dimension_semantics<subcore_parallel>], iteration_bounds = array<i64: 2, 16>, scalar_prefetch = 0 : i64, scratch_operands = 6 : i64, tpu.core_type = #tpu.core_type<sc_vector_subcore>, window_params = [{transform_indices = #map}, {transform_indices = #map1}, {transform_indices = #map}]} {
    %mul3A = arith.constant 2 : i32
    %mul3A_0 = arith.muli %arg1, %mul3A : i32
    %add3A = arith.addi %mul3A_0, %arg0 : i32
    "tpu.region"() ({
      %run_scoped3A = tpu.sem_alloc : memref<!tpu.dma_semaphore, #tpu.memory_space<semaphore_mem>>
      %dma_start3A_157 = arith.constant 0 : i32
      %dma_start3A_158 = arith.constant 0 : i32
      %dma_start3A_159 = tpu.memref_slice %arg3[%add3A, %dma_start3A_157, %dma_start3A_158] : memref<32x8x32xi32, #tpu.memory_space<hbm>> -> memref<1x8x32xi32, #tpu.memory_space<hbm>>
      %dma_start3A_160 = tpu.memref_squeeze %dma_start3A_159 : memref<1x8x32xi32, #tpu.memory_space<hbm>> -> memref<8x32xi32, #tpu.memory_space<hbm>>
      %dma_start3A_161 = arith.constant 0 : i32
      %dma_start3A_162 = arith.constant 0 : i32
      %dma_start3A_163 = tpu.memref_slice %arg3[%add3A, %dma_start3A_161, %dma_start3A_162] : memref<32x8x32xi32, #tpu.memory_space<hbm>> -> memref<1x8x32xi32, #tpu.memory_space<hbm>>
      %dma_start3A_164 = tpu.memref_squeeze %dma_start3A_163 : memref<1x8x32xi32, #tpu.memory_space<hbm>> -> memref<8x32xi32, #tpu.memory_space<hbm>>
      tpu.enqueue_dma source(%dma_start3A_164 : memref<8x32xi32, #tpu.memory_space<hbm>>) target(%arg5 : memref<8x32xi32, #tpu.memory_space<vmem>>) target_semaphore(%run_scoped3A : memref<!tpu.dma_semaphore, #tpu.memory_space<semaphore_mem>>)
      %dma_wait3A_165 = arith.constant 0 : i32
      %dma_wait3A_166 = arith.constant 0 : i32
      %dma_wait3A_167 = tpu.memref_slice %arg3[%add3A, %dma_wait3A_165, %dma_wait3A_166] : memref<32x8x32xi32, #tpu.memory_space<hbm>> -> memref<1x8x32xi32, #tpu.memory_space<hbm>>
      %dma_wait3A_168 = tpu.memref_squeeze %dma_wait3A_167 : memref<1x8x32xi32, #tpu.memory_space<hbm>> -> memref<8x32xi32, #tpu.memory_space<hbm>>
      %dma_wait3A_169 = arith.constant 0 : i32
      %dma_wait3A_170 = arith.constant 0 : i32
      %dma_wait3A_171 = tpu.memref_slice %arg3[%add3A, %dma_wait3A_169, %dma_wait3A_170] : memref<32x8x32xi32, #tpu.memory_space<hbm>> -> memref<1x8x32xi32, #tpu.memory_space<hbm>>
      %dma_wait3A_172 = tpu.memref_squeeze %dma_wait3A_171 : memref<1x8x32xi32, #tpu.memory_space<hbm>> -> memref<8x32xi32, #tpu.memory_space<hbm>>
      tpu.wait_dma2 semaphore(%run_scoped3A : memref<!tpu.dma_semaphore, #tpu.memory_space<semaphore_mem>>) src(%dma_wait3A_172 : memref<8x32xi32, #tpu.memory_space<hbm>>) dst(%arg5 : memref<8x32xi32, #tpu.memory_space<vmem>>)
      tpu.yield
    }) : () -> ()
    %mul3A_1 = arith.constant 128 : i32
    %mul3A_2 = arith.muli %add3A, %mul3A_1 : i32
    %dma_start3A = arith.constant 0 : i32
    %dma_start3A_3 = tpu.memref_slice %arg2[%mul3A_2, %dma_start3A] : memref<4096x1024xf32, #tpu.memory_space<hbm>> -> memref<32x1024xf32, #tpu.memory_space<hbm>>
    %dma_start3A_4 = arith.constant 0 : i32
    %dma_start3A_5 = tpu.memref_slice %arg2[%mul3A_2, %dma_start3A_4] : memref<4096x1024xf32, #tpu.memory_space<hbm>> -> memref<32x1024xf32, #tpu.memory_space<hbm>>
    tpu.enqueue_dma source(%dma_start3A_5 : memref<32x1024xf32, #tpu.memory_space<hbm>>) target(%arg6 : memref<32x1024xf32, #tpu.memory_space<vmem>>) target_semaphore(%arg8 : memref<!tpu.dma_semaphore, #tpu.memory_space<semaphore_mem>>)
    %mul3A_6 = arith.constant 128 : i32
    %mul3A_7 = arith.muli %add3A, %mul3A_6 : i32
    %add3A_8 = arith.constant 32 : i32
    %add3A_9 = arith.addi %mul3A_7, %add3A_8 : i32
    %dma_start3A_10 = arith.constant 0 : i32
    %dma_start3A_11 = tpu.memref_slice %arg2[%add3A_9, %dma_start3A_10] : memref<4096x1024xf32, #tpu.memory_space<hbm>> -> memref<32x1024xf32, #tpu.memory_space<hbm>>
    %dma_start3A_12 = arith.constant 0 : i32
    %dma_start3A_13 = tpu.memref_slice %arg2[%add3A_9, %dma_start3A_12] : memref<4096x1024xf32, #tpu.memory_space<hbm>> -> memref<32x1024xf32, #tpu.memory_space<hbm>>
    tpu.enqueue_dma source(%dma_start3A_13 : memref<32x1024xf32, #tpu.memory_space<hbm>>) target(%arg7 : memref<32x1024xf32, #tpu.memory_space<vmem>>) target_semaphore(%arg9 : memref<!tpu.dma_semaphore, #tpu.memory_space<semaphore_mem>>)
    %dma_wait3A = arith.constant 0 : i32
    %dma_wait3A_14 = tpu.memref_slice %arg2[%mul3A_2, %dma_wait3A] : memref<4096x1024xf32, #tpu.memory_space<hbm>> -> memref<32x1024xf32, #tpu.memory_space<hbm>>
    %dma_wait3A_15 = arith.constant 0 : i32
    %dma_wait3A_16 = tpu.memref_slice %arg2[%mul3A_2, %dma_wait3A_15] : memref<4096x1024xf32, #tpu.memory_space<hbm>> -> memref<32x1024xf32, #tpu.memory_space<hbm>>
    tpu.wait_dma2 semaphore(%arg8 : memref<!tpu.dma_semaphore, #tpu.memory_space<semaphore_mem>>) src(%dma_wait3A_16 : memref<32x1024xf32, #tpu.memory_space<hbm>>) dst(%arg6 : memref<32x1024xf32, #tpu.memory_space<vmem>>)
    %dma_start3A_17 = arith.constant 0 : i32
    %dma_start3A_18 = arith.constant 0 : i32
    %dma_start3A_19 = tpu.memref_slice %arg5[%dma_start3A_17, %dma_start3A_18] : memref<8x32xi32, #tpu.memory_space<vmem>> -> memref<1x32xi32, #tpu.memory_space<vmem>>
    %dma_start3A_20 = tpu.memref_squeeze %dma_start3A_19 : memref<1x32xi32, #tpu.memory_space<vmem>> -> memref<32xi32, #tpu.memory_space<vmem>>
    %dma_start3A_21 = arith.constant 0 : i32
    %dma_start3A_22 = arith.constant 0 : i32
    %dma_start3A_23 = tpu.memref_slice %arg4[%dma_start3A_21, %dma_start3A_22] : memref<12288x1024xf32, #tpu.memory_space<hbm>> -> memref<12288x1024xf32, #tpu.memory_space<hbm>>
    tpu.enqueue_indirect_dma source(%arg6 : memref<32x1024xf32, #tpu.memory_space<vmem>>) target(%dma_start3A_23 : memref<12288x1024xf32, #tpu.memory_space<hbm>>) offsets(%dma_start3A_20 : memref<32xi32, #tpu.memory_space<vmem>>) semaphore(%arg10 : memref<!tpu.dma_semaphore, #tpu.memory_space<semaphore_mem>>)
    %dma_start3A_24 = arith.constant 1 : i32
    %dma_start3A_25 = arith.constant 0 : i32
    %dma_start3A_26 = tpu.memref_slice %arg5[%dma_start3A_24, %dma_start3A_25] : memref<8x32xi32, #tpu.memory_space<vmem>> -> memref<1x32xi32, #tpu.memory_space<vmem>>
    %dma_start3A_27 = tpu.memref_squeeze %dma_start3A_26 : memref<1x32xi32, #tpu.memory_space<vmem>> -> memref<32xi32, #tpu.memory_space<vmem>>
    %dma_start3A_28 = arith.constant 0 : i32
    %dma_start3A_29 = arith.constant 0 : i32
    %dma_start3A_30 = tpu.memref_slice %arg4[%dma_start3A_28, %dma_start3A_29] : memref<12288x1024xf32, #tpu.memory_space<hbm>> -> memref<12288x1024xf32, #tpu.memory_space<hbm>>
    tpu.enqueue_indirect_dma source(%arg6 : memref<32x1024xf32, #tpu.memory_space<vmem>>) target(%dma_start3A_30 : memref<12288x1024xf32, #tpu.memory_space<hbm>>) offsets(%dma_start3A_27 : memref<32xi32, #tpu.memory_space<vmem>>) semaphore(%arg10 : memref<!tpu.dma_semaphore, #tpu.memory_space<semaphore_mem>>)
    %dma_wait3A_31 = arith.constant 0 : i32
    %dma_wait3A_32 = arith.constant 0 : i32
    %dma_wait3A_33 = tpu.memref_slice %arg5[%dma_wait3A_31, %dma_wait3A_32] : memref<8x32xi32, #tpu.memory_space<vmem>> -> memref<1x32xi32, #tpu.memory_space<vmem>>
    %dma_wait3A_34 = tpu.memref_squeeze %dma_wait3A_33 : memref<1x32xi32, #tpu.memory_space<vmem>> -> memref<32xi32, #tpu.memory_space<vmem>>
    %dma_wait3A_35 = arith.constant 0 : i32
    %dma_wait3A_36 = arith.constant 0 : i32
    %dma_wait3A_37 = tpu.memref_slice %arg4[%dma_wait3A_35, %dma_wait3A_36] : memref<12288x1024xf32, #tpu.memory_space<hbm>> -> memref<12288x1024xf32, #tpu.memory_space<hbm>>
    tpu.wait_indirect_dma semaphore(%arg10 : memref<!tpu.dma_semaphore, #tpu.memory_space<semaphore_mem>>) src(%arg6 : memref<32x1024xf32, #tpu.memory_space<vmem>>) dst(%dma_wait3A_37 : memref<12288x1024xf32, #tpu.memory_space<hbm>>)
    %dma_wait3A_38 = arith.constant 1 : i32
    %dma_wait3A_39 = arith.constant 0 : i32
    %dma_wait3A_40 = tpu.memref_slice %arg5[%dma_wait3A_38, %dma_wait3A_39] : memref<8x32xi32, #tpu.memory_space<vmem>> -> memref<1x32xi32, #tpu.memory_space<vmem>>
    %dma_wait3A_41 = tpu.memref_squeeze %dma_wait3A_40 : memref<1x32xi32, #tpu.memory_space<vmem>> -> memref<32xi32, #tpu.memory_space<vmem>>
    %dma_wait3A_42 = arith.constant 0 : i32
    %dma_wait3A_43 = arith.constant 0 : i32
    %dma_wait3A_44 = tpu.memref_slice %arg4[%dma_wait3A_42, %dma_wait3A_43] : memref<12288x1024xf32, #tpu.memory_space<hbm>> -> memref<12288x1024xf32, #tpu.memory_space<hbm>>
    tpu.wait_indirect_dma semaphore(%arg10 : memref<!tpu.dma_semaphore, #tpu.memory_space<semaphore_mem>>) src(%arg6 : memref<32x1024xf32, #tpu.memory_space<vmem>>) dst(%dma_wait3A_44 : memref<12288x1024xf32, #tpu.memory_space<hbm>>)
    %mul3A_45 = arith.constant 128 : i32
    %mul3A_46 = arith.muli %add3A, %mul3A_45 : i32
    %add3A_47 = arith.constant 64 : i32
    %add3A_48 = arith.addi %mul3A_46, %add3A_47 : i32
    %dma_start3A_49 = arith.constant 0 : i32
    %dma_start3A_50 = tpu.memref_slice %arg2[%add3A_48, %dma_start3A_49] : memref<4096x1024xf32, #tpu.memory_space<hbm>> -> memref<32x1024xf32, #tpu.memory_space<hbm>>
    %dma_start3A_51 = arith.constant 0 : i32
    %dma_start3A_52 = tpu.memref_slice %arg2[%add3A_48, %dma_start3A_51] : memref<4096x1024xf32, #tpu.memory_space<hbm>> -> memref<32x1024xf32, #tpu.memory_space<hbm>>
    tpu.enqueue_dma source(%dma_start3A_52 : memref<32x1024xf32, #tpu.memory_space<hbm>>) target(%arg6 : memref<32x1024xf32, #tpu.memory_space<vmem>>) target_semaphore(%arg8 : memref<!tpu.dma_semaphore, #tpu.memory_space<semaphore_mem>>)
    %dma_wait3A_53 = arith.constant 0 : i32
    %dma_wait3A_54 = tpu.memref_slice %arg2[%add3A_9, %dma_wait3A_53] : memref<4096x1024xf32, #tpu.memory_space<hbm>> -> memref<32x1024xf32, #tpu.memory_space<hbm>>
    %dma_wait3A_55 = arith.constant 0 : i32
    %dma_wait3A_56 = tpu.memref_slice %arg2[%add3A_9, %dma_wait3A_55] : memref<4096x1024xf32, #tpu.memory_space<hbm>> -> memref<32x1024xf32, #tpu.memory_space<hbm>>
    tpu.wait_dma2 semaphore(%arg9 : memref<!tpu.dma_semaphore, #tpu.memory_space<semaphore_mem>>) src(%dma_wait3A_56 : memref<32x1024xf32, #tpu.memory_space<hbm>>) dst(%arg7 : memref<32x1024xf32, #tpu.memory_space<vmem>>)
    %dma_start3A_57 = arith.constant 2 : i32
    %dma_start3A_58 = arith.constant 0 : i32
    %dma_start3A_59 = tpu.memref_slice %arg5[%dma_start3A_57, %dma_start3A_58] : memref<8x32xi32, #tpu.memory_space<vmem>> -> memref<1x32xi32, #tpu.memory_space<vmem>>
    %dma_start3A_60 = tpu.memref_squeeze %dma_start3A_59 : memref<1x32xi32, #tpu.memory_space<vmem>> -> memref<32xi32, #tpu.memory_space<vmem>>
    %dma_start3A_61 = arith.constant 0 : i32
    %dma_start3A_62 = arith.constant 0 : i32
    %dma_start3A_63 = tpu.memref_slice %arg4[%dma_start3A_61, %dma_start3A_62] : memref<12288x1024xf32, #tpu.memory_space<hbm>> -> memref<12288x1024xf32, #tpu.memory_space<hbm>>
    tpu.enqueue_indirect_dma source(%arg7 : memref<32x1024xf32, #tpu.memory_space<vmem>>) target(%dma_start3A_63 : memref<12288x1024xf32, #tpu.memory_space<hbm>>) offsets(%dma_start3A_60 : memref<32xi32, #tpu.memory_space<vmem>>) semaphore(%arg10 : memref<!tpu.dma_semaphore, #tpu.memory_space<semaphore_mem>>)
    %dma_start3A_64 = arith.constant 3 : i32
    %dma_start3A_65 = arith.constant 0 : i32
    %dma_start3A_66 = tpu.memref_slice %arg5[%dma_start3A_64, %dma_start3A_65] : memref<8x32xi32, #tpu.memory_space<vmem>> -> memref<1x32xi32, #tpu.memory_space<vmem>>
    %dma_start3A_67 = tpu.memref_squeeze %dma_start3A_66 : memref<1x32xi32, #tpu.memory_space<vmem>> -> memref<32xi32, #tpu.memory_space<vmem>>
    %dma_start3A_68 = arith.constant 0 : i32
    %dma_start3A_69 = arith.constant 0 : i32
    %dma_start3A_70 = tpu.memref_slice %arg4[%dma_start3A_68, %dma_start3A_69] : memref<12288x1024xf32, #tpu.memory_space<hbm>> -> memref<12288x1024xf32, #tpu.memory_space<hbm>>
    tpu.enqueue_indirect_dma source(%arg7 : memref<32x1024xf32, #tpu.memory_space<vmem>>) target(%dma_start3A_70 : memref<12288x1024xf32, #tpu.memory_space<hbm>>) offsets(%dma_start3A_67 : memref<32xi32, #tpu.memory_space<vmem>>) semaphore(%arg10 : memref<!tpu.dma_semaphore, #tpu.memory_space<semaphore_mem>>)
    %dma_wait3A_71 = arith.constant 2 : i32
    %dma_wait3A_72 = arith.constant 0 : i32
    %dma_wait3A_73 = tpu.memref_slice %arg5[%dma_wait3A_71, %dma_wait3A_72] : memref<8x32xi32, #tpu.memory_space<vmem>> -> memref<1x32xi32, #tpu.memory_space<vmem>>
    %dma_wait3A_74 = tpu.memref_squeeze %dma_wait3A_73 : memref<1x32xi32, #tpu.memory_space<vmem>> -> memref<32xi32, #tpu.memory_space<vmem>>
    %dma_wait3A_75 = arith.constant 0 : i32
    %dma_wait3A_76 = arith.constant 0 : i32
    %dma_wait3A_77 = tpu.memref_slice %arg4[%dma_wait3A_75, %dma_wait3A_76] : memref<12288x1024xf32, #tpu.memory_space<hbm>> -> memref<12288x1024xf32, #tpu.memory_space<hbm>>
    tpu.wait_indirect_dma semaphore(%arg10 : memref<!tpu.dma_semaphore, #tpu.memory_space<semaphore_mem>>) src(%arg7 : memref<32x1024xf32, #tpu.memory_space<vmem>>) dst(%dma_wait3A_77 : memref<12288x1024xf32, #tpu.memory_space<hbm>>)
    %dma_wait3A_78 = arith.constant 3 : i32
    %dma_wait3A_79 = arith.constant 0 : i32
    %dma_wait3A_80 = tpu.memref_slice %arg5[%dma_wait3A_78, %dma_wait3A_79] : memref<8x32xi32, #tpu.memory_space<vmem>> -> memref<1x32xi32, #tpu.memory_space<vmem>>
    %dma_wait3A_81 = tpu.memref_squeeze %dma_wait3A_80 : memref<1x32xi32, #tpu.memory_space<vmem>> -> memref<32xi32, #tpu.memory_space<vmem>>
    %dma_wait3A_82 = arith.constant 0 : i32
    %dma_wait3A_83 = arith.constant 0 : i32
    %dma_wait3A_84 = tpu.memref_slice %arg4[%dma_wait3A_82, %dma_wait3A_83] : memref<12288x1024xf32, #tpu.memory_space<hbm>> -> memref<12288x1024xf32, #tpu.memory_space<hbm>>
    tpu.wait_indirect_dma semaphore(%arg10 : memref<!tpu.dma_semaphore, #tpu.memory_space<semaphore_mem>>) src(%arg7 : memref<32x1024xf32, #tpu.memory_space<vmem>>) dst(%dma_wait3A_84 : memref<12288x1024xf32, #tpu.memory_space<hbm>>)
    %mul3A_85 = arith.constant 128 : i32
    %mul3A_86 = arith.muli %add3A, %mul3A_85 : i32
    %add3A_87 = arith.constant 96 : i32
    %add3A_88 = arith.addi %mul3A_86, %add3A_87 : i32
    %dma_start3A_89 = arith.constant 0 : i32
    %dma_start3A_90 = tpu.memref_slice %arg2[%add3A_88, %dma_start3A_89] : memref<4096x1024xf32, #tpu.memory_space<hbm>> -> memref<32x1024xf32, #tpu.memory_space<hbm>>
    %dma_start3A_91 = arith.constant 0 : i32
    %dma_start3A_92 = tpu.memref_slice %arg2[%add3A_88, %dma_start3A_91] : memref<4096x1024xf32, #tpu.memory_space<hbm>> -> memref<32x1024xf32, #tpu.memory_space<hbm>>
    tpu.enqueue_dma source(%dma_start3A_92 : memref<32x1024xf32, #tpu.memory_space<hbm>>) target(%arg7 : memref<32x1024xf32, #tpu.memory_space<vmem>>) target_semaphore(%arg9 : memref<!tpu.dma_semaphore, #tpu.memory_space<semaphore_mem>>)
    %dma_wait3A_93 = arith.constant 0 : i32
    %dma_wait3A_94 = tpu.memref_slice %arg2[%add3A_48, %dma_wait3A_93] : memref<4096x1024xf32, #tpu.memory_space<hbm>> -> memref<32x1024xf32, #tpu.memory_space<hbm>>
    %dma_wait3A_95 = arith.constant 0 : i32
    %dma_wait3A_96 = tpu.memref_slice %arg2[%add3A_48, %dma_wait3A_95] : memref<4096x1024xf32, #tpu.memory_space<hbm>> -> memref<32x1024xf32, #tpu.memory_space<hbm>>
    tpu.wait_dma2 semaphore(%arg8 : memref<!tpu.dma_semaphore, #tpu.memory_space<semaphore_mem>>) src(%dma_wait3A_96 : memref<32x1024xf32, #tpu.memory_space<hbm>>) dst(%arg6 : memref<32x1024xf32, #tpu.memory_space<vmem>>)
    %dma_start3A_97 = arith.constant 4 : i32
    %dma_start3A_98 = arith.constant 0 : i32
    %dma_start3A_99 = tpu.memref_slice %arg5[%dma_start3A_97, %dma_start3A_98] : memref<8x32xi32, #tpu.memory_space<vmem>> -> memref<1x32xi32, #tpu.memory_space<vmem>>
    %dma_start3A_100 = tpu.memref_squeeze %dma_start3A_99 : memref<1x32xi32, #tpu.memory_space<vmem>> -> memref<32xi32, #tpu.memory_space<vmem>>
    %dma_start3A_101 = arith.constant 0 : i32
    %dma_start3A_102 = arith.constant 0 : i32
    %dma_start3A_103 = tpu.memref_slice %arg4[%dma_start3A_101, %dma_start3A_102] : memref<12288x1024xf32, #tpu.memory_space<hbm>> -> memref<12288x1024xf32, #tpu.memory_space<hbm>>
    tpu.enqueue_indirect_dma source(%arg6 : memref<32x1024xf32, #tpu.memory_space<vmem>>) target(%dma_start3A_103 : memref<12288x1024xf32, #tpu.memory_space<hbm>>) offsets(%dma_start3A_100 : memref<32xi32, #tpu.memory_space<vmem>>) semaphore(%arg10 : memref<!tpu.dma_semaphore, #tpu.memory_space<semaphore_mem>>)
    %dma_start3A_104 = arith.constant 5 : i32
    %dma_start3A_105 = arith.constant 0 : i32
    %dma_start3A_106 = tpu.memref_slice %arg5[%dma_start3A_104, %dma_start3A_105] : memref<8x32xi32, #tpu.memory_space<vmem>> -> memref<1x32xi32, #tpu.memory_space<vmem>>
    %dma_start3A_107 = tpu.memref_squeeze %dma_start3A_106 : memref<1x32xi32, #tpu.memory_space<vmem>> -> memref<32xi32, #tpu.memory_space<vmem>>
    %dma_start3A_108 = arith.constant 0 : i32
    %dma_start3A_109 = arith.constant 0 : i32
    %dma_start3A_110 = tpu.memref_slice %arg4[%dma_start3A_108, %dma_start3A_109] : memref<12288x1024xf32, #tpu.memory_space<hbm>> -> memref<12288x1024xf32, #tpu.memory_space<hbm>>
    tpu.enqueue_indirect_dma source(%arg6 : memref<32x1024xf32, #tpu.memory_space<vmem>>) target(%dma_start3A_110 : memref<12288x1024xf32, #tpu.memory_space<hbm>>) offsets(%dma_start3A_107 : memref<32xi32, #tpu.memory_space<vmem>>) semaphore(%arg10 : memref<!tpu.dma_semaphore, #tpu.memory_space<semaphore_mem>>)
    %dma_wait3A_111 = arith.constant 4 : i32
    %dma_wait3A_112 = arith.constant 0 : i32
    %dma_wait3A_113 = tpu.memref_slice %arg5[%dma_wait3A_111, %dma_wait3A_112] : memref<8x32xi32, #tpu.memory_space<vmem>> -> memref<1x32xi32, #tpu.memory_space<vmem>>
    %dma_wait3A_114 = tpu.memref_squeeze %dma_wait3A_113 : memref<1x32xi32, #tpu.memory_space<vmem>> -> memref<32xi32, #tpu.memory_space<vmem>>
    %dma_wait3A_115 = arith.constant 0 : i32
    %dma_wait3A_116 = arith.constant 0 : i32
    %dma_wait3A_117 = tpu.memref_slice %arg4[%dma_wait3A_115, %dma_wait3A_116] : memref<12288x1024xf32, #tpu.memory_space<hbm>> -> memref<12288x1024xf32, #tpu.memory_space<hbm>>
    tpu.wait_indirect_dma semaphore(%arg10 : memref<!tpu.dma_semaphore, #tpu.memory_space<semaphore_mem>>) src(%arg6 : memref<32x1024xf32, #tpu.memory_space<vmem>>) dst(%dma_wait3A_117 : memref<12288x1024xf32, #tpu.memory_space<hbm>>)
    %dma_wait3A_118 = arith.constant 5 : i32
    %dma_wait3A_119 = arith.constant 0 : i32
    %dma_wait3A_120 = tpu.memref_slice %arg5[%dma_wait3A_118, %dma_wait3A_119] : memref<8x32xi32, #tpu.memory_space<vmem>> -> memref<1x32xi32, #tpu.memory_space<vmem>>
    %dma_wait3A_121 = tpu.memref_squeeze %dma_wait3A_120 : memref<1x32xi32, #tpu.memory_space<vmem>> -> memref<32xi32, #tpu.memory_space<vmem>>
    %dma_wait3A_122 = arith.constant 0 : i32
    %dma_wait3A_123 = arith.constant 0 : i32
    %dma_wait3A_124 = tpu.memref_slice %arg4[%dma_wait3A_122, %dma_wait3A_123] : memref<12288x1024xf32, #tpu.memory_space<hbm>> -> memref<12288x1024xf32, #tpu.memory_space<hbm>>
    tpu.wait_indirect_dma semaphore(%arg10 : memref<!tpu.dma_semaphore, #tpu.memory_space<semaphore_mem>>) src(%arg6 : memref<32x1024xf32, #tpu.memory_space<vmem>>) dst(%dma_wait3A_124 : memref<12288x1024xf32, #tpu.memory_space<hbm>>)
    %dma_wait3A_125 = arith.constant 0 : i32
    %dma_wait3A_126 = tpu.memref_slice %arg2[%add3A_88, %dma_wait3A_125] : memref<4096x1024xf32, #tpu.memory_space<hbm>> -> memref<32x1024xf32, #tpu.memory_space<hbm>>
    %dma_wait3A_127 = arith.constant 0 : i32
    %dma_wait3A_128 = tpu.memref_slice %arg2[%add3A_88, %dma_wait3A_127] : memref<4096x1024xf32, #tpu.memory_space<hbm>> -> memref<32x1024xf32, #tpu.memory_space<hbm>>
    tpu.wait_dma2 semaphore(%arg9 : memref<!tpu.dma_semaphore, #tpu.memory_space<semaphore_mem>>) src(%dma_wait3A_128 : memref<32x1024xf32, #tpu.memory_space<hbm>>) dst(%arg7 : memref<32x1024xf32, #tpu.memory_space<vmem>>)
    %dma_start3A_129 = arith.constant 6 : i32
    %dma_start3A_130 = arith.constant 0 : i32
    %dma_start3A_131 = tpu.memref_slice %arg5[%dma_start3A_129, %dma_start3A_130] : memref<8x32xi32, #tpu.memory_space<vmem>> -> memref<1x32xi32, #tpu.memory_space<vmem>>
    %dma_start3A_132 = tpu.memref_squeeze %dma_start3A_131 : memref<1x32xi32, #tpu.memory_space<vmem>> -> memref<32xi32, #tpu.memory_space<vmem>>
    %dma_start3A_133 = arith.constant 0 : i32
    %dma_start3A_134 = arith.constant 0 : i32
    %dma_start3A_135 = tpu.memref_slice %arg4[%dma_start3A_133, %dma_start3A_134] : memref<12288x1024xf32, #tpu.memory_space<hbm>> -> memref<12288x1024xf32, #tpu.memory_space<hbm>>
    tpu.enqueue_indirect_dma source(%arg7 : memref<32x1024xf32, #tpu.memory_space<vmem>>) target(%dma_start3A_135 : memref<12288x1024xf32, #tpu.memory_space<hbm>>) offsets(%dma_start3A_132 : memref<32xi32, #tpu.memory_space<vmem>>) semaphore(%arg10 : memref<!tpu.dma_semaphore, #tpu.memory_space<semaphore_mem>>)
    %dma_start3A_136 = arith.constant 7 : i32
    %dma_start3A_137 = arith.constant 0 : i32
    %dma_start3A_138 = tpu.memref_slice %arg5[%dma_start3A_136, %dma_start3A_137] : memref<8x32xi32, #tpu.memory_space<vmem>> -> memref<1x32xi32, #tpu.memory_space<vmem>>
    %dma_start3A_139 = tpu.memref_squeeze %dma_start3A_138 : memref<1x32xi32, #tpu.memory_space<vmem>> -> memref<32xi32, #tpu.memory_space<vmem>>
    %dma_start3A_140 = arith.constant 0 : i32
    %dma_start3A_141 = arith.constant 0 : i32
    %dma_start3A_142 = tpu.memref_slice %arg4[%dma_start3A_140, %dma_start3A_141] : memref<12288x1024xf32, #tpu.memory_space<hbm>> -> memref<12288x1024xf32, #tpu.memory_space<hbm>>
    tpu.enqueue_indirect_dma source(%arg7 : memref<32x1024xf32, #tpu.memory_space<vmem>>) target(%dma_start3A_142 : memref<12288x1024xf32, #tpu.memory_space<hbm>>) offsets(%dma_start3A_139 : memref<32xi32, #tpu.memory_space<vmem>>) semaphore(%arg10 : memref<!tpu.dma_semaphore, #tpu.memory_space<semaphore_mem>>)
    %dma_wait3A_143 = arith.constant 6 : i32
    %dma_wait3A_144 = arith.constant 0 : i32
    %dma_wait3A_145 = tpu.memref_slice %arg5[%dma_wait3A_143, %dma_wait3A_144] : memref<8x32xi32, #tpu.memory_space<vmem>> -> memref<1x32xi32, #tpu.memory_space<vmem>>
    %dma_wait3A_146 = tpu.memref_squeeze %dma_wait3A_145 : memref<1x32xi32, #tpu.memory_space<vmem>> -> memref<32xi32, #tpu.memory_space<vmem>>
    %dma_wait3A_147 = arith.constant 0 : i32
    %dma_wait3A_148 = arith.constant 0 : i32
    %dma_wait3A_149 = tpu.memref_slice %arg4[%dma_wait3A_147, %dma_wait3A_148] : memref<12288x1024xf32, #tpu.memory_space<hbm>> -> memref<12288x1024xf32, #tpu.memory_space<hbm>>
    tpu.wait_indirect_dma semaphore(%arg10 : memref<!tpu.dma_semaphore, #tpu.memory_space<semaphore_mem>>) src(%arg7 : memref<32x1024xf32, #tpu.memory_space<vmem>>) dst(%dma_wait3A_149 : memref<12288x1024xf32, #tpu.memory_space<hbm>>)
    %dma_wait3A_150 = arith.constant 7 : i32
    %dma_wait3A_151 = arith.constant 0 : i32
    %dma_wait3A_152 = tpu.memref_slice %arg5[%dma_wait3A_150, %dma_wait3A_151] : memref<8x32xi32, #tpu.memory_space<vmem>> -> memref<1x32xi32, #tpu.memory_space<vmem>>
    %dma_wait3A_153 = tpu.memref_squeeze %dma_wait3A_152 : memref<1x32xi32, #tpu.memory_space<vmem>> -> memref<32xi32, #tpu.memory_space<vmem>>
    %dma_wait3A_154 = arith.constant 0 : i32
    %dma_wait3A_155 = arith.constant 0 : i32
    %dma_wait3A_156 = tpu.memref_slice %arg4[%dma_wait3A_154, %dma_wait3A_155] : memref<12288x1024xf32, #tpu.memory_space<hbm>> -> memref<12288x1024xf32, #tpu.memory_space<hbm>>
    tpu.wait_indirect_dma semaphore(%arg10 : memref<!tpu.dma_semaphore, #tpu.memory_space<semaphore_mem>>) src(%arg7 : memref<32x1024xf32, #tpu.memory_space<vmem>>) dst(%dma_wait3A_156 : memref<12288x1024xf32, #tpu.memory_space<hbm>>)
    return
  }
}

module attributes {stable_mosaic.version = 14 : i64} {
  func.func @_router_body(%arg0: i32, %arg1: memref<1024x1024xf32, #tpu.memory_space<vmem>>, %arg2: memref<1024x128xf32, #tpu.memory_space<vmem>>, %arg3: memref<1x128xf32, #tpu.memory_space<vmem>>, %arg4: memref<1024x16xf32, #tpu.memory_space<vmem>>, %arg5: memref<1024x16xi32, #tpu.memory_space<vmem>>) attributes {dimension_semantics = [#tpu.dimension_semantics<arbitrary>], iteration_bounds = array<i64: 4>, scalar_prefetch = 0 : i64, scratch_operands = 0 : i64, tpu.core_type = #tpu.core_type<tc>, window_params = [{transform_indices = @transform_0, window_bounds = array<i64: 1024, 1024>}, {pipeline_mode = #tpu.pipeline_mode<synchronous>, transform_indices = @transform_1, window_bounds = array<i64: 1024, 128>}, {pipeline_mode = #tpu.pipeline_mode<synchronous>, transform_indices = @transform_2, window_bounds = array<i64: 1, 128>}, {transform_indices = @transform_3, window_bounds = array<i64: 1024, 16>}, {transform_indices = @transform_4, window_bounds = array<i64: 1024, 16>}]} {
    %get3A = arith.constant 0 : index
    %get3A_0 = arith.constant 0 : index
    %get3A_1 = vector.load %arg1[%get3A, %get3A_0] : memref<1024x1024xf32, #tpu.memory_space<vmem>>, vector<1024x1024xf32>
    %get3A_2 = arith.constant 0 : index
    %get3A_3 = arith.constant 0 : index
    %get3A_4 = vector.load %arg2[%get3A_2, %get3A_3] : memref<1024x128xf32, #tpu.memory_space<vmem>>, vector<1024x128xf32>
    %dot_general3A = arith.constant dense<0.000000e+00> : vector<1024x128xf32>
    %dot_general3A_5 = tpu.matmul %get3A_1, %get3A_4, %dot_general3A {dimension_numbers = #tpu.dot_dimension_numbers<[1], [0], [0], [1], [0, 0, 1, 1], [], []>, transpose_lhs_hint = false} : vector<1024x1024xf32>, vector<1024x128xf32>, vector<1024x128xf32> -> vector<1024x128xf32>
    %get3A_6 = arith.constant 0 : index
    %get3A_7 = arith.constant 0 : index
    %get3A_8 = vector.load %arg3[%get3A_6, %get3A_7] : memref<1x128xf32, #tpu.memory_space<vmem>>, vector<1x128xf32>
    %add3A = vector.broadcast %get3A_8 : vector<1x128xf32> to vector<1024x128xf32>
    %add3A_9 = arith.addf %dot_general3A_5, %add3A : vector<1024x128xf32>
    %reduce_max3A = arith.constant dense<0xFF800000> : vector<1024xf32>
    %reduce_max3A_10 = vector.multi_reduction <maximumf>, %add3A_9, %reduce_max3A [1] : vector<1024x128xf32> to vector<1024xf32>
    %broadcast_in_dim3A = vector.shape_cast %reduce_max3A_10 : vector<1024xf32> to vector<1024x1xf32>
    %sub3A = vector.broadcast %broadcast_in_dim3A : vector<1024x1xf32> to vector<1024x128xf32>
    %sub3A_11 = arith.subf %add3A_9, %sub3A : vector<1024x128xf32>
    %exp3A = math.exp %sub3A_11 : vector<1024x128xf32>
    %reduce_sum3A = arith.constant dense<0.000000e+00> : vector<1024xf32>
    %reduce_sum3A_12 = vector.multi_reduction <add>, %exp3A, %reduce_sum3A [1] : vector<1024x128xf32> to vector<1024xf32>
    %broadcast_in_dim3A_13 = vector.shape_cast %reduce_sum3A_12 : vector<1024xf32> to vector<1024x1xf32>
    %div3A = vector.broadcast %broadcast_in_dim3A_13 : vector<1024x1xf32> to vector<1024x128xf32>
    %div3A_14 = arith.divf %exp3A, %div3A : vector<1024x128xf32>
    %iota3A = tpu.iota {dimensions = array<i32: 1>} : vector<1024x128xi32>
    %reduce_max3A_15 = arith.constant dense<0xFF800000> : vector<1024xf32>
    %reduce_max3A_16 = vector.multi_reduction <maximumf>, %div3A_14, %reduce_max3A_15 [1] : vector<1024x128xf32> to vector<1024xf32>
    %broadcast_in_dim3A_17 = vector.shape_cast %reduce_max3A_16 : vector<1024xf32> to vector<1024x1xf32>
    %eq3A = vector.broadcast %broadcast_in_dim3A_17 : vector<1024x1xf32> to vector<1024x128xf32>
    %eq3A_18 = arith.cmpf oeq, %div3A_14, %eq3A : vector<1024x128xf32>
    %jit3A = arith.constant 512 : i32
    %broadcast_in_dim3A_19 = vector.broadcast %jit3A : i32 to vector<1024x128xi32>
    %select_n3A = arith.select %eq3A_18, %iota3A, %broadcast_in_dim3A_19 : vector<1024x128xi1>, vector<1024x128xi32>
    %reduce_min3A = arith.constant dense<2147483647> : vector<1024xi32>
    %reduce_min3A_20 = vector.multi_reduction <minsi>, %select_n3A, %reduce_min3A [1] : vector<1024x128xi32> to vector<1024xi32>
    %broadcast_in_dim3A_21 = vector.shape_cast %reduce_min3A_20 : vector<1024xi32> to vector<1024x1xi32>
    %eq3A_22 = vector.broadcast %broadcast_in_dim3A_21 : vector<1024x1xi32> to vector<1024x128xi32>
    %eq3A_23 = arith.cmpi eq, %iota3A, %eq3A_22 : vector<1024x128xi32>
    %jit3A_24 = arith.constant -1.000000e+30 : f32
    %broadcast_in_dim3A_25 = vector.broadcast %jit3A_24 : f32 to vector<1024x128xf32>
    %select_n3A_26 = arith.select %eq3A_23, %broadcast_in_dim3A_25, %div3A_14 : vector<1024x128xi1>, vector<1024x128xf32>
    %reduce_max3A_27 = arith.constant dense<0xFF800000> : vector<1024xf32>
    %reduce_max3A_28 = vector.multi_reduction <maximumf>, %select_n3A_26, %reduce_max3A_27 [1] : vector<1024x128xf32> to vector<1024xf32>
    %broadcast_in_dim3A_29 = vector.shape_cast %reduce_max3A_28 : vector<1024xf32> to vector<1024x1xf32>
    %eq3A_30 = vector.broadcast %broadcast_in_dim3A_29 : vector<1024x1xf32> to vector<1024x128xf32>
    %eq3A_31 = arith.cmpf oeq, %select_n3A_26, %eq3A_30 : vector<1024x128xf32>
    %jit3A_32 = arith.constant 512 : i32
    %broadcast_in_dim3A_33 = vector.broadcast %jit3A_32 : i32 to vector<1024x128xi32>
    %select_n3A_34 = arith.select %eq3A_31, %iota3A, %broadcast_in_dim3A_33 : vector<1024x128xi1>, vector<1024x128xi32>
    %reduce_min3A_35 = arith.constant dense<2147483647> : vector<1024xi32>
    %reduce_min3A_36 = vector.multi_reduction <minsi>, %select_n3A_34, %reduce_min3A_35 [1] : vector<1024x128xi32> to vector<1024xi32>
    %broadcast_in_dim3A_37 = vector.shape_cast %reduce_min3A_36 : vector<1024xi32> to vector<1024x1xi32>
    %eq3A_38 = arith.constant 0 : i32
    %eq3A_39 = vector.broadcast %eq3A_38 : i32 to vector<1024x128xi32>
    %eq3A_40 = arith.cmpi eq, %iota3A, %eq3A_39 : vector<1024x128xi32>
    %jit3A_41 = arith.constant 0.000000e+00 : f32
    %broadcast_in_dim3A_42 = vector.shape_cast %broadcast_in_dim3A_17 : vector<1024x1xf32> to vector<1024x1xf32>
    %broadcast_in_dim3A_43 = vector.broadcast %broadcast_in_dim3A_42 : vector<1024x1xf32> to vector<1024x128xf32>
    %broadcast_in_dim3A_44 = vector.broadcast %jit3A_41 : f32 to vector<1024x128xf32>
    %select_n3A_45 = arith.select %eq3A_40, %broadcast_in_dim3A_43, %broadcast_in_dim3A_44 : vector<1024x128xi1>, vector<1024x128xf32>
    %eq3A_46 = arith.constant 1 : i32
    %eq3A_47 = vector.broadcast %eq3A_46 : i32 to vector<1024x128xi32>
    %eq3A_48 = arith.cmpi eq, %iota3A, %eq3A_47 : vector<1024x128xi32>
    %jit3A_49 = arith.constant 0.000000e+00 : f32
    %broadcast_in_dim3A_50 = vector.shape_cast %broadcast_in_dim3A_29 : vector<1024x1xf32> to vector<1024x1xf32>
    %broadcast_in_dim3A_51 = vector.broadcast %broadcast_in_dim3A_50 : vector<1024x1xf32> to vector<1024x128xf32>
    %broadcast_in_dim3A_52 = vector.broadcast %jit3A_49 : f32 to vector<1024x128xf32>
    %select_n3A_53 = arith.select %eq3A_48, %broadcast_in_dim3A_51, %broadcast_in_dim3A_52 : vector<1024x128xi1>, vector<1024x128xf32>
    %add3A_54 = arith.addf %select_n3A_45, %select_n3A_53 : vector<1024x128xf32>
    %eq3A_55 = arith.constant 0 : i32
    %eq3A_56 = vector.broadcast %eq3A_55 : i32 to vector<1024x128xi32>
    %eq3A_57 = arith.cmpi eq, %iota3A, %eq3A_56 : vector<1024x128xi32>
    %jit3A_58 = arith.constant 0 : i32
    %broadcast_in_dim3A_59 = vector.shape_cast %broadcast_in_dim3A_21 : vector<1024x1xi32> to vector<1024x1xi32>
    %broadcast_in_dim3A_60 = vector.broadcast %broadcast_in_dim3A_59 : vector<1024x1xi32> to vector<1024x128xi32>
    %broadcast_in_dim3A_61 = vector.broadcast %jit3A_58 : i32 to vector<1024x128xi32>
    %select_n3A_62 = arith.select %eq3A_57, %broadcast_in_dim3A_60, %broadcast_in_dim3A_61 : vector<1024x128xi1>, vector<1024x128xi32>
    %eq3A_63 = arith.constant 1 : i32
    %eq3A_64 = vector.broadcast %eq3A_63 : i32 to vector<1024x128xi32>
    %eq3A_65 = arith.cmpi eq, %iota3A, %eq3A_64 : vector<1024x128xi32>
    %jit3A_66 = arith.constant 0 : i32
    %broadcast_in_dim3A_67 = vector.shape_cast %broadcast_in_dim3A_37 : vector<1024x1xi32> to vector<1024x1xi32>
    %broadcast_in_dim3A_68 = vector.broadcast %broadcast_in_dim3A_67 : vector<1024x1xi32> to vector<1024x128xi32>
    %broadcast_in_dim3A_69 = vector.broadcast %jit3A_66 : i32 to vector<1024x128xi32>
    %select_n3A_70 = arith.select %eq3A_65, %broadcast_in_dim3A_68, %broadcast_in_dim3A_69 : vector<1024x128xi1>, vector<1024x128xi32>
    %add3A_71 = arith.addi %select_n3A_62, %select_n3A_70 : vector<1024x128xi32>
    %slice3A = vector.extract_strided_slice %add3A_54 {offsets = [0, 0], sizes = [1024, 16], strides = [1, 1]} : vector<1024x128xf32> to vector<1024x16xf32>
    %swap3A = arith.constant 0 : index
    %swap3A_72 = arith.constant 0 : index
    %swap3A_73 = vector.load %arg4[%swap3A, %swap3A_72] : memref<1024x16xf32, #tpu.memory_space<vmem>>, vector<1024x16xf32>
    tpu.vector_store %arg4[%swap3A, %swap3A_72], %slice3A {strides = array<i32>} : memref<1024x16xf32, #tpu.memory_space<vmem>>, vector<1024x16xf32>,
    %slice3A_74 = vector.extract_strided_slice %add3A_71 {offsets = [0, 0], sizes = [1024, 16], strides = [1, 1]} : vector<1024x128xi32> to vector<1024x16xi32>
    %swap3A_75 = arith.constant 0 : index
    %swap3A_76 = arith.constant 0 : index
    %swap3A_77 = vector.load %arg5[%swap3A_75, %swap3A_76] : memref<1024x16xi32, #tpu.memory_space<vmem>>, vector<1024x16xi32>
    tpu.vector_store %arg5[%swap3A_75, %swap3A_76], %slice3A_74 {strides = array<i32>} : memref<1024x16xi32, #tpu.memory_space<vmem>>, vector<1024x16xi32>,
    return
  }
  func.func @transform_0(%arg0: i32) -> (i32, i32) {
    %c0_i32 = arith.constant 0 : i32
    %c0_i32_0 = arith.constant 0 : i32
    return %arg0, %c0_i32 : i32, i32
  }
  func.func @transform_1(%arg0: i32) -> (i32, i32) {
    %c0_i32 = arith.constant 0 : i32
    %c0_i32_0 = arith.constant 0 : i32
    %c0_i32_1 = arith.constant 0 : i32
    return %c0_i32, %c0_i32_0 : i32, i32
  }
  func.func @transform_2(%arg0: i32) -> (i32, i32) {
    %c0_i32 = arith.constant 0 : i32
    %c0_i32_0 = arith.constant 0 : i32
    %c0_i32_1 = arith.constant 0 : i32
    return %c0_i32, %c0_i32_0 : i32, i32
  }
  func.func @transform_3(%arg0: i32) -> (i32, i32) {
    %c0_i32 = arith.constant 0 : i32
    %c0_i32_0 = arith.constant 0 : i32
    return %arg0, %c0_i32 : i32, i32
  }
  func.func @transform_4(%arg0: i32) -> (i32, i32) {
    %c0_i32 = arith.constant 0 : i32
    %c0_i32_0 = arith.constant 0 : i32
    return %arg0, %c0_i32 : i32, i32
  }
}

module attributes {stable_mosaic.version = 14 : i64} {
  func.func @_meta_body(%arg0: memref<64x128xi32, #tpu.memory_space<vmem>>, %arg1: memref<64x128xi32, #tpu.memory_space<vmem>>, %arg2: memref<8x128xi32, #tpu.memory_space<vmem>>) attributes {dimension_semantics = [], scalar_prefetch = 0 : i64, scratch_operands = 0 : i64, tpu.core_type = #tpu.core_type<tc>} {
    %get3A = arith.constant 0 : index
    %get3A_0 = arith.constant 0 : index
    %get3A_1 = vector.load %arg0[%get3A, %get3A_0] : memref<64x128xi32, #tpu.memory_space<vmem>>, vector<64x128xi32>
    %iota3A = tpu.iota {dimensions = array<i32: 0>} : vector<128x128xi32>
    %iota3A_2 = tpu.iota {dimensions = array<i32: 1>} : vector<128x128xi32>
    %le3A = arith.cmpi sle, %iota3A, %iota3A_2 : vector<128x128xi32>
    %convert_element_type3A = arith.extui %le3A : vector<128x128xi1> to vector<128x128xi32>
    %convert_element_type3A_3 = arith.sitofp %convert_element_type3A : vector<128x128xi32> to vector<128x128xf32>
    %iota3A_4 = tpu.iota {dimensions = array<i32: 0>} : vector<64x64xi32>
    %iota3A_5 = tpu.iota {dimensions = array<i32: 1>} : vector<64x64xi32>
    %lt3A = arith.cmpi slt, %iota3A_5, %iota3A_4 : vector<64x64xi32>
    %convert_element_type3A_6 = arith.extui %lt3A : vector<64x64xi1> to vector<64x64xi32>
    %convert_element_type3A_7 = arith.sitofp %convert_element_type3A_6 : vector<64x64xi32> to vector<64x64xf32>
    %broadcast_in_dim3A = arith.constant 0 : i32
    %broadcast_in_dim3A_8 = vector.broadcast %broadcast_in_dim3A : i32 to vector<64x128xi32>
    %iota3A_9 = tpu.iota {dimensions = array<i32: 1>} : vector<8x128xi32>
    %mul3A = arith.constant 512 : i32
    %mul3A_10 = vector.broadcast %mul3A : i32 to vector<8x128xi32>
    %mul3A_11 = arith.muli %iota3A_9, %mul3A_10 : vector<8x128xi32>
    %broadcast_in_dim3A_12 = arith.constant 0 : i32
    %broadcast_in_dim3A_13 = vector.broadcast %broadcast_in_dim3A_12 : i32 to vector<8x128xi32>
    %eq3A = arith.constant 0 : i32
    %eq3A_14 = vector.broadcast %eq3A : i32 to vector<64x128xi32>
    %eq3A_15 = arith.cmpi eq, %get3A_1, %eq3A_14 : vector<64x128xi32>
    %convert_element_type3A_16 = arith.extui %eq3A_15 : vector<64x128xi1> to vector<64x128xi32>
    %convert_element_type3A_17 = arith.sitofp %convert_element_type3A_16 : vector<64x128xi32> to vector<64x128xf32>
    %dot_general3A = arith.constant dense<0.000000e+00> : vector<64x128xf32>
    %dot_general3A_18 = tpu.matmul %convert_element_type3A_17, %convert_element_type3A_3, %dot_general3A {dimension_numbers = #tpu.dot_dimension_numbers<[1], [0], [0], [1], [0, 0, 1, 1], [], []>, transpose_lhs_hint = false} : vector<64x128xf32>, vector<128x128xf32>, vector<64x128xf32> -> vector<64x128xf32>
    %slice3A = vector.extract_strided_slice %dot_general3A_18 {offsets = [0, 127], sizes = [64, 1], strides = [1, 1]} : vector<64x128xf32> to vector<64x1xf32>
    %dot_general3A_19 = arith.constant dense<0.000000e+00> : vector<64x1xf32>
    %dot_general3A_20 = tpu.matmul %convert_element_type3A_7, %slice3A, %dot_general3A_19 {dimension_numbers = #tpu.dot_dimension_numbers<[1], [0], [0], [1], [0, 0, 1, 1], [], []>, transpose_lhs_hint = false} : vector<64x64xf32>, vector<64x1xf32>, vector<64x1xf32> -> vector<64x1xf32>
    %add3A = vector.broadcast %dot_general3A_20 : vector<64x1xf32> to vector<64x128xf32>
    %add3A_21 = arith.addf %dot_general3A_18, %add3A : vector<64x128xf32>
    %sub3A = arith.constant 1.000000e+00 : f32
    %sub3A_22 = vector.broadcast %sub3A : f32 to vector<64x128xf32>
    %sub3A_23 = arith.subf %add3A_21, %sub3A_22 : vector<64x128xf32>
    %convert_element_type3A_24 = arith.fptosi %sub3A_23 : vector<64x128xf32> to vector<64x128xi32>
    %eq3A_25 = arith.constant 0 : i32
    %eq3A_26 = vector.broadcast %eq3A_25 : i32 to vector<64x128xi32>
    %eq3A_27 = arith.cmpi eq, %get3A_1, %eq3A_26 : vector<64x128xi32>
    %add3A_28 = arith.constant 0 : i32
    %add3A_29 = vector.broadcast %add3A_28 : i32 to vector<64x128xi32>
    %add3A_30 = arith.addi %add3A_29, %convert_element_type3A_24 : vector<64x128xi32>
    %jit3A = arith.constant 0 : i32
    %broadcast_in_dim3A_31 = vector.broadcast %jit3A : i32 to vector<64x128xi32>
    %select_n3A = arith.select %eq3A_27, %add3A_30, %broadcast_in_dim3A_31 : vector<64x128xi1>, vector<64x128xi32>
    %add3A_32 = arith.addi %broadcast_in_dim3A_8, %select_n3A : vector<64x128xi32>
    %reduce_sum3A = vector.shape_cast %convert_element_type3A_17 : vector<64x128xf32> to vector<1x64x128xf32>
    %reduce_sum3A_33 = arith.constant dense<0.000000e+00> : vector<1xf32>
    %reduce_sum3A_34 = vector.multi_reduction <add>, %reduce_sum3A, %reduce_sum3A_33 [1, 2] : vector<1x64x128xf32> to vector<1xf32>
    %reduce_sum3A_35 = vector.shape_cast %reduce_sum3A_34 : vector<1xf32> to vector<1x1x1xf32>
    %reduce_sum3A_36 = vector.extract %reduce_sum3A_35[0, 0, 0] : f32 from vector<1x1x1xf32>
    %convert_element_type3A_37 = arith.fptosi %reduce_sum3A_36 : f32 to i32
    %add3A_38 = arith.constant 512 : i32
    %add3A_39 = arith.addi %convert_element_type3A_37, %add3A_38 : i32
    %sub3A_40 = arith.constant 1 : i32
    %sub3A_41 = arith.subi %add3A_39, %sub3A_40 : i32
    %jit3A_42 = arith.constant 512 : i32
    %div3A = arith.divsi %sub3A_41, %jit3A_42 : i32
    %sign3A = arith.constant 0 : i32
    %sign3A_43 = arith.cmpi sgt, %sub3A_41, %sign3A : i32
    %sign3A_44 = arith.extui %sign3A_43 : i1 to i32
    %sign3A_45 = arith.constant 0 : i32
    %sign3A_46 = arith.cmpi slt, %sub3A_41, %sign3A_45 : i32
    %sign3A_47 = arith.extui %sign3A_46 : i1 to i32
    %sign3A_48 = arith.subi %sign3A_44, %sign3A_47 : i32
    %sign3A_49 = arith.constant 0 : i32
    %sign3A_50 = arith.cmpi sgt, %jit3A_42, %sign3A_49 : i32
    %sign3A_51 = arith.extui %sign3A_50 : i1 to i32
    %sign3A_52 = arith.constant 0 : i32
    %sign3A_53 = arith.cmpi slt, %jit3A_42, %sign3A_52 : i32
    %sign3A_54 = arith.extui %sign3A_53 : i1 to i32
    %sign3A_55 = arith.subi %sign3A_51, %sign3A_54 : i32
    %ne3A = arith.cmpi ne, %sign3A_48, %sign3A_55 : i32
    %rem3A = arith.remsi %sub3A_41, %jit3A_42 : i32
    %ne3A_56 = arith.constant 0 : i32
    %ne3A_57 = arith.cmpi ne, %rem3A, %ne3A_56 : i32
    %and3A = arith.andi %ne3A, %ne3A_57 : i1
    %sub3A_58 = arith.constant 1 : i32
    %sub3A_59 = arith.subi %div3A, %sub3A_58 : i32
    %select_n3A_60 = arith.select %and3A, %sub3A_59, %div3A : i32
    %mul3A_61 = arith.constant 512 : i32
    %mul3A_62 = arith.muli %select_n3A_60, %mul3A_61 : i32
    %ge3A = arith.constant 0 : i32
    %ge3A_63 = vector.broadcast %ge3A : i32 to vector<8x128xi32>
    %ge3A_64 = arith.cmpi sge, %mul3A_11, %ge3A_63 : vector<8x128xi32>
    %add3A_65 = arith.constant 0 : i32
    %add3A_66 = arith.addi %add3A_65, %mul3A_62 : i32
    %lt3A_67 = vector.broadcast %add3A_66 : i32 to vector<8x128xi32>
    %lt3A_68 = arith.cmpi slt, %mul3A_11, %lt3A_67 : vector<8x128xi32>
    %and3A_69 = arith.andi %ge3A_64, %lt3A_68 : vector<8x128xi1>
    %jit3A_70 = arith.constant 0 : i32
    %jit3A_71 = arith.constant 0 : i32
    %broadcast_in_dim3A_72 = vector.broadcast %jit3A_70 : i32 to vector<8x128xi32>
    %broadcast_in_dim3A_73 = vector.broadcast %jit3A_71 : i32 to vector<8x128xi32>
    %select_n3A_74 = arith.select %and3A_69, %broadcast_in_dim3A_72, %broadcast_in_dim3A_73 : vector<8x128xi1>, vector<8x128xi32>
    %add3A_75 = arith.addi %broadcast_in_dim3A_13, %select_n3A_74 : vector<8x128xi32>
    %add3A_76 = arith.constant 0 : i32
    %add3A_77 = arith.addi %add3A_76, %mul3A_62 : i32
    %eq3A_78 = arith.constant 1 : i32
    %eq3A_79 = vector.broadcast %eq3A_78 : i32 to vector<64x128xi32>
    %eq3A_80 = arith.cmpi eq, %get3A_1, %eq3A_79 : vector<64x128xi32>
    %convert_element_type3A_81 = arith.extui %eq3A_80 : vector<64x128xi1> to vector<64x128xi32>
    %convert_element_type3A_82 = arith.sitofp %convert_element_type3A_81 : vector<64x128xi32> to vector<64x128xf32>
    %dot_general3A_83 = arith.constant dense<0.000000e+00> : vector<64x128xf32>
    %dot_general3A_84 = tpu.matmul %convert_element_type3A_82, %convert_element_type3A_3, %dot_general3A_83 {dimension_numbers = #tpu.dot_dimension_numbers<[1], [0], [0], [1], [0, 0, 1, 1], [], []>, transpose_lhs_hint = false} : vector<64x128xf32>, vector<128x128xf32>, vector<64x128xf32> -> vector<64x128xf32>
    %slice3A_85 = vector.extract_strided_slice %dot_general3A_84 {offsets = [0, 127], sizes = [64, 1], strides = [1, 1]} : vector<64x128xf32> to vector<64x1xf32>
    %dot_general3A_86 = arith.constant dense<0.000000e+00> : vector<64x1xf32>
    %dot_general3A_87 = tpu.matmul %convert_element_type3A_7, %slice3A_85, %dot_general3A_86 {dimension_numbers = #tpu.dot_dimension_numbers<[1], [0], [0], [1], [0, 0, 1, 1], [], []>, transpose_lhs_hint = false} : vector<64x64xf32>, vector<64x1xf32>, vector<64x1xf32> -> vector<64x1xf32>
    %add3A_88 = vector.broadcast %dot_general3A_87 : vector<64x1xf32> to vector<64x128xf32>
    %add3A_89 = arith.addf %dot_general3A_84, %add3A_88 : vector<64x128xf32>
    %sub3A_90 = arith.constant 1.000000e+00 : f32
    %sub3A_91 = vector.broadcast %sub3A_90 : f32 to vector<64x128xf32>
    %sub3A_92 = arith.subf %add3A_89, %sub3A_91 : vector<64x128xf32>
    %convert_element_type3A_93 = arith.fptosi %sub3A_92 : vector<64x128xf32> to vector<64x128xi32>
    %eq3A_94 = arith.constant 1 : i32
    %eq3A_95 = vector.broadcast %eq3A_94 : i32 to vector<64x128xi32>
    %eq3A_96 = arith.cmpi eq, %get3A_1, %eq3A_95 : vector<64x128xi32>
    %add3A_97 = vector.broadcast %add3A_77 : i32 to vector<64x128xi32>
    %add3A_98 = arith.addi %add3A_97, %convert_element_type3A_93 : vector<64x128xi32>
    %jit3A_99 = arith.constant 0 : i32
    %broadcast_in_dim3A_100 = vector.broadcast %jit3A_99 : i32 to vector<64x128xi32>
    %select_n3A_101 = arith.select %eq3A_96, %add3A_98, %broadcast_in_dim3A_100 : vector<64x128xi1>, vector<64x128xi32>
    %add3A_102 = arith.addi %add3A_32, %select_n3A_101 : vector<64x128xi32>
    %reduce_sum3A_103 = vector.shape_cast %convert_element_type3A_82 : vector<64x128xf32> to vector<1x64x128xf32>
    %reduce_sum3A_104 = arith.constant dense<0.000000e+00> : vector<1xf32>
    %reduce_sum3A_105 = vector.multi_reduction <add>, %reduce_sum3A_103, %reduce_sum3A_104 [1, 2] : vector<1x64x128xf32> to vector<1xf32>
    %reduce_sum3A_106 = vector.shape_cast %reduce_sum3A_105 : vector<1xf32> to vector<1x1x1xf32>
    %reduce_sum3A_107 = vector.extract %reduce_sum3A_106[0, 0, 0] : f32 from vector<1x1x1xf32>
    %convert_element_type3A_108 = arith.fptosi %reduce_sum3A_107 : f32 to i32
    %add3A_109 = arith.constant 512 : i32
    %add3A_110 = arith.addi %convert_element_type3A_108, %add3A_109 : i32
    %sub3A_111 = arith.constant 1 : i32
    %sub3A_112 = arith.subi %add3A_110, %sub3A_111 : i32
    %jit3A_113 = arith.constant 512 : i32
    %div3A_114 = arith.divsi %sub3A_112, %jit3A_113 : i32
    %sign3A_115 = arith.constant 0 : i32
    %sign3A_116 = arith.cmpi sgt, %sub3A_112, %sign3A_115 : i32
    %sign3A_117 = arith.extui %sign3A_116 : i1 to i32
    %sign3A_118 = arith.constant 0 : i32
    %sign3A_119 = arith.cmpi slt, %sub3A_112, %sign3A_118 : i32
    %sign3A_120 = arith.extui %sign3A_119 : i1 to i32
    %sign3A_121 = arith.subi %sign3A_117, %sign3A_120 : i32
    %sign3A_122 = arith.constant 0 : i32
    %sign3A_123 = arith.cmpi sgt, %jit3A_113, %sign3A_122 : i32
    %sign3A_124 = arith.extui %sign3A_123 : i1 to i32
    %sign3A_125 = arith.constant 0 : i32
    %sign3A_126 = arith.cmpi slt, %jit3A_113, %sign3A_125 : i32
    %sign3A_127 = arith.extui %sign3A_126 : i1 to i32
    %sign3A_128 = arith.subi %sign3A_124, %sign3A_127 : i32
    %ne3A_129 = arith.cmpi ne, %sign3A_121, %sign3A_128 : i32
    %rem3A_130 = arith.remsi %sub3A_112, %jit3A_113 : i32
    %ne3A_131 = arith.constant 0 : i32
    %ne3A_132 = arith.cmpi ne, %rem3A_130, %ne3A_131 : i32
    %and3A_133 = arith.andi %ne3A_129, %ne3A_132 : i1
    %sub3A_134 = arith.constant 1 : i32
    %sub3A_135 = arith.subi %div3A_114, %sub3A_134 : i32
    %select_n3A_136 = arith.select %and3A_133, %sub3A_135, %div3A_114 : i32
    %mul3A_137 = arith.constant 512 : i32
    %mul3A_138 = arith.muli %select_n3A_136, %mul3A_137 : i32
    %ge3A_139 = vector.broadcast %add3A_77 : i32 to vector<8x128xi32>
    %ge3A_140 = arith.cmpi sge, %mul3A_11, %ge3A_139 : vector<8x128xi32>
    %add3A_141 = arith.addi %add3A_77, %mul3A_138 : i32
    %lt3A_142 = vector.broadcast %add3A_141 : i32 to vector<8x128xi32>
    %lt3A_143 = arith.cmpi slt, %mul3A_11, %lt3A_142 : vector<8x128xi32>
    %and3A_144 = arith.andi %ge3A_140, %lt3A_143 : vector<8x128xi1>
    %jit3A_145 = arith.constant 1 : i32
    %jit3A_146 = arith.constant 0 : i32
    %broadcast_in_dim3A_147 = vector.broadcast %jit3A_145 : i32 to vector<8x128xi32>
    %broadcast_in_dim3A_148 = vector.broadcast %jit3A_146 : i32 to vector<8x128xi32>
    %select_n3A_149 = arith.select %and3A_144, %broadcast_in_dim3A_147, %broadcast_in_dim3A_148 : vector<8x128xi1>, vector<8x128xi32>
    %add3A_150 = arith.addi %add3A_75, %select_n3A_149 : vector<8x128xi32>
    %add3A_151 = arith.addi %add3A_77, %mul3A_138 : i32
    %eq3A_152 = arith.constant 2 : i32
    %eq3A_153 = vector.broadcast %eq3A_152 : i32 to vector<64x128xi32>
    %eq3A_154 = arith.cmpi eq, %get3A_1, %eq3A_153 : vector<64x128xi32>
    %convert_element_type3A_155 = arith.extui %eq3A_154 : vector<64x128xi1> to vector<64x128xi32>
    %convert_element_type3A_156 = arith.sitofp %convert_element_type3A_155 : vector<64x128xi32> to vector<64x128xf32>
    %dot_general3A_157 = arith.constant dense<0.000000e+00> : vector<64x128xf32>
    %dot_general3A_158 = tpu.matmul %convert_element_type3A_156, %convert_element_type3A_3, %dot_general3A_157 {dimension_numbers = #tpu.dot_dimension_numbers<[1], [0], [0], [1], [0, 0, 1, 1], [], []>, transpose_lhs_hint = false} : vector<64x128xf32>, vector<128x128xf32>, vector<64x128xf32> -> vector<64x128xf32>
    %slice3A_159 = vector.extract_strided_slice %dot_general3A_158 {offsets = [0, 127], sizes = [64, 1], strides = [1, 1]} : vector<64x128xf32> to vector<64x1xf32>
    %dot_general3A_160 = arith.constant dense<0.000000e+00> : vector<64x1xf32>
    %dot_general3A_161 = tpu.matmul %convert_element_type3A_7, %slice3A_159, %dot_general3A_160 {dimension_numbers = #tpu.dot_dimension_numbers<[1], [0], [0], [1], [0, 0, 1, 1], [], []>, transpose_lhs_hint = false} : vector<64x64xf32>, vector<64x1xf32>, vector<64x1xf32> -> vector<64x1xf32>
    %add3A_162 = vector.broadcast %dot_general3A_161 : vector<64x1xf32> to vector<64x128xf32>
    %add3A_163 = arith.addf %dot_general3A_158, %add3A_162 : vector<64x128xf32>
    %sub3A_164 = arith.constant 1.000000e+00 : f32
    %sub3A_165 = vector.broadcast %sub3A_164 : f32 to vector<64x128xf32>
    %sub3A_166 = arith.subf %add3A_163, %sub3A_165 : vector<64x128xf32>
    %convert_element_type3A_167 = arith.fptosi %sub3A_166 : vector<64x128xf32> to vector<64x128xi32>
    %eq3A_168 = arith.constant 2 : i32
    %eq3A_169 = vector.broadcast %eq3A_168 : i32 to vector<64x128xi32>
    %eq3A_170 = arith.cmpi eq, %get3A_1, %eq3A_169 : vector<64x128xi32>
    %add3A_171 = vector.broadcast %add3A_151 : i32 to vector<64x128xi32>
    %add3A_172 = arith.addi %add3A_171, %convert_element_type3A_167 : vector<64x128xi32>
    %jit3A_173 = arith.constant 0 : i32
    %broadcast_in_dim3A_174 = vector.broadcast %jit3A_173 : i32 to vector<64x128xi32>
    %select_n3A_175 = arith.select %eq3A_170, %add3A_172, %broadcast_in_dim3A_174 : vector<64x128xi1>, vector<64x128xi32>
    %add3A_176 = arith.addi %add3A_102, %select_n3A_175 : vector<64x128xi32>
    %reduce_sum3A_177 = vector.shape_cast %convert_element_type3A_156 : vector<64x128xf32> to vector<1x64x128xf32>
    %reduce_sum3A_178 = arith.constant dense<0.000000e+00> : vector<1xf32>
    %reduce_sum3A_179 = vector.multi_reduction <add>, %reduce_sum3A_177, %reduce_sum3A_178 [1, 2] : vector<1x64x128xf32> to vector<1xf32>
    %reduce_sum3A_180 = vector.shape_cast %reduce_sum3A_179 : vector<1xf32> to vector<1x1x1xf32>
    %reduce_sum3A_181 = vector.extract %reduce_sum3A_180[0, 0, 0] : f32 from vector<1x1x1xf32>
    %convert_element_type3A_182 = arith.fptosi %reduce_sum3A_181 : f32 to i32
    %add3A_183 = arith.constant 512 : i32
    %add3A_184 = arith.addi %convert_element_type3A_182, %add3A_183 : i32
    %sub3A_185 = arith.constant 1 : i32
    %sub3A_186 = arith.subi %add3A_184, %sub3A_185 : i32
    %jit3A_187 = arith.constant 512 : i32
    %div3A_188 = arith.divsi %sub3A_186, %jit3A_187 : i32
    %sign3A_189 = arith.constant 0 : i32
    %sign3A_190 = arith.cmpi sgt, %sub3A_186, %sign3A_189 : i32
    %sign3A_191 = arith.extui %sign3A_190 : i1 to i32
    %sign3A_192 = arith.constant 0 : i32
    %sign3A_193 = arith.cmpi slt, %sub3A_186, %sign3A_192 : i32
    %sign3A_194 = arith.extui %sign3A_193 : i1 to i32
    %sign3A_195 = arith.subi %sign3A_191, %sign3A_194 : i32
    %sign3A_196 = arith.constant 0 : i32
    %sign3A_197 = arith.cmpi sgt, %jit3A_187, %sign3A_196 : i32
    %sign3A_198 = arith.extui %sign3A_197 : i1 to i32
    %sign3A_199 = arith.constant 0 : i32
    %sign3A_200 = arith.cmpi slt, %jit3A_187, %sign3A_199 : i32
    %sign3A_201 = arith.extui %sign3A_200 : i1 to i32
    %sign3A_202 = arith.subi %sign3A_198, %sign3A_201 : i32
    %ne3A_203 = arith.cmpi ne, %sign3A_195, %sign3A_202 : i32
    %rem3A_204 = arith.remsi %sub3A_186, %jit3A_187 : i32
    %ne3A_205 = arith.constant 0 : i32
    %ne3A_206 = arith.cmpi ne, %rem3A_204, %ne3A_205 : i32
    %and3A_207 = arith.andi %ne3A_203, %ne3A_206 : i1
    %sub3A_208 = arith.constant 1 : i32
    %sub3A_209 = arith.subi %div3A_188, %sub3A_208 : i32
    %select_n3A_210 = arith.select %and3A_207, %sub3A_209, %div3A_188 : i32
    %mul3A_211 = arith.constant 512 : i32
    %mul3A_212 = arith.muli %select_n3A_210, %mul3A_211 : i32
    %ge3A_213 = vector.broadcast %add3A_151 : i32 to vector<8x128xi32>
    %ge3A_214 = arith.cmpi sge, %mul3A_11, %ge3A_213 : vector<8x128xi32>
    %add3A_215 = arith.addi %add3A_151, %mul3A_212 : i32
    %lt3A_216 = vector.broadcast %add3A_215 : i32 to vector<8x128xi32>
    %lt3A_217 = arith.cmpi slt, %mul3A_11, %lt3A_216 : vector<8x128xi32>
    %and3A_218 = arith.andi %ge3A_214, %lt3A_217 : vector<8x128xi1>
    %jit3A_219 = arith.constant 2 : i32
    %jit3A_220 = arith.constant 0 : i32
    %broadcast_in_dim3A_221 = vector.broadcast %jit3A_219 : i32 to vector<8x128xi32>
    %broadcast_in_dim3A_222 = vector.broadcast %jit3A_220 : i32 to vector<8x128xi32>
    %select_n3A_223 = arith.select %and3A_218, %broadcast_in_dim3A_221, %broadcast_in_dim3A_222 : vector<8x128xi1>, vector<8x128xi32>
    %add3A_224 = arith.addi %add3A_150, %select_n3A_223 : vector<8x128xi32>
    %add3A_225 = arith.addi %add3A_151, %mul3A_212 : i32
    %eq3A_226 = arith.constant 3 : i32
    %eq3A_227 = vector.broadcast %eq3A_226 : i32 to vector<64x128xi32>
    %eq3A_228 = arith.cmpi eq, %get3A_1, %eq3A_227 : vector<64x128xi32>
    %convert_element_type3A_229 = arith.extui %eq3A_228 : vector<64x128xi1> to vector<64x128xi32>
    %convert_element_type3A_230 = arith.sitofp %convert_element_type3A_229 : vector<64x128xi32> to vector<64x128xf32>
    %dot_general3A_231 = arith.constant dense<0.000000e+00> : vector<64x128xf32>
    %dot_general3A_232 = tpu.matmul %convert_element_type3A_230, %convert_element_type3A_3, %dot_general3A_231 {dimension_numbers = #tpu.dot_dimension_numbers<[1], [0], [0], [1], [0, 0, 1, 1], [], []>, transpose_lhs_hint = false} : vector<64x128xf32>, vector<128x128xf32>, vector<64x128xf32> -> vector<64x128xf32>
    %slice3A_233 = vector.extract_strided_slice %dot_general3A_232 {offsets = [0, 127], sizes = [64, 1], strides = [1, 1]} : vector<64x128xf32> to vector<64x1xf32>
    %dot_general3A_234 = arith.constant dense<0.000000e+00> : vector<64x1xf32>
    %dot_general3A_235 = tpu.matmul %convert_element_type3A_7, %slice3A_233, %dot_general3A_234 {dimension_numbers = #tpu.dot_dimension_numbers<[1], [0], [0], [1], [0, 0, 1, 1], [], []>, transpose_lhs_hint = false} : vector<64x64xf32>, vector<64x1xf32>, vector<64x1xf32> -> vector<64x1xf32>
    %add3A_236 = vector.broadcast %dot_general3A_235 : vector<64x1xf32> to vector<64x128xf32>
    %add3A_237 = arith.addf %dot_general3A_232, %add3A_236 : vector<64x128xf32>
    %sub3A_238 = arith.constant 1.000000e+00 : f32
    %sub3A_239 = vector.broadcast %sub3A_238 : f32 to vector<64x128xf32>
    %sub3A_240 = arith.subf %add3A_237, %sub3A_239 : vector<64x128xf32>
    %convert_element_type3A_241 = arith.fptosi %sub3A_240 : vector<64x128xf32> to vector<64x128xi32>
    %eq3A_242 = arith.constant 3 : i32
    %eq3A_243 = vector.broadcast %eq3A_242 : i32 to vector<64x128xi32>
    %eq3A_244 = arith.cmpi eq, %get3A_1, %eq3A_243 : vector<64x128xi32>
    %add3A_245 = vector.broadcast %add3A_225 : i32 to vector<64x128xi32>
    %add3A_246 = arith.addi %add3A_245, %convert_element_type3A_241 : vector<64x128xi32>
    %jit3A_247 = arith.constant 0 : i32
    %broadcast_in_dim3A_248 = vector.broadcast %jit3A_247 : i32 to vector<64x128xi32>
    %select_n3A_249 = arith.select %eq3A_244, %add3A_246, %broadcast_in_dim3A_248 : vector<64x128xi1>, vector<64x128xi32>
    %add3A_250 = arith.addi %add3A_176, %select_n3A_249 : vector<64x128xi32>
    %reduce_sum3A_251 = vector.shape_cast %convert_element_type3A_230 : vector<64x128xf32> to vector<1x64x128xf32>
    %reduce_sum3A_252 = arith.constant dense<0.000000e+00> : vector<1xf32>
    %reduce_sum3A_253 = vector.multi_reduction <add>, %reduce_sum3A_251, %reduce_sum3A_252 [1, 2] : vector<1x64x128xf32> to vector<1xf32>
    %reduce_sum3A_254 = vector.shape_cast %reduce_sum3A_253 : vector<1xf32> to vector<1x1x1xf32>
    %reduce_sum3A_255 = vector.extract %reduce_sum3A_254[0, 0, 0] : f32 from vector<1x1x1xf32>
    %convert_element_type3A_256 = arith.fptosi %reduce_sum3A_255 : f32 to i32
    %add3A_257 = arith.constant 512 : i32
    %add3A_258 = arith.addi %convert_element_type3A_256, %add3A_257 : i32
    %sub3A_259 = arith.constant 1 : i32
    %sub3A_260 = arith.subi %add3A_258, %sub3A_259 : i32
    %jit3A_261 = arith.constant 512 : i32
    %div3A_262 = arith.divsi %sub3A_260, %jit3A_261 : i32
    %sign3A_263 = arith.constant 0 : i32
    %sign3A_264 = arith.cmpi sgt, %sub3A_260, %sign3A_263 : i32
    %sign3A_265 = arith.extui %sign3A_264 : i1 to i32
    %sign3A_266 = arith.constant 0 : i32
    %sign3A_267 = arith.cmpi slt, %sub3A_260, %sign3A_266 : i32
    %sign3A_268 = arith.extui %sign3A_267 : i1 to i32
    %sign3A_269 = arith.subi %sign3A_265, %sign3A_268 : i32
    %sign3A_270 = arith.constant 0 : i32
    %sign3A_271 = arith.cmpi sgt, %jit3A_261, %sign3A_270 : i32
    %sign3A_272 = arith.extui %sign3A_271 : i1 to i32
    %sign3A_273 = arith.constant 0 : i32
    %sign3A_274 = arith.cmpi slt, %jit3A_261, %sign3A_273 : i32
    %sign3A_275 = arith.extui %sign3A_274 : i1 to i32
    %sign3A_276 = arith.subi %sign3A_272, %sign3A_275 : i32
    %ne3A_277 = arith.cmpi ne, %sign3A_269, %sign3A_276 : i32
    %rem3A_278 = arith.remsi %sub3A_260, %jit3A_261 : i32
    %ne3A_279 = arith.constant 0 : i32
    %ne3A_280 = arith.cmpi ne, %rem3A_278, %ne3A_279 : i32
    %and3A_281 = arith.andi %ne3A_277, %ne3A_280 : i1
    %sub3A_282 = arith.constant 1 : i32
    %sub3A_283 = arith.subi %div3A_262, %sub3A_282 : i32
    %select_n3A_284 = arith.select %and3A_281, %sub3A_283, %div3A_262 : i32
    %mul3A_285 = arith.constant 512 : i32
    %mul3A_286 = arith.muli %select_n3A_284, %mul3A_285 : i32
    %ge3A_287 = vector.broadcast %add3A_225 : i32 to vector<8x128xi32>
    %ge3A_288 = arith.cmpi sge, %mul3A_11, %ge3A_287 : vector<8x128xi32>
    %add3A_289 = arith.addi %add3A_225, %mul3A_286 : i32
    %lt3A_290 = vector.broadcast %add3A_289 : i32 to vector<8x128xi32>
    %lt3A_291 = arith.cmpi slt, %mul3A_11, %lt3A_290 : vector<8x128xi32>
    %and3A_292 = arith.andi %ge3A_288, %lt3A_291 : vector<8x128xi1>
    %jit3A_293 = arith.constant 3 : i32
    %jit3A_294 = arith.constant 0 : i32
    %broadcast_in_dim3A_295 = vector.broadcast %jit3A_293 : i32 to vector<8x128xi32>
    %broadcast_in_dim3A_296 = vector.broadcast %jit3A_294 : i32 to vector<8x128xi32>
    %select_n3A_297 = arith.select %and3A_292, %broadcast_in_dim3A_295, %broadcast_in_dim3A_296 : vector<8x128xi1>, vector<8x128xi32>
    %add3A_298 = arith.addi %add3A_224, %select_n3A_297 : vector<8x128xi32>
    %add3A_299 = arith.addi %add3A_225, %mul3A_286 : i32
    %eq3A_300 = arith.constant 4 : i32
    %eq3A_301 = vector.broadcast %eq3A_300 : i32 to vector<64x128xi32>
    %eq3A_302 = arith.cmpi eq, %get3A_1, %eq3A_301 : vector<64x128xi32>
    %convert_element_type3A_303 = arith.extui %eq3A_302 : vector<64x128xi1> to vector<64x128xi32>
    %convert_element_type3A_304 = arith.sitofp %convert_element_type3A_303 : vector<64x128xi32> to vector<64x128xf32>
    %dot_general3A_305 = arith.constant dense<0.000000e+00> : vector<64x128xf32>
    %dot_general3A_306 = tpu.matmul %convert_element_type3A_304, %convert_element_type3A_3, %dot_general3A_305 {dimension_numbers = #tpu.dot_dimension_numbers<[1], [0], [0], [1], [0, 0, 1, 1], [], []>, transpose_lhs_hint = false} : vector<64x128xf32>, vector<128x128xf32>, vector<64x128xf32> -> vector<64x128xf32>
    %slice3A_307 = vector.extract_strided_slice %dot_general3A_306 {offsets = [0, 127], sizes = [64, 1], strides = [1, 1]} : vector<64x128xf32> to vector<64x1xf32>
    %dot_general3A_308 = arith.constant dense<0.000000e+00> : vector<64x1xf32>
    %dot_general3A_309 = tpu.matmul %convert_element_type3A_7, %slice3A_307, %dot_general3A_308 {dimension_numbers = #tpu.dot_dimension_numbers<[1], [0], [0], [1], [0, 0, 1, 1], [], []>, transpose_lhs_hint = false} : vector<64x64xf32>, vector<64x1xf32>, vector<64x1xf32> -> vector<64x1xf32>
    %add3A_310 = vector.broadcast %dot_general3A_309 : vector<64x1xf32> to vector<64x128xf32>
    %add3A_311 = arith.addf %dot_general3A_306, %add3A_310 : vector<64x128xf32>
    %sub3A_312 = arith.constant 1.000000e+00 : f32
    %sub3A_313 = vector.broadcast %sub3A_312 : f32 to vector<64x128xf32>
    %sub3A_314 = arith.subf %add3A_311, %sub3A_313 : vector<64x128xf32>
    %convert_element_type3A_315 = arith.fptosi %sub3A_314 : vector<64x128xf32> to vector<64x128xi32>
    %eq3A_316 = arith.constant 4 : i32
    %eq3A_317 = vector.broadcast %eq3A_316 : i32 to vector<64x128xi32>
    %eq3A_318 = arith.cmpi eq, %get3A_1, %eq3A_317 : vector<64x128xi32>
    %add3A_319 = vector.broadcast %add3A_299 : i32 to vector<64x128xi32>
    %add3A_320 = arith.addi %add3A_319, %convert_element_type3A_315 : vector<64x128xi32>
    %jit3A_321 = arith.constant 0 : i32
    %broadcast_in_dim3A_322 = vector.broadcast %jit3A_321 : i32 to vector<64x128xi32>
    %select_n3A_323 = arith.select %eq3A_318, %add3A_320, %broadcast_in_dim3A_322 : vector<64x128xi1>, vector<64x128xi32>
    %add3A_324 = arith.addi %add3A_250, %select_n3A_323 : vector<64x128xi32>
    %reduce_sum3A_325 = vector.shape_cast %convert_element_type3A_304 : vector<64x128xf32> to vector<1x64x128xf32>
    %reduce_sum3A_326 = arith.constant dense<0.000000e+00> : vector<1xf32>
    %reduce_sum3A_327 = vector.multi_reduction <add>, %reduce_sum3A_325, %reduce_sum3A_326 [1, 2] : vector<1x64x128xf32> to vector<1xf32>
    %reduce_sum3A_328 = vector.shape_cast %reduce_sum3A_327 : vector<1xf32> to vector<1x1x1xf32>
    %reduce_sum3A_329 = vector.extract %reduce_sum3A_328[0, 0, 0] : f32 from vector<1x1x1xf32>
    %convert_element_type3A_330 = arith.fptosi %reduce_sum3A_329 : f32 to i32
    %add3A_331 = arith.constant 512 : i32
    %add3A_332 = arith.addi %convert_element_type3A_330, %add3A_331 : i32
    %sub3A_333 = arith.constant 1 : i32
    %sub3A_334 = arith.subi %add3A_332, %sub3A_333 : i32
    %jit3A_335 = arith.constant 512 : i32
    %div3A_336 = arith.divsi %sub3A_334, %jit3A_335 : i32
    %sign3A_337 = arith.constant 0 : i32
    %sign3A_338 = arith.cmpi sgt, %sub3A_334, %sign3A_337 : i32
    %sign3A_339 = arith.extui %sign3A_338 : i1 to i32
    %sign3A_340 = arith.constant 0 : i32
    %sign3A_341 = arith.cmpi slt, %sub3A_334, %sign3A_340 : i32
    %sign3A_342 = arith.extui %sign3A_341 : i1 to i32
    %sign3A_343 = arith.subi %sign3A_339, %sign3A_342 : i32
    %sign3A_344 = arith.constant 0 : i32
    %sign3A_345 = arith.cmpi sgt, %jit3A_335, %sign3A_344 : i32
    %sign3A_346 = arith.extui %sign3A_345 : i1 to i32
    %sign3A_347 = arith.constant 0 : i32
    %sign3A_348 = arith.cmpi slt, %jit3A_335, %sign3A_347 : i32
    %sign3A_349 = arith.extui %sign3A_348 : i1 to i32
    %sign3A_350 = arith.subi %sign3A_346, %sign3A_349 : i32
    %ne3A_351 = arith.cmpi ne, %sign3A_343, %sign3A_350 : i32
    %rem3A_352 = arith.remsi %sub3A_334, %jit3A_335 : i32
    %ne3A_353 = arith.constant 0 : i32
    %ne3A_354 = arith.cmpi ne, %rem3A_352, %ne3A_353 : i32
    %and3A_355 = arith.andi %ne3A_351, %ne3A_354 : i1
    %sub3A_356 = arith.constant 1 : i32
    %sub3A_357 = arith.subi %div3A_336, %sub3A_356 : i32
    %select_n3A_358 = arith.select %and3A_355, %sub3A_357, %div3A_336 : i32
    %mul3A_359 = arith.constant 512 : i32
    %mul3A_360 = arith.muli %select_n3A_358, %mul3A_359 : i32
    %ge3A_361 = vector.broadcast %add3A_299 : i32 to vector<8x128xi32>
    %ge3A_362 = arith.cmpi sge, %mul3A_11, %ge3A_361 : vector<8x128xi32>
    %add3A_363 = arith.addi %add3A_299, %mul3A_360 : i32
    %lt3A_364 = vector.broadcast %add3A_363 : i32 to vector<8x128xi32>
    %lt3A_365 = arith.cmpi slt, %mul3A_11, %lt3A_364 : vector<8x128xi32>
    %and3A_366 = arith.andi %ge3A_362, %lt3A_365 : vector<8x128xi1>
    %jit3A_367 = arith.constant 4 : i32
    %jit3A_368 = arith.constant 0 : i32
    %broadcast_in_dim3A_369 = vector.broadcast %jit3A_367 : i32 to vector<8x128xi32>
    %broadcast_in_dim3A_370 = vector.broadcast %jit3A_368 : i32 to vector<8x128xi32>
    %select_n3A_371 = arith.select %and3A_366, %broadcast_in_dim3A_369, %broadcast_in_dim3A_370 : vector<8x128xi1>, vector<8x128xi32>
    %add3A_372 = arith.addi %add3A_298, %select_n3A_371 : vector<8x128xi32>
    %add3A_373 = arith.addi %add3A_299, %mul3A_360 : i32
    %eq3A_374 = arith.constant 5 : i32
    %eq3A_375 = vector.broadcast %eq3A_374 : i32 to vector<64x128xi32>
    %eq3A_376 = arith.cmpi eq, %get3A_1, %eq3A_375 : vector<64x128xi32>
    %convert_element_type3A_377 = arith.extui %eq3A_376 : vector<64x128xi1> to vector<64x128xi32>
    %convert_element_type3A_378 = arith.sitofp %convert_element_type3A_377 : vector<64x128xi32> to vector<64x128xf32>
    %dot_general3A_379 = arith.constant dense<0.000000e+00> : vector<64x128xf32>
    %dot_general3A_380 = tpu.matmul %convert_element_type3A_378, %convert_element_type3A_3, %dot_general3A_379 {dimension_numbers = #tpu.dot_dimension_numbers<[1], [0], [0], [1], [0, 0, 1, 1], [], []>, transpose_lhs_hint = false} : vector<64x128xf32>, vector<128x128xf32>, vector<64x128xf32> -> vector<64x128xf32>
    %slice3A_381 = vector.extract_strided_slice %dot_general3A_380 {offsets = [0, 127], sizes = [64, 1], strides = [1, 1]} : vector<64x128xf32> to vector<64x1xf32>
    %dot_general3A_382 = arith.constant dense<0.000000e+00> : vector<64x1xf32>
    %dot_general3A_383 = tpu.matmul %convert_element_type3A_7, %slice3A_381, %dot_general3A_382 {dimension_numbers = #tpu.dot_dimension_numbers<[1], [0], [0], [1], [0, 0, 1, 1], [], []>, transpose_lhs_hint = false} : vector<64x64xf32>, vector<64x1xf32>, vector<64x1xf32> -> vector<64x1xf32>
    %add3A_384 = vector.broadcast %dot_general3A_383 : vector<64x1xf32> to vector<64x128xf32>
    %add3A_385 = arith.addf %dot_general3A_380, %add3A_384 : vector<64x128xf32>
    %sub3A_386 = arith.constant 1.000000e+00 : f32
    %sub3A_387 = vector.broadcast %sub3A_386 : f32 to vector<64x128xf32>
    %sub3A_388 = arith.subf %add3A_385, %sub3A_387 : vector<64x128xf32>
    %convert_element_type3A_389 = arith.fptosi %sub3A_388 : vector<64x128xf32> to vector<64x128xi32>
    %eq3A_390 = arith.constant 5 : i32
    %eq3A_391 = vector.broadcast %eq3A_390 : i32 to vector<64x128xi32>
    %eq3A_392 = arith.cmpi eq, %get3A_1, %eq3A_391 : vector<64x128xi32>
    %add3A_393 = vector.broadcast %add3A_373 : i32 to vector<64x128xi32>
    %add3A_394 = arith.addi %add3A_393, %convert_element_type3A_389 : vector<64x128xi32>
    %jit3A_395 = arith.constant 0 : i32
    %broadcast_in_dim3A_396 = vector.broadcast %jit3A_395 : i32 to vector<64x128xi32>
    %select_n3A_397 = arith.select %eq3A_392, %add3A_394, %broadcast_in_dim3A_396 : vector<64x128xi1>, vector<64x128xi32>
    %add3A_398 = arith.addi %add3A_324, %select_n3A_397 : vector<64x128xi32>
    %reduce_sum3A_399 = vector.shape_cast %convert_element_type3A_378 : vector<64x128xf32> to vector<1x64x128xf32>
    %reduce_sum3A_400 = arith.constant dense<0.000000e+00> : vector<1xf32>
    %reduce_sum3A_401 = vector.multi_reduction <add>, %reduce_sum3A_399, %reduce_sum3A_400 [1, 2] : vector<1x64x128xf32> to vector<1xf32>
    %reduce_sum3A_402 = vector.shape_cast %reduce_sum3A_401 : vector<1xf32> to vector<1x1x1xf32>
    %reduce_sum3A_403 = vector.extract %reduce_sum3A_402[0, 0, 0] : f32 from vector<1x1x1xf32>
    %convert_element_type3A_404 = arith.fptosi %reduce_sum3A_403 : f32 to i32
    %add3A_405 = arith.constant 512 : i32
    %add3A_406 = arith.addi %convert_element_type3A_404, %add3A_405 : i32
    %sub3A_407 = arith.constant 1 : i32
    %sub3A_408 = arith.subi %add3A_406, %sub3A_407 : i32
    %jit3A_409 = arith.constant 512 : i32
    %div3A_410 = arith.divsi %sub3A_408, %jit3A_409 : i32
    %sign3A_411 = arith.constant 0 : i32
    %sign3A_412 = arith.cmpi sgt, %sub3A_408, %sign3A_411 : i32
    %sign3A_413 = arith.extui %sign3A_412 : i1 to i32
    %sign3A_414 = arith.constant 0 : i32
    %sign3A_415 = arith.cmpi slt, %sub3A_408, %sign3A_414 : i32
    %sign3A_416 = arith.extui %sign3A_415 : i1 to i32
    %sign3A_417 = arith.subi %sign3A_413, %sign3A_416 : i32
    %sign3A_418 = arith.constant 0 : i32
    %sign3A_419 = arith.cmpi sgt, %jit3A_409, %sign3A_418 : i32
    %sign3A_420 = arith.extui %sign3A_419 : i1 to i32
    %sign3A_421 = arith.constant 0 : i32
    %sign3A_422 = arith.cmpi slt, %jit3A_409, %sign3A_421 : i32
    %sign3A_423 = arith.extui %sign3A_422 : i1 to i32
    %sign3A_424 = arith.subi %sign3A_420, %sign3A_423 : i32
    %ne3A_425 = arith.cmpi ne, %sign3A_417, %sign3A_424 : i32
    %rem3A_426 = arith.remsi %sub3A_408, %jit3A_409 : i32
    %ne3A_427 = arith.constant 0 : i32
    %ne3A_428 = arith.cmpi ne, %rem3A_426, %ne3A_427 : i32
    %and3A_429 = arith.andi %ne3A_425, %ne3A_428 : i1
    %sub3A_430 = arith.constant 1 : i32
    %sub3A_431 = arith.subi %div3A_410, %sub3A_430 : i32
    %select_n3A_432 = arith.select %and3A_429, %sub3A_431, %div3A_410 : i32
    %mul3A_433 = arith.constant 512 : i32
    %mul3A_434 = arith.muli %select_n3A_432, %mul3A_433 : i32
    %ge3A_435 = vector.broadcast %add3A_373 : i32 to vector<8x128xi32>
    %ge3A_436 = arith.cmpi sge, %mul3A_11, %ge3A_435 : vector<8x128xi32>
    %add3A_437 = arith.addi %add3A_373, %mul3A_434 : i32
    %lt3A_438 = vector.broadcast %add3A_437 : i32 to vector<8x128xi32>
    %lt3A_439 = arith.cmpi slt, %mul3A_11, %lt3A_438 : vector<8x128xi32>
    %and3A_440 = arith.andi %ge3A_436, %lt3A_439 : vector<8x128xi1>
    %jit3A_441 = arith.constant 5 : i32
    %jit3A_442 = arith.constant 0 : i32
    %broadcast_in_dim3A_443 = vector.broadcast %jit3A_441 : i32 to vector<8x128xi32>
    %broadcast_in_dim3A_444 = vector.broadcast %jit3A_442 : i32 to vector<8x128xi32>
    %select_n3A_445 = arith.select %and3A_440, %broadcast_in_dim3A_443, %broadcast_in_dim3A_444 : vector<8x128xi1>, vector<8x128xi32>
    %add3A_446 = arith.addi %add3A_372, %select_n3A_445 : vector<8x128xi32>
    %add3A_447 = arith.addi %add3A_373, %mul3A_434 : i32
    %eq3A_448 = arith.constant 6 : i32
    %eq3A_449 = vector.broadcast %eq3A_448 : i32 to vector<64x128xi32>
    %eq3A_450 = arith.cmpi eq, %get3A_1, %eq3A_449 : vector<64x128xi32>
    %convert_element_type3A_451 = arith.extui %eq3A_450 : vector<64x128xi1> to vector<64x128xi32>
    %convert_element_type3A_452 = arith.sitofp %convert_element_type3A_451 : vector<64x128xi32> to vector<64x128xf32>
    %dot_general3A_453 = arith.constant dense<0.000000e+00> : vector<64x128xf32>
    %dot_general3A_454 = tpu.matmul %convert_element_type3A_452, %convert_element_type3A_3, %dot_general3A_453 {dimension_numbers = #tpu.dot_dimension_numbers<[1], [0], [0], [1], [0, 0, 1, 1], [], []>, transpose_lhs_hint = false} : vector<64x128xf32>, vector<128x128xf32>, vector<64x128xf32> -> vector<64x128xf32>
    %slice3A_455 = vector.extract_strided_slice %dot_general3A_454 {offsets = [0, 127], sizes = [64, 1], strides = [1, 1]} : vector<64x128xf32> to vector<64x1xf32>
    %dot_general3A_456 = arith.constant dense<0.000000e+00> : vector<64x1xf32>
    %dot_general3A_457 = tpu.matmul %convert_element_type3A_7, %slice3A_455, %dot_general3A_456 {dimension_numbers = #tpu.dot_dimension_numbers<[1], [0], [0], [1], [0, 0, 1, 1], [], []>, transpose_lhs_hint = false} : vector<64x64xf32>, vector<64x1xf32>, vector<64x1xf32> -> vector<64x1xf32>
    %add3A_458 = vector.broadcast %dot_general3A_457 : vector<64x1xf32> to vector<64x128xf32>
    %add3A_459 = arith.addf %dot_general3A_454, %add3A_458 : vector<64x128xf32>
    %sub3A_460 = arith.constant 1.000000e+00 : f32
    %sub3A_461 = vector.broadcast %sub3A_460 : f32 to vector<64x128xf32>
    %sub3A_462 = arith.subf %add3A_459, %sub3A_461 : vector<64x128xf32>
    %convert_element_type3A_463 = arith.fptosi %sub3A_462 : vector<64x128xf32> to vector<64x128xi32>
    %eq3A_464 = arith.constant 6 : i32
    %eq3A_465 = vector.broadcast %eq3A_464 : i32 to vector<64x128xi32>
    %eq3A_466 = arith.cmpi eq, %get3A_1, %eq3A_465 : vector<64x128xi32>
    %add3A_467 = vector.broadcast %add3A_447 : i32 to vector<64x128xi32>
    %add3A_468 = arith.addi %add3A_467, %convert_element_type3A_463 : vector<64x128xi32>
    %jit3A_469 = arith.constant 0 : i32
    %broadcast_in_dim3A_470 = vector.broadcast %jit3A_469 : i32 to vector<64x128xi32>
    %select_n3A_471 = arith.select %eq3A_466, %add3A_468, %broadcast_in_dim3A_470 : vector<64x128xi1>, vector<64x128xi32>
    %add3A_472 = arith.addi %add3A_398, %select_n3A_471 : vector<64x128xi32>
    %reduce_sum3A_473 = vector.shape_cast %convert_element_type3A_452 : vector<64x128xf32> to vector<1x64x128xf32>
    %reduce_sum3A_474 = arith.constant dense<0.000000e+00> : vector<1xf32>
    %reduce_sum3A_475 = vector.multi_reduction <add>, %reduce_sum3A_473, %reduce_sum3A_474 [1, 2] : vector<1x64x128xf32> to vector<1xf32>
    %reduce_sum3A_476 = vector.shape_cast %reduce_sum3A_475 : vector<1xf32> to vector<1x1x1xf32>
    %reduce_sum3A_477 = vector.extract %reduce_sum3A_476[0, 0, 0] : f32 from vector<1x1x1xf32>
    %convert_element_type3A_478 = arith.fptosi %reduce_sum3A_477 : f32 to i32
    %add3A_479 = arith.constant 512 : i32
    %add3A_480 = arith.addi %convert_element_type3A_478, %add3A_479 : i32
    %sub3A_481 = arith.constant 1 : i32
    %sub3A_482 = arith.subi %add3A_480, %sub3A_481 : i32
    %jit3A_483 = arith.constant 512 : i32
    %div3A_484 = arith.divsi %sub3A_482, %jit3A_483 : i32
    %sign3A_485 = arith.constant 0 : i32
    %sign3A_486 = arith.cmpi sgt, %sub3A_482, %sign3A_485 : i32
    %sign3A_487 = arith.extui %sign3A_486 : i1 to i32
    %sign3A_488 = arith.constant 0 : i32
    %sign3A_489 = arith.cmpi slt, %sub3A_482, %sign3A_488 : i32
    %sign3A_490 = arith.extui %sign3A_489 : i1 to i32
    %sign3A_491 = arith.subi %sign3A_487, %sign3A_490 : i32
    %sign3A_492 = arith.constant 0 : i32
    %sign3A_493 = arith.cmpi sgt, %jit3A_483, %sign3A_492 : i32
    %sign3A_494 = arith.extui %sign3A_493 : i1 to i32
    %sign3A_495 = arith.constant 0 : i32
    %sign3A_496 = arith.cmpi slt, %jit3A_483, %sign3A_495 : i32
    %sign3A_497 = arith.extui %sign3A_496 : i1 to i32
    %sign3A_498 = arith.subi %sign3A_494, %sign3A_497 : i32
    %ne3A_499 = arith.cmpi ne, %sign3A_491, %sign3A_498 : i32
    %rem3A_500 = arith.remsi %sub3A_482, %jit3A_483 : i32
    %ne3A_501 = arith.constant 0 : i32
    %ne3A_502 = arith.cmpi ne, %rem3A_500, %ne3A_501 : i32
    %and3A_503 = arith.andi %ne3A_499, %ne3A_502 : i1
    %sub3A_504 = arith.constant 1 : i32
    %sub3A_505 = arith.subi %div3A_484, %sub3A_504 : i32
    %select_n3A_506 = arith.select %and3A_503, %sub3A_505, %div3A_484 : i32
    %mul3A_507 = arith.constant 512 : i32
    %mul3A_508 = arith.muli %select_n3A_506, %mul3A_507 : i32
    %ge3A_509 = vector.broadcast %add3A_447 : i32 to vector<8x128xi32>
    %ge3A_510 = arith.cmpi sge, %mul3A_11, %ge3A_509 : vector<8x128xi32>
    %add3A_511 = arith.addi %add3A_447, %mul3A_508 : i32
    %lt3A_512 = vector.broadcast %add3A_511 : i32 to vector<8x128xi32>
    %lt3A_513 = arith.cmpi slt, %mul3A_11, %lt3A_512 : vector<8x128xi32>
    %and3A_514 = arith.andi %ge3A_510, %lt3A_513 : vector<8x128xi1>
    %jit3A_515 = arith.constant 6 : i32
    %jit3A_516 = arith.constant 0 : i32
    %broadcast_in_dim3A_517 = vector.broadcast %jit3A_515 : i32 to vector<8x128xi32>
    %broadcast_in_dim3A_518 = vector.broadcast %jit3A_516 : i32 to vector<8x128xi32>
    %select_n3A_519 = arith.select %and3A_514, %broadcast_in_dim3A_517, %broadcast_in_dim3A_518 : vector<8x128xi1>, vector<8x128xi32>
    %add3A_520 = arith.addi %add3A_446, %select_n3A_519 : vector<8x128xi32>
    %add3A_521 = arith.addi %add3A_447, %mul3A_508 : i32
    %eq3A_522 = arith.constant 7 : i32
    %eq3A_523 = vector.broadcast %eq3A_522 : i32 to vector<64x128xi32>
    %eq3A_524 = arith.cmpi eq, %get3A_1, %eq3A_523 : vector<64x128xi32>
    %convert_element_type3A_525 = arith.extui %eq3A_524 : vector<64x128xi1> to vector<64x128xi32>
    %convert_element_type3A_526 = arith.sitofp %convert_element_type3A_525 : vector<64x128xi32> to vector<64x128xf32>
    %dot_general3A_527 = arith.constant dense<0.000000e+00> : vector<64x128xf32>
    %dot_general3A_528 = tpu.matmul %convert_element_type3A_526, %convert_element_type3A_3, %dot_general3A_527 {dimension_numbers = #tpu.dot_dimension_numbers<[1], [0], [0], [1], [0, 0, 1, 1], [], []>, transpose_lhs_hint = false} : vector<64x128xf32>, vector<128x128xf32>, vector<64x128xf32> -> vector<64x128xf32>
    %slice3A_529 = vector.extract_strided_slice %dot_general3A_528 {offsets = [0, 127], sizes = [64, 1], strides = [1, 1]} : vector<64x128xf32> to vector<64x1xf32>
    %dot_general3A_530 = arith.constant dense<0.000000e+00> : vector<64x1xf32>
    %dot_general3A_531 = tpu.matmul %convert_element_type3A_7, %slice3A_529, %dot_general3A_530 {dimension_numbers = #tpu.dot_dimension_numbers<[1], [0], [0], [1], [0, 0, 1, 1], [], []>, transpose_lhs_hint = false} : vector<64x64xf32>, vector<64x1xf32>, vector<64x1xf32> -> vector<64x1xf32>
    %add3A_532 = vector.broadcast %dot_general3A_531 : vector<64x1xf32> to vector<64x128xf32>
    %add3A_533 = arith.addf %dot_general3A_528, %add3A_532 : vector<64x128xf32>
    %sub3A_534 = arith.constant 1.000000e+00 : f32
    %sub3A_535 = vector.broadcast %sub3A_534 : f32 to vector<64x128xf32>
    %sub3A_536 = arith.subf %add3A_533, %sub3A_535 : vector<64x128xf32>
    %convert_element_type3A_537 = arith.fptosi %sub3A_536 : vector<64x128xf32> to vector<64x128xi32>
    %eq3A_538 = arith.constant 7 : i32
    %eq3A_539 = vector.broadcast %eq3A_538 : i32 to vector<64x128xi32>
    %eq3A_540 = arith.cmpi eq, %get3A_1, %eq3A_539 : vector<64x128xi32>
    %add3A_541 = vector.broadcast %add3A_521 : i32 to vector<64x128xi32>
    %add3A_542 = arith.addi %add3A_541, %convert_element_type3A_537 : vector<64x128xi32>
    %jit3A_543 = arith.constant 0 : i32
    %broadcast_in_dim3A_544 = vector.broadcast %jit3A_543 : i32 to vector<64x128xi32>
    %select_n3A_545 = arith.select %eq3A_540, %add3A_542, %broadcast_in_dim3A_544 : vector<64x128xi1>, vector<64x128xi32>
    %add3A_546 = arith.addi %add3A_472, %select_n3A_545 : vector<64x128xi32>
    %reduce_sum3A_547 = vector.shape_cast %convert_element_type3A_526 : vector<64x128xf32> to vector<1x64x128xf32>
    %reduce_sum3A_548 = arith.constant dense<0.000000e+00> : vector<1xf32>
    %reduce_sum3A_549 = vector.multi_reduction <add>, %reduce_sum3A_547, %reduce_sum3A_548 [1, 2] : vector<1x64x128xf32> to vector<1xf32>
    %reduce_sum3A_550 = vector.shape_cast %reduce_sum3A_549 : vector<1xf32> to vector<1x1x1xf32>
    %reduce_sum3A_551 = vector.extract %reduce_sum3A_550[0, 0, 0] : f32 from vector<1x1x1xf32>
    %convert_element_type3A_552 = arith.fptosi %reduce_sum3A_551 : f32 to i32
    %add3A_553 = arith.constant 512 : i32
    %add3A_554 = arith.addi %convert_element_type3A_552, %add3A_553 : i32
    %sub3A_555 = arith.constant 1 : i32
    %sub3A_556 = arith.subi %add3A_554, %sub3A_555 : i32
    %jit3A_557 = arith.constant 512 : i32
    %div3A_558 = arith.divsi %sub3A_556, %jit3A_557 : i32
    %sign3A_559 = arith.constant 0 : i32
    %sign3A_560 = arith.cmpi sgt, %sub3A_556, %sign3A_559 : i32
    %sign3A_561 = arith.extui %sign3A_560 : i1 to i32
    %sign3A_562 = arith.constant 0 : i32
    %sign3A_563 = arith.cmpi slt, %sub3A_556, %sign3A_562 : i32
    %sign3A_564 = arith.extui %sign3A_563 : i1 to i32
    %sign3A_565 = arith.subi %sign3A_561, %sign3A_564 : i32
    %sign3A_566 = arith.constant 0 : i32
    %sign3A_567 = arith.cmpi sgt, %jit3A_557, %sign3A_566 : i32
    %sign3A_568 = arith.extui %sign3A_567 : i1 to i32
    %sign3A_569 = arith.constant 0 : i32
    %sign3A_570 = arith.cmpi slt, %jit3A_557, %sign3A_569 : i32
    %sign3A_571 = arith.extui %sign3A_570 : i1 to i32
    %sign3A_572 = arith.subi %sign3A_568, %sign3A_571 : i32
    %ne3A_573 = arith.cmpi ne, %sign3A_565, %sign3A_572 : i32
    %rem3A_574 = arith.remsi %sub3A_556, %jit3A_557 : i32
    %ne3A_575 = arith.constant 0 : i32
    %ne3A_576 = arith.cmpi ne, %rem3A_574, %ne3A_575 : i32
    %and3A_577 = arith.andi %ne3A_573, %ne3A_576 : i1
    %sub3A_578 = arith.constant 1 : i32
    %sub3A_579 = arith.subi %div3A_558, %sub3A_578 : i32
    %select_n3A_580 = arith.select %and3A_577, %sub3A_579, %div3A_558 : i32
    %mul3A_581 = arith.constant 512 : i32
    %mul3A_582 = arith.muli %select_n3A_580, %mul3A_581 : i32
    %ge3A_583 = vector.broadcast %add3A_521 : i32 to vector<8x128xi32>
    %ge3A_584 = arith.cmpi sge, %mul3A_11, %ge3A_583 : vector<8x128xi32>
    %add3A_585 = arith.addi %add3A_521, %mul3A_582 : i32
    %lt3A_586 = vector.broadcast %add3A_585 : i32 to vector<8x128xi32>
    %lt3A_587 = arith.cmpi slt, %mul3A_11, %lt3A_586 : vector<8x128xi32>
    %and3A_588 = arith.andi %ge3A_584, %lt3A_587 : vector<8x128xi1>
    %jit3A_589 = arith.constant 7 : i32
    %jit3A_590 = arith.constant 0 : i32
    %broadcast_in_dim3A_591 = vector.broadcast %jit3A_589 : i32 to vector<8x128xi32>
    %broadcast_in_dim3A_592 = vector.broadcast %jit3A_590 : i32 to vector<8x128xi32>
    %select_n3A_593 = arith.select %and3A_588, %broadcast_in_dim3A_591, %broadcast_in_dim3A_592 : vector<8x128xi1>, vector<8x128xi32>
    %add3A_594 = arith.addi %add3A_520, %select_n3A_593 : vector<8x128xi32>
    %add3A_595 = arith.addi %add3A_521, %mul3A_582 : i32
    %ge3A_596 = vector.broadcast %add3A_595 : i32 to vector<8x128xi32>
    %ge3A_597 = arith.cmpi sge, %mul3A_11, %ge3A_596 : vector<8x128xi32>
    %jit3A_598 = arith.constant 7 : i32
    %jit3A_599 = arith.constant 0 : i32
    %broadcast_in_dim3A_600 = vector.broadcast %jit3A_598 : i32 to vector<8x128xi32>
    %broadcast_in_dim3A_601 = vector.broadcast %jit3A_599 : i32 to vector<8x128xi32>
    %select_n3A_602 = arith.select %ge3A_597, %broadcast_in_dim3A_600, %broadcast_in_dim3A_601 : vector<8x128xi1>, vector<8x128xi32>
    %add3A_603 = arith.addi %add3A_594, %select_n3A_602 : vector<8x128xi32>
    %swap3A = arith.constant 0 : index
    %swap3A_604 = arith.constant 0 : index
    %swap3A_605 = vector.load %arg1[%swap3A, %swap3A_604] : memref<64x128xi32, #tpu.memory_space<vmem>>, vector<64x128xi32>
    tpu.vector_store %arg1[%swap3A, %swap3A_604], %add3A_546 {strides = array<i32>} : memref<64x128xi32, #tpu.memory_space<vmem>>, vector<64x128xi32>,
    %swap3A_606 = arith.constant 0 : index
    %swap3A_607 = arith.constant 0 : index
    %swap3A_608 = vector.load %arg2[%swap3A_606, %swap3A_607] : memref<8x128xi32, #tpu.memory_space<vmem>>, vector<8x128xi32>
    tpu.vector_store %arg2[%swap3A_606, %swap3A_607], %add3A_603 {strides = array<i32>} : memref<8x128xi32, #tpu.memory_space<vmem>>, vector<8x128xi32>,
    return
  }
}

module attributes {stable_mosaic.version = 14 : i64} {
  func.func @_group_body(%arg0: i32, %arg1: memref<24xi32, #tpu.memory_space<smem>>, %arg2: memref<512x1024xf32, #tpu.memory_space<vmem>>, %arg3: memref<1x1024x2048xf32, #tpu.memory_space<vmem>>, %arg4: memref<1x1x2048xf32, #tpu.memory_space<vmem>>, %arg5: memref<1x2048x1024xf32, #tpu.memory_space<vmem>>, %arg6: memref<1x1x1024xf32, #tpu.memory_space<vmem>>, %arg7: memref<512x1024xf32, #tpu.memory_space<vmem>>) attributes {dimension_semantics = [#tpu.dimension_semantics<arbitrary>], iteration_bounds = array<i64: 24>, scalar_prefetch = 1 : i64, scratch_operands = 0 : i64, tpu.core_type = #tpu.core_type<tc>, window_params = [{transform_indices = @transform_0, window_bounds = array<i64: 512, 1024>}, {transform_indices = @transform_1, window_bounds = array<i64: 1, 1024, 2048>}, {transform_indices = @transform_2, window_bounds = array<i64: 1, 1, 2048>}, {transform_indices = @transform_3, window_bounds = array<i64: 1, 2048, 1024>}, {transform_indices = @transform_4, window_bounds = array<i64: 1, 1, 1024>}, {transform_indices = @transform_5, window_bounds = array<i64: 512, 1024>}]} {
    %get3A = arith.constant 0 : index
    %get3A_0 = arith.constant 0 : index
    %get3A_1 = vector.load %arg2[%get3A, %get3A_0] : memref<512x1024xf32, #tpu.memory_space<vmem>>, vector<512x1024xf32>
    %convert_element_type3A = arith.truncf %get3A_1 : vector<512x1024xf32> to vector<512x1024xbf16>
    %get3A_2 = arith.constant 0 : index
    %get3A_3 = arith.constant 0 : index
    %get3A_4 = arith.constant 0 : index
    %get3A_5 = vector.load %arg3[%get3A_2, %get3A_3, %get3A_4] : memref<1x1024x2048xf32, #tpu.memory_space<vmem>>, vector<1x1024x2048xf32>
    %get3A_6 = vector.shape_cast %get3A_5 : vector<1x1024x2048xf32> to vector<1024x2048xf32>
    %convert_element_type3A_7 = arith.truncf %get3A_6 : vector<1024x2048xf32> to vector<1024x2048xbf16>
    %dot_general3A = arith.constant dense<0.000000e+00> : vector<512x2048xf32>
    %dot_general3A_8 = tpu.matmul %convert_element_type3A, %convert_element_type3A_7, %dot_general3A {dimension_numbers = #tpu.dot_dimension_numbers<[1], [0], [0], [1], [0, 0, 1, 1], [], []>, transpose_lhs_hint = false} : vector<512x1024xbf16>, vector<1024x2048xbf16>, vector<512x2048xf32> -> vector<512x2048xf32>
    %get3A_9 = arith.constant 0 : index
    %get3A_10 = arith.constant 0 : index
    %get3A_11 = arith.constant 0 : index
    %get3A_12 = vector.load %arg4[%get3A_9, %get3A_10, %get3A_11] : memref<1x1x2048xf32, #tpu.memory_space<vmem>>, vector<1x1x2048xf32>
    %get3A_13 = vector.shape_cast %get3A_12 : vector<1x1x2048xf32> to vector<1x2048xf32>
    %add3A = vector.broadcast %get3A_13 : vector<1x2048xf32> to vector<512x2048xf32>
    %add3A_14 = arith.addf %dot_general3A_8, %add3A : vector<512x2048xf32>
    %mul3A = arith.constant 5.000000e-01 : f32
    %mul3A_15 = vector.broadcast %mul3A : f32 to vector<512x2048xf32>
    %mul3A_16 = arith.mulf %mul3A_15, %add3A_14 : vector<512x2048xf32>
    %mul3A_17 = arith.constant 0.707106769 : f32
    %mul3A_18 = vector.broadcast %mul3A_17 : f32 to vector<512x2048xf32>
    %mul3A_19 = arith.mulf %add3A_14, %mul3A_18 : vector<512x2048xf32>
    %erf3A = math.erf %mul3A_19 : vector<512x2048xf32>
    %add3A_20 = arith.constant 1.000000e+00 : f32
    %add3A_21 = vector.broadcast %add3A_20 : f32 to vector<512x2048xf32>
    %add3A_22 = arith.addf %add3A_21, %erf3A : vector<512x2048xf32>
    %mul3A_23 = arith.mulf %mul3A_16, %add3A_22 : vector<512x2048xf32>
    %convert_element_type3A_24 = arith.truncf %mul3A_23 : vector<512x2048xf32> to vector<512x2048xbf16>
    %get3A_25 = arith.constant 0 : index
    %get3A_26 = arith.constant 0 : index
    %get3A_27 = arith.constant 0 : index
    %get3A_28 = vector.load %arg5[%get3A_25, %get3A_26, %get3A_27] : memref<1x2048x1024xf32, #tpu.memory_space<vmem>>, vector<1x2048x1024xf32>
    %get3A_29 = vector.shape_cast %get3A_28 : vector<1x2048x1024xf32> to vector<2048x1024xf32>
    %convert_element_type3A_30 = arith.truncf %get3A_29 : vector<2048x1024xf32> to vector<2048x1024xbf16>
    %dot_general3A_31 = arith.constant dense<0.000000e+00> : vector<512x1024xf32>
    %dot_general3A_32 = tpu.matmul %convert_element_type3A_24, %convert_element_type3A_30, %dot_general3A_31 {dimension_numbers = #tpu.dot_dimension_numbers<[1], [0], [0], [1], [0, 0, 1, 1], [], []>, transpose_lhs_hint = false} : vector<512x2048xbf16>, vector<2048x1024xbf16>, vector<512x1024xf32> -> vector<512x1024xf32>
    %get3A_33 = arith.constant 0 : index
    %get3A_34 = arith.constant 0 : index
    %get3A_35 = arith.constant 0 : index
    %get3A_36 = vector.load %arg6[%get3A_33, %get3A_34, %get3A_35] : memref<1x1x1024xf32, #tpu.memory_space<vmem>>, vector<1x1x1024xf32>
    %get3A_37 = vector.shape_cast %get3A_36 : vector<1x1x1024xf32> to vector<1x1024xf32>
    %add3A_38 = vector.broadcast %get3A_37 : vector<1x1024xf32> to vector<512x1024xf32>
    %add3A_39 = arith.addf %dot_general3A_32, %add3A_38 : vector<512x1024xf32>
    %swap3A = arith.constant 0 : index
    %swap3A_40 = arith.constant 0 : index
    %swap3A_41 = vector.load %arg7[%swap3A, %swap3A_40] : memref<512x1024xf32, #tpu.memory_space<vmem>>, vector<512x1024xf32>
    tpu.vector_store %arg7[%swap3A, %swap3A_40], %add3A_39 {strides = array<i32>} : memref<512x1024xf32, #tpu.memory_space<vmem>>, vector<512x1024xf32>,
    return
  }
  func.func @transform_0(%arg0: i32, %arg1: memref<24xi32, #tpu.memory_space<smem>>) -> (i32, i32) {
    %c0_i32 = arith.constant 0 : i32
    %c0_i32_0 = arith.constant 0 : i32
    return %arg0, %c0_i32 : i32, i32
  }
  func.func @transform_1(%arg0: i32, %arg1: memref<24xi32, #tpu.memory_space<smem>>) -> (i32, i32, i32) {
    %get3A = arith.index_cast %arg0 : i32 to index
    %get3A_0 = memref.load %arg1[%get3A] : memref<24xi32, #tpu.memory_space<smem>>
    %c0_i32 = arith.constant 0 : i32
    %c0_i32_1 = arith.constant 0 : i32
    %c0_i32_2 = arith.constant 0 : i32
    return %get3A_0, %c0_i32, %c0_i32_1 : i32, i32, i32
  }
  func.func @transform_2(%arg0: i32, %arg1: memref<24xi32, #tpu.memory_space<smem>>) -> (i32, i32, i32) {
    %get3A = arith.index_cast %arg0 : i32 to index
    %get3A_0 = memref.load %arg1[%get3A] : memref<24xi32, #tpu.memory_space<smem>>
    %c0_i32 = arith.constant 0 : i32
    %c0_i32_1 = arith.constant 0 : i32
    %c0_i32_2 = arith.constant 0 : i32
    return %get3A_0, %c0_i32, %c0_i32_1 : i32, i32, i32
  }
  func.func @transform_3(%arg0: i32, %arg1: memref<24xi32, #tpu.memory_space<smem>>) -> (i32, i32, i32) {
    %get3A = arith.index_cast %arg0 : i32 to index
    %get3A_0 = memref.load %arg1[%get3A] : memref<24xi32, #tpu.memory_space<smem>>
    %c0_i32 = arith.constant 0 : i32
    %c0_i32_1 = arith.constant 0 : i32
    %c0_i32_2 = arith.constant 0 : i32
    return %get3A_0, %c0_i32, %c0_i32_1 : i32, i32, i32
  }
  func.func @transform_4(%arg0: i32, %arg1: memref<24xi32, #tpu.memory_space<smem>>) -> (i32, i32, i32) {
    %get3A = arith.index_cast %arg0 : i32 to index
    %get3A_0 = memref.load %arg1[%get3A] : memref<24xi32, #tpu.memory_space<smem>>
    %c0_i32 = arith.constant 0 : i32
    %c0_i32_1 = arith.constant 0 : i32
    %c0_i32_2 = arith.constant 0 : i32
    return %get3A_0, %c0_i32, %c0_i32_1 : i32, i32, i32
  }
  func.func @transform_5(%arg0: i32, %arg1: memref<24xi32, #tpu.memory_space<smem>>) -> (i32, i32) {
    %c0_i32 = arith.constant 0 : i32
    %c0_i32_0 = arith.constant 0 : i32
    return %arg0, %c0_i32 : i32, i32
  }
}

module attributes {stable_mosaic.version = 14 : i64} {
  func.func @_shared_body(%arg0: i32, %arg1: memref<512x1024xf32, #tpu.memory_space<vmem>>, %arg2: memref<1024x2048xf32, #tpu.memory_space<vmem>>, %arg3: memref<1x2048xf32, #tpu.memory_space<vmem>>, %arg4: memref<2048x1024xf32, #tpu.memory_space<vmem>>, %arg5: memref<1x1024xf32, #tpu.memory_space<vmem>>, %arg6: memref<512x16xf32, #tpu.memory_space<vmem>>, %arg7: memref<512x2048xf32, #tpu.memory_space<vmem>>, %arg8: memref<512x1024xf32, #tpu.memory_space<vmem>>) attributes {dimension_semantics = [#tpu.dimension_semantics<arbitrary>], iteration_bounds = array<i64: 8>, scalar_prefetch = 0 : i64, scratch_operands = 0 : i64, tpu.core_type = #tpu.core_type<tc>, window_params = [{transform_indices = @transform_0, window_bounds = array<i64: 512, 1024>}, {pipeline_mode = #tpu.pipeline_mode<synchronous>, transform_indices = @transform_1, window_bounds = array<i64: 1024, 2048>}, {pipeline_mode = #tpu.pipeline_mode<synchronous>, transform_indices = @transform_2, window_bounds = array<i64: 1, 2048>}, {pipeline_mode = #tpu.pipeline_mode<synchronous>, transform_indices = @transform_3, window_bounds = array<i64: 2048, 1024>}, {pipeline_mode = #tpu.pipeline_mode<synchronous>, transform_indices = @transform_4, window_bounds = array<i64: 1, 1024>}, {transform_indices = @transform_5, window_bounds = array<i64: 512, 16>}, {transform_indices = @transform_6, window_bounds = array<i64: 512, 2048>}, {transform_indices = @transform_7, window_bounds = array<i64: 512, 1024>}]} {
    %get3A = arith.constant 0 : index
    %get3A_0 = arith.constant 0 : index
    %get3A_1 = vector.load %arg1[%get3A, %get3A_0] : memref<512x1024xf32, #tpu.memory_space<vmem>>, vector<512x1024xf32>
    %convert_element_type3A = arith.truncf %get3A_1 : vector<512x1024xf32> to vector<512x1024xbf16>
    %get3A_2 = arith.constant 0 : index
    %get3A_3 = arith.constant 0 : index
    %get3A_4 = vector.load %arg2[%get3A_2, %get3A_3] : memref<1024x2048xf32, #tpu.memory_space<vmem>>, vector<1024x2048xf32>
    %convert_element_type3A_5 = arith.truncf %get3A_4 : vector<1024x2048xf32> to vector<1024x2048xbf16>
    %dot_general3A = arith.constant dense<0.000000e+00> : vector<512x2048xf32>
    %dot_general3A_6 = tpu.matmul %convert_element_type3A, %convert_element_type3A_5, %dot_general3A {dimension_numbers = #tpu.dot_dimension_numbers<[1], [0], [0], [1], [0, 0, 1, 1], [], []>, transpose_lhs_hint = false} : vector<512x1024xbf16>, vector<1024x2048xbf16>, vector<512x2048xf32> -> vector<512x2048xf32>
    %get3A_7 = arith.constant 0 : index
    %get3A_8 = arith.constant 0 : index
    %get3A_9 = vector.load %arg3[%get3A_7, %get3A_8] : memref<1x2048xf32, #tpu.memory_space<vmem>>, vector<1x2048xf32>
    %add3A = vector.broadcast %get3A_9 : vector<1x2048xf32> to vector<512x2048xf32>
    %add3A_10 = arith.addf %dot_general3A_6, %add3A : vector<512x2048xf32>
    %mul3A = arith.constant 5.000000e-01 : f32
    %mul3A_11 = vector.broadcast %mul3A : f32 to vector<512x2048xf32>
    %mul3A_12 = arith.mulf %mul3A_11, %add3A_10 : vector<512x2048xf32>
    %mul3A_13 = arith.constant 0.707106769 : f32
    %mul3A_14 = vector.broadcast %mul3A_13 : f32 to vector<512x2048xf32>
    %mul3A_15 = arith.mulf %add3A_10, %mul3A_14 : vector<512x2048xf32>
    %erf3A = math.erf %mul3A_15 : vector<512x2048xf32>
    %add3A_16 = arith.constant 1.000000e+00 : f32
    %add3A_17 = vector.broadcast %add3A_16 : f32 to vector<512x2048xf32>
    %add3A_18 = arith.addf %add3A_17, %erf3A : vector<512x2048xf32>
    %mul3A_19 = arith.mulf %mul3A_12, %add3A_18 : vector<512x2048xf32>
    %convert_element_type3A_20 = arith.truncf %mul3A_19 : vector<512x2048xf32> to vector<512x2048xbf16>
    %get3A_21 = arith.constant 0 : index
    %get3A_22 = arith.constant 0 : index
    %get3A_23 = vector.load %arg4[%get3A_21, %get3A_22] : memref<2048x1024xf32, #tpu.memory_space<vmem>>, vector<2048x1024xf32>
    %convert_element_type3A_24 = arith.truncf %get3A_23 : vector<2048x1024xf32> to vector<2048x1024xbf16>
    %dot_general3A_25 = arith.constant dense<0.000000e+00> : vector<512x1024xf32>
    %dot_general3A_26 = tpu.matmul %convert_element_type3A_20, %convert_element_type3A_24, %dot_general3A_25 {dimension_numbers = #tpu.dot_dimension_numbers<[1], [0], [0], [1], [0, 0, 1, 1], [], []>, transpose_lhs_hint = false} : vector<512x2048xbf16>, vector<2048x1024xbf16>, vector<512x1024xf32> -> vector<512x1024xf32>
    %get3A_27 = arith.constant 0 : index
    %get3A_28 = arith.constant 0 : index
    %get3A_29 = vector.load %arg7[%get3A_27, %get3A_28] : memref<512x2048xf32, #tpu.memory_space<vmem>>, vector<512x2048xf32>
    %get3A_30 = arith.constant 0 : index
    %get3A_31 = arith.constant 0 : index
    %get3A_32 = vector.load %arg6[%get3A_30, %get3A_31] : memref<512x16xf32, #tpu.memory_space<vmem>>, vector<512x1xf32>
    %get3A_33 = arith.constant 0 : index
    %get3A_34 = arith.constant 1 : index
    %get3A_35 = vector.load %arg6[%get3A_33, %get3A_34] : memref<512x16xf32, #tpu.memory_space<vmem>>, vector<512x1xf32>
    %get3A_36 = arith.constant 0 : index
    %get3A_37 = arith.constant 0 : index
    %get3A_38 = vector.load %arg5[%get3A_36, %get3A_37] : memref<1x1024xf32, #tpu.memory_space<vmem>>, vector<1x1024xf32>
    %add3A_39 = vector.broadcast %get3A_38 : vector<1x1024xf32> to vector<512x1024xf32>
    %add3A_40 = arith.addf %dot_general3A_26, %add3A_39 : vector<512x1024xf32>
    %slice3A = vector.extract_strided_slice %get3A_29 {offsets = [0, 0], sizes = [512, 1024], strides = [1, 1]} : vector<512x2048xf32> to vector<512x1024xf32>
    %mul3A_41 = vector.broadcast %get3A_32 : vector<512x1xf32> to vector<512x1024xf32>
    %mul3A_42 = arith.mulf %slice3A, %mul3A_41 : vector<512x1024xf32>
    %add3A_43 = arith.addf %add3A_40, %mul3A_42 : vector<512x1024xf32>
    %slice3A_44 = vector.extract_strided_slice %get3A_29 {offsets = [0, 1024], sizes = [512, 1024], strides = [1, 1]} : vector<512x2048xf32> to vector<512x1024xf32>
    %mul3A_45 = vector.broadcast %get3A_35 : vector<512x1xf32> to vector<512x1024xf32>
    %mul3A_46 = arith.mulf %slice3A_44, %mul3A_45 : vector<512x1024xf32>
    %add3A_47 = arith.addf %add3A_43, %mul3A_46 : vector<512x1024xf32>
    %swap3A = arith.constant 0 : index
    %swap3A_48 = arith.constant 0 : index
    %swap3A_49 = vector.load %arg8[%swap3A, %swap3A_48] : memref<512x1024xf32, #tpu.memory_space<vmem>>, vector<512x1024xf32>
    tpu.vector_store %arg8[%swap3A, %swap3A_48], %add3A_47 {strides = array<i32>} : memref<512x1024xf32, #tpu.memory_space<vmem>>, vector<512x1024xf32>,
    return
  }
  func.func @transform_0(%arg0: i32) -> (i32, i32) {
    %c0_i32 = arith.constant 0 : i32
    %c0_i32_0 = arith.constant 0 : i32
    return %arg0, %c0_i32 : i32, i32
  }
  func.func @transform_1(%arg0: i32) -> (i32, i32) {
    %c0_i32 = arith.constant 0 : i32
    %c0_i32_0 = arith.constant 0 : i32
    %c0_i32_1 = arith.constant 0 : i32
    return %c0_i32, %c0_i32_0 : i32, i32
  }
  func.func @transform_2(%arg0: i32) -> (i32, i32) {
    %c0_i32 = arith.constant 0 : i32
    %c0_i32_0 = arith.constant 0 : i32
    %c0_i32_1 = arith.constant 0 : i32
    return %c0_i32, %c0_i32_0 : i32, i32
  }
  func.func @transform_3(%arg0: i32) -> (i32, i32) {
    %c0_i32 = arith.constant 0 : i32
    %c0_i32_0 = arith.constant 0 : i32
    %c0_i32_1 = arith.constant 0 : i32
    return %c0_i32, %c0_i32_0 : i32, i32
  }
  func.func @transform_4(%arg0: i32) -> (i32, i32) {
    %c0_i32 = arith.constant 0 : i32
    %c0_i32_0 = arith.constant 0 : i32
    %c0_i32_1 = arith.constant 0 : i32
    return %c0_i32, %c0_i32_0 : i32, i32
  }
  func.func @transform_5(%arg0: i32) -> (i32, i32) {
    %c0_i32 = arith.constant 0 : i32
    %c0_i32_0 = arith.constant 0 : i32
    return %arg0, %c0_i32 : i32, i32
  }
  func.func @transform_6(%arg0: i32) -> (i32, i32) {
    %c0_i32 = arith.constant 0 : i32
    %c0_i32_0 = arith.constant 0 : i32
    return %arg0, %c0_i32 : i32, i32
  }
  func.func @transform_7(%arg0: i32) -> (i32, i32) {
    %c0_i32 = arith.constant 0 : i32
    %c0_i32_0 = arith.constant 0 : i32
    return %arg0, %c0_i32 : i32, i32
  }
}

</mosaic_0001>

<sc_bundles>
// kernel: kernel.11.cloned.1.call-start
scs
__scs_entry_jumppad:
0x0: {  	(pc) =	sbr.rel $0x88, $3  }
0x1: {  	(tag) =	ssettag $0x0;
	lr =	simm.s32 $0x1  }
0x2: {  	[smem:$0x3F96] =	sst lr;
	_ =	strace $0xD0000000  }
0x3: {  	_ = 	snop  }
0x4: {  	_ = 	snop  }
0x5: {  	_ = 	snop  }
0x6: {  	_ = 	snop  }
0x7: {  	_ = 	snop  }
__scs_overlays_trampoline_lowered:
0x8: {  	[smem:$0x3FA5] =	sst s0  }
0x9: {  	[smem:$0x3FA6] =	sst s1  }
0xa: {  	[smem:$0x3FA7] =	sst s2  }
0xb: {  	[smem:$0x3FA8] =	sst s3  }
0xc: {  	[smem:$0x3FA9] =	sst s4  }
0xd: {  	[smem:$0x3FAA] =	sst s5  }
0xe: {  	[smem:$0x3FAB] =	sst s6  }
0xf: {  	[smem:$0x3FAC] =	sst s7  }
0x10: {  	[smem:$0x3FAD] =	sst s8  }
0x11: {  	[smem:$0x3FAE] =	sst s9;
	s0 =	simm.s32 @!p0 $0x0  }
0x12: {  	s1 =	sld [smem:$0x3F94];
	s0 =	simm.s32 @p0 $0x1  }
0x13: {  	[smem:$0x3FAF] =	sst s0;
	s0 =	simm.s32 @!p1 $0x0  }
0x14: {  	s2 =	sld [smem:$0x3F93];
	s0 =	simm.s32 @p1 $0x1  }
0x15: {  	[smem:$0x3FB0] =	sst s0;
	s0 =	simm.s32 @!p2 $0x0  }
0x16: {  	s3 =	sld [smem:$0x3FDB];
	s0 =	simm.s32 @p2 $0x1  }
0x17: {  	s4 =	simm.s32 $0x1BF5;
	[smem:$0x3FB2] =	sst s0  }
0x18: {  	s0 =	sld [smem:$0x3F95];
	_ =	swait.ge [sflag:s4], $0x0  }
0x19: {  	s7 =	sld [smem:$0x3F96]  }
0x1a: {  	s8 =	sadd.s32 $0xFFFFE003, lr  }
0x1b: {  	s9 =	sadd.s32 $0xFFFFFEF7, lr;
	s5 =	simm.s32 $0xFFFFFFFF;
	p2 =	slt.u32 s8, $0xFFFFF086  }
0x1c: {  	p1 =	slt.u32 s9, $0xF7A;
	s5 =	simm.s32 @!p2 $0x0  }
0x1d: {  	s5 =	simm.s32 @p1 $0x1;
	p0 =	seq.s32 s7, s2  }
0x1e: {  	s7 =	smul.u32 @!p0 $0xF7A, s2;
	p2 =	seq.s32 @!p0 s5, $0x0  }
0x1f: {  	s9 =	smul.u32 $0xF7A, s1;
	s8 =	simm.s32 @!p0 $0x1BF5;
	p2 =	por !p2, p0  }
0x20: {  	[sflag:s8] =	ssyncset.s32 @!p0 $0xFFFFF086;
	s6 =	sadd.s32 @!p0 s3, s7;
	s7 =	simm.s32 @!p0 $0x108  }
0x21: {  	s3 =	sadd.s32 s3, s9;
	s6 =	sadd.s32 @!p0 $0x88, s6;
	s7 =	simm.s32 @p2 $0x1082  }
0x22: {  	[simem:s7], [sflag:s8] =	dma.local @!p0 [hbm:s6], $0xF7A  }
0x23: {  	s9 =	sor.u32 $0xD0000000, s2;
	s6 =	simm.s32 $0x108;
	_ =	swait.ge @!p0 [sflag:s8], $0x0  }
0x24: {  	s3 =	sadd.s32 $0x88, s3;
	s6 =	simm.s32 @!p1 $0x1082;
	[sflag:s4] =	ssyncset.s32 $0xFFFFF086  }
0x25: {  	[simem:s6], [sflag:s4] =	dma.local [hbm:s3], $0xF7A  }
0x26: {  	[smem:$0x3F96] =	sst s1;
	(tag) =	ssettag s2;
	_ =	strace s9  }
0x27: {  	s1 =	sld [smem:$0x3FA6]  }
0x28: {  	s2 =	sld [smem:$0x3FA7]  }
0x29: {  	s4 =	sld [smem:$0x3FA9]  }
0x2a: {  	p0 =	seq.s32 s5, $0x0;
	s5 =	sld [smem:$0x3FAA]  }
0x2b: {  	s6 =	sld [smem:$0x3FAB]  }
0x2c: {  	s7 =	sld [smem:$0x3FAC]  }
0x2d: {  	s3 =	simm.s32 $0x108;
	s8 =	sld [smem:$0x3FAD]  }
0x2e: {  	s3 =	simm.s32 @!p0 $0x1082;
	s9 =	sld [smem:$0x3FAE]  }
0x2f: {  	lr =	sadd.s32 s0, s3;
	s0 =	sld [smem:$0x3FA5]  }
0x30: {  	s3 =	sld [smem:$0x3FA8]  }
0x31: {  	[smem:$0x3FB1] =	sst s10  }
0x32: {  	s10 =	sld [smem:$0x3FAF];
	_ =	sdelay $0x3  }
0x33: {  	p0 =	seq.s32 s10, $0x1;
	s10 =	sld [smem:$0x3FB1];
	_ =	sdelay $0x3  }
0x34: {  	[smem:$0x3FB1] =	sst s10  }
0x35: {  	s10 =	sld [smem:$0x3FB0];
	_ =	sdelay $0x3  }
0x36: {  	p1 =	seq.s32 s10, $0x1;
	s10 =	sld [smem:$0x3FB1];
	_ =	sdelay $0x3  }
0x37: {  	[smem:$0x3FB1] =	sst s10  }
0x38: {  	s10 =	sld [smem:$0x3FB2]  }
0x39: {  	_ = 	snop;
	(pc) =	sbr.ind lr, $3  }
0x3a: {  	_ = 	snop  }
0x3b: {  	_ = 	snop  }
0x3c: {  	p2 =	seq.s32 s10, $0x1;
	s10 =	sld [smem:$0x3FB1]  }
0x3d: {  	_ =	shalt  }
0x3e: {  	_ =	shalt  }
0x3f: {  	_ =	shalt  }
0x40: {  	_ =	shalt  }
0x41: {  	_ =	shalt  }
0x42: {  	_ =	shalt  }
0x43: {  	_ =	shalt  }
0x44: {  	_ =	shalt  }
0x45: {  	_ =	shalt  }
0x46: {  	_ =	shalt  }
0x47: {  	_ =	shalt  }
0x48: {  	_ =	shalt  }
0x49: {  	_ =	shalt  }
0x4a: {  	_ =	shalt  }
0x4b: {  	_ =	shalt  }
0x4c: {  	_ =	shalt  }
0x4d: {  	_ =	shalt  }
0x4e: {  	_ =	shalt  }
0x4f: {  	_ =	shalt  }
0x50: {  	_ =	shalt  }
0x51: {  	_ =	shalt  }
0x52: {  	_ =	shalt  }
0x53: {  	_ =	shalt  }
0x54: {  	_ =	shalt  }
0x55: {  	_ =	shalt  }
0x56: {  	_ =	shalt  }
0x57: {  	_ =	shalt  }
0x58: {  	_ =	shalt  }
0x59: {  	_ =	shalt  }
0x5a: {  	_ =	shalt  }
0x5b: {  	_ =	shalt  }
0x5c: {  	_ =	shalt  }
0x5d: {  	_ =	shalt  }
0x5e: {  	_ =	shalt  }
0x5f: {  	_ =	shalt  }
0x60: {  	_ =	shalt  }
0x61: {  	_ =	shalt  }
0x62: {  	_ =	shalt  }
0x63: {  	_ =	shalt  }
0x64: {  	_ =	shalt  }
0x65: {  	_ =	shalt  }
0x66: {  	_ =	shalt  }
0x67: {  	_ =	shalt  }
0x68: {  	_ =	shalt  }
0x69: {  	_ =	shalt  }
0x6a: {  	_ =	shalt  }
0x6b: {  	_ =	shalt  }
0x6c: {  	_ =	shalt  }
0x6d: {  	_ =	shalt  }
0x6e: {  	_ =	shalt  }
0x6f: {  	_ =	shalt  }
0x70: {  	_ =	shalt  }
0x71: {  	_ =	shalt  }
0x72: {  	_ =	shalt  }
0x73: {  	_ =	shalt  }
0x74: {  	_ =	shalt  }
0x75: {  	_ =	shalt  }
0x76: {  	_ =	shalt  }
0x77: {  	_ =	shalt  }
0x78: {  	_ =	shalt  }
0x79: {  	_ =	shalt  }
0x7a: {  	_ =	shalt  }
0x7b: {  	_ =	shalt  }
0x7c: {  	_ =	shalt  }
0x7d: {  	_ =	shalt  }
0x7e: {  	_ =	shalt  }
0x7f: {  	_ =	shalt  }
0x80: {  	_ =	shalt  }
0x81: {  	_ =	shalt  }
0x82: {  	_ =	shalt  }
0x83: {  	_ =	shalt  }
0x84: {  	_ =	shalt  }
0x85: {  	_ =	shalt  }
0x86: {  	_ =	shalt  }
0x87: {  	_ =	shalt  }
.Lfunc_end0:
.L_simem_size_0:
called_computation.1_lowered:
.L_overlay_start_0:
0x88: {  	s2 =	sld [smem:$0x3FD9]  }
0x89: {  	s3 =	sld [smem:$0x3FFE];
	_ =	sdelay $0x1  }
0x8a: {  	s1 =	srdreg.scid  }
0x8b: {  	s0 =	sand.u32 $0x1, s1  }
0x8c: {  	s16 =	sshll.u32 s0, $0xA;
	s2 =	sadd.s32 s3, s2  }
0x8d: {  	s2 =	sadd.s32 s2, s16  }
0x8e: {  	[smem:$0x3FBD] =	sst s2  }
0x8f: {  	_ = 	snop  }
0x90: {  	(tm) =	ssettm $0x1  }
0x91: {  	s17 =	sld [smem:$0x3FFB];
	_ =	sdelay $0x3  }
0x92: {  	_ =	strace s17  }
0x93: {  	s2 =	sld [smem:$0x3FFC];
	_ =	sdelay $0x3  }
0x94: {  	_ =	strace s2  }
0x95: {  	s2 =	sld [smem:$0x3FFD];
	_ =	sdelay $0x3  }
0x96: {  	_ =	strace s2  }
0x97: {  	_ =	strace $0x8FFFFFFF  }
0x98: {  	s18 =	sld [smem:$0x3FDB];
	_ =	sdelay $0x1  }
0x99: {  	s19 =	simm.s32 $_scs_section_size  }
0x9a: {  	s4 =	simm.s32 $_size__tile_overlayer_lowered;
	s5 =	simm.s32 $_tile_overlayer_lowered  }
0x9b: {  	s22 =	simm.s32 $0x1BFF;
	s21 =	sshll.u32 s5, $0x1;
	s2 =	sadd.s32 s19, s18  }
0x9c: {  	s6 =	simm.s32 $0x0;
	s20 =	sshll.u32 s4, $0x1;
	s4 =	sadd.s32 s21, s2  }
0x9d: {  	[timem:s6], [sflag:s22] =	dma.local [hbm:s4], s20  }
0x9e: {  	_ =	swait.ge [sflag:s22], s20  }
0x9f: {  	s3 =	ssub.s32 $0x0, s20;
	[sflag:s22] =	ssyncset.done $0x0  }
0xa0: {  	[sflag:s22] =	ssyncadd.s32 s3;
	_ =	sdelay $0x1  }
0xa1: {  	s23 =	simm.s32 $0x1B8B  }
0xa2: {  	_ =	swait.ge [sflag:s23], $0x1  }
0xa3: {  	[sflag:s23] =	ssyncset.done $0x0  }
0xa4: {  	s25 =	simm.s32 $0x1B8E;
	s24 =	sld [smem:$0x3FFE];
	[sflag:s23] =	ssyncadd.s32 $0xFFFFFFFF  }
0xa5: {  	s26 =	simm.s32 $execute0_lowered;
	[smem:$0x3FD2] =	sst s25  }
0xa6: {  	s4 =	sshll.u32 s26, $0x1;
	_ =	strace $0x80000049;
	[dreg:$0x1] =	wrdreg $0xFFFFFFFF  }
0xa7: {  	s28 =	simm.s32 $_size_execute0_lowered;
	s2 =	sadd.s32 s2, s4;
	[dreg:$0x0] =	wrdreg $0x0  }
0xa8: {  	s4 =	sshll.u32 s28, $0x1;
	[dreg:$0x2] =	wrdreg s2  }
0xa9: {  	[dreg:$0x3] =	wrdreg s4  }
0xaa: {  	[dreg:$0x4] =	wrdreg $0xC0  }
0xab: {  	_ =	task [dreg:s6], $0x5FFFF  }
0xac: {  	[dreg:$0x1] =	wrdreg $0xFFFFFFFF  }
0xad: {  	[dreg:$0x0] =	wrdreg $0x60  }
0xae: {  	[dreg:$0x2] =	wrdreg s24  }
0xaf: {  	[dreg:$0x3] =	wrdreg $0x9  }
0xb0: {  	_ =	task.clear_ibuf [dreg:s6], $0x4FFFF;
	_ =	strace $0x90000049  }
0xb1: {  	s29 =	simm.s32 $0x9;
	_ =	strace $0x8000004B  }
0xb2: {  	_ =	swait.ge [sflag:s29], $0x1  }
0xb3: {  	[sflag:s29] =	ssyncadd.s32 $0xFFFFFFFF  }
0xb4: {  	_ =	strace $0x9000004B  }
0xb5: {  	_ =	sfence  }
0xb6: {  	s30 =	sld [smem:$0x0];
	_ =	sdelay $0x2  }
0xb7: {  	s31 =	sshll.u32 s1, $0xD;
	s1 =	sshrl.u32 s1, $0x2  }
0xb8: {  	s3 =	sand.u32 $0x4000, s31;
	s1 =	sadd.s32 s1, s30  }
0xb9: {  	s0 =	sor.u32 s3, s0;
	s1 =	sshll.u32 s1, $0x11  }
0xba: {  	s0 =	sor.u32 s1, s0  }
0xbb: {  	s0 =	sadd.s32 $0x8F2B, s0  }
0xbc: {  	[sflag:s0] =	ssyncadd.remote.s32 $0x1  }
0xbd: {  	_ =	sfence.sel $0xFFFF  }
0xbe: {  	[dreg:$0x0] =	wrdreg $0xFFFFFFFF;
	(pc) =	sbr.abs _section_cstart, $3  }
0xbf: {  	[dreg:$0x1] =	wrdreg $0xFFFFFFFF  }
0xc0: {  	_ =	task.clear_ibuf [dreg:s6], $0x2FFFF;
	_ =	strace $0x9FFFFFFF  }
0xc1: {  	(tm) =	ssettm $0x7FFFFFFF  }
tec
execute0_lowered:
.L_overlay_start_1:
0x0: {  	(tag) =	ssettag $0x1  }
0x1: {  	s0 =	srdreg.scid  }
0x2: {  	s1 =	stileid.u32;
	s6 =	rddreg [dreg:$0x0];
	s2 =	simm.s32 $0x0  }
0x3: {  	s8 =	simm.s32 $0x3;
	s9 =	simm.s32 $0x400;
	s18 =	simm.s32 $0x1  }
0x4: {  	s19 =	simm.s32 $0x2;
	s28 =	simm.s32 $0x3400;
	s29 =	simm.s32 $0x3C00  }
0x5: {  	s30 =	simm.s32 $0x4400;
	s0 =	sand.u32 $0x1, s0;
	s1 =	sshll.u32 s1, $0x1  }
0x6: {  	s31 =	simm.s32 $0x4C00;
	s16 =	simm.s32 $0x5400;
	s1 =	sor.u32 s0, s1  }
0x7: {  	s15 =	simm.s32 $0x5C00;
	s11 =	simm.s32 $0x6C00;
	s3 =	sshll.u32 s1, $0x7  }
0x8: {  	s12 =	simm.s32 $0x7400;
	s1 =	sshll.u32 s1, $0xF;
	s3 =	sadd.s32 s3, s6  }
0x9: {  	[smem:$0x7FF] =	sst s2;
	s1 =	sadd.s32 s1, s6;
	s3 =	sadd.s32 $0x191000, s3  }
0xa: {  	_ =	strace $0x8000004A;
	s21 =	sadd.s32 $0x11000, s1;
	[dreg:$0x2] =	wrdreg s3  }
0xb: {  	s13 =	simm.s32 $0x7C00;
	s22 =	sadd.s32 $0x12000, s1;
	[dreg:$0x3] =	wrdreg s21  }
0xc: {  	s0 =	ssub.s32 $0x2, s0;
	s4 =	sadd.s32 $0x13000, s1;
	[dreg:$0x4] =	wrdreg s22  }
0xd: {  	s5 =	sshrl.u32 s0, $0x1;
	s23 =	sadd.s32 $0x14000, s1;
	[dreg:$0x5] =	wrdreg s4  }
0xe: {  	s0 =	ssub.s32 s0, s5;
	s24 =	sadd.s32 $0x15000, s1;
	[dreg:$0x6] =	wrdreg s23  }
0xf: {  	s5 =	sadd.s32 $0x193000, s6;
	s25 =	sadd.s32 $0x16000, s1;
	[dreg:$0x7] =	wrdreg s24  }
0x10: {  	s26 =	sadd.s32 $0x17000, s1;
	s1 =	sadd.s32 $0x18000, s1;
	[dreg:$0x8] =	wrdreg s25  }
0x11: {  	s7 =	smax.u32 s0, $0x1;
	s3 =	sadd.s32 $0x192E00, s6;
	[dreg:$0x9] =	wrdreg s26  }
0x12: {  	v2 =	vlaneseq.u32;
	s4 =	sadd.s32 $0x192F00, s6;
	s6 =	sadd.s32 $0x193100, s6;
	[dreg:$0xa] =	wrdreg s1  }
0x13: {  	vm0 =	vmmov $0xffff;
	v1 =	vshrl.u32 v2, $0x3;
	s25 =	simm.s32 $0x8400;
	s21 =	simm.s32 $0xC00;
	s22 =	simm.s32 $0x1400  }
0x14: {  	v0 =	vand.u32 $0x7, v2;
	v2 =	vor.u32 $0x8, v2;
	v1 =	vmul.u32 $0x8, v1;
	s23 =	simm.s32 $0x1C00;
	s24 =	simm.s32 $0x2400;
	s26 =	simm.s32 $0x2C00  }
.LBB2_1:
0x15: {  	s20 =	rddreg [dreg:$0x2]  }
0x16: {  	[tilespmem:s2], [sflag:$0x3] =	stream.linear.gather [hbm4b:s20+s2], $0x400, $0x38;
	[tilespmem:$0x10400] =	vst v63  }
0x17: {  	_ =	swait.ge [sflag:s8], $0x400  }
0x18: {  	[sflag:s8] =	ssyncset.done $0x0  }
0x19: {  	[sflag:s8] =	ssyncadd.s32 $0xFFFFFC00  }
0x1a: {  	v3 =	vld [tilespmem:$0x0];
	_ =	sdelay $0x4  }
0x1b: {  	v4 =	vshll.u32 v3, $0x3  }
0x1c: {  	v3 =	vand.u32 $0x7, v3;
	v4 =	vand.u32 $0xFFFFFFC0, v4  }
0x1d: {  	v3 =	vor.u32 v3, v4  }
0x1e: {  	v4 =	vperm.xlane v3, v0;
	_ =	sdelay $0x1  }
0x1f: {  	v4 =	vadd.s32 v1, v4;
	_ =	sdelay $0x4  }
0x20: {  	[tilespmem:s9], [sflag:$0x1] =	stream.indirect_vreg.gather [hbm4b:s3+s2], $0x80, v4, vm0, $0xb8;
	[tilespmem:$0x10400] =	vst v63  }
0x21: {  	v3 =	vperm.xlane v3, v2  }
0x22: {  	[tilespmem:s21], [sflag:$0x1] =	stream.indirect_vreg.gather [hbm4b:s4+s2], $0x80, v4, vm0, $0xb8;
	[tilespmem:$0x10400] =	vst v63  }
0x23: {  	v3 =	vadd.s32 v1, v3  }
0x24: {  	[tilespmem:s22], [sflag:$0x1] =	stream.indirect_vreg.gather [hbm4b:s5+s2], $0x80, v4, vm0, $0xb8;
	[tilespmem:$0x10400] =	vst v63  }
0x25: {  	_ = 	snop  }
0x26: {  	[tilespmem:s23], [sflag:$0x1] =	stream.indirect_vreg.gather [hbm4b:s6+s2], $0x80, v4, vm0, $0xb8;
	[tilespmem:$0x10400] =	vst v63  }
0x27: {  	_ = 	snop  }
0x28: {  	[tilespmem:s24], [sflag:$0x1] =	stream.indirect_vreg.gather [hbm4b:s3+s2], $0x80, v3, vm0, $0xb8;
	[tilespmem:$0x10400] =	vst v63  }
0x29: {  	_ = 	snop  }
0x2a: {  	[tilespmem:s26], [sflag:$0x1] =	stream.indirect_vreg.gather [hbm4b:s4+s2], $0x80, v3, vm0, $0xb8;
	[tilespmem:$0x10400] =	vst v63  }
0x2b: {  	_ = 	snop  }
0x2c: {  	[tilespmem:s28], [sflag:$0x1] =	stream.indirect_vreg.gather [hbm4b:s5+s2], $0x80, v3, vm0, $0xb8;
	[tilespmem:$0x10400] =	vst v63  }
0x2d: {  	_ = 	snop  }
0x2e: {  	[tilespmem:s29], [sflag:$0x1] =	stream.indirect_vreg.gather [hbm4b:s6+s2], $0x80, v3, vm0, $0xb8;
	[tilespmem:$0x10400] =	vst v63  }
0x2f: {  	v3 =	vld [tilespmem:$0x10];
	_ =	sdelay $0x4  }
0x30: {  	v49 =	vshll.u32 v3, $0x3  }
0x31: {  	v3 =	vand.u32 $0x7, v3;
	v4 =	vand.u32 $0xFFFFFFC0, v49  }
0x32: {  	v3 =	vor.u32 v3, v4  }
0x33: {  	v4 =	vperm.xlane v3, v0;
	_ =	sdelay $0x1  }
0x34: {  	v4 =	vadd.s32 v1, v4;
	_ =	sdelay $0x4  }
0x35: {  	[tilespmem:s30], [sflag:$0x1] =	stream.indirect_vreg.gather [hbm4b:s3+s2], $0x80, v4, vm0, $0xb8;
	[tilespmem:$0x10400] =	vst v63  }
0x36: {  	v3 =	vperm.xlane v3, v2  }
0x37: {  	[tilespmem:s31], [sflag:$0x1] =	stream.indirect_vreg.gather [hbm4b:s4+s2], $0x80, v4, vm0, $0xb8;
	[tilespmem:$0x10400] =	vst v63  }
0x38: {  	v3 =	vadd.s32 v1, v3  }
0x39: {  	[tilespmem:s16], [sflag:$0x1] =	stream.indirect_vreg.gather [hbm4b:s5+s2], $0x80, v4, vm0, $0xb8;
	[tilespmem:$0x10400] =	vst v63  }
0x3a: {  	_ = 	snop  }
0x3b: {  	[tilespmem:s15], [sflag:$0x1] =	stream.indirect_vreg.gather [hbm4b:s6+s2], $0x80, v4, vm0, $0xb8;
	[tilespmem:$0x10400] =	vst v63  }
0x3c: {  	s10 =	simm.s32 $0x6400  }
0x3d: {  	[tilespmem:s10], [sflag:$0x1] =	stream.indirect_vreg.gather [hbm4b:s3+s2], $0x80, v3, vm0, $0xb8;
	[tilespmem:$0x10400] =	vst v63  }
0x3e: {  	_ = 	snop  }
0x3f: {  	[tilespmem:s11], [sflag:$0x1] =	stream.indirect_vreg.gather [hbm4b:s4+s2], $0x80, v3, vm0, $0xb8;
	[tilespmem:$0x10400] =	vst v63  }
0x40: {  	_ = 	snop  }
0x41: {  	[tilespmem:s12], [sflag:$0x1] =	stream.indirect_vreg.gather [hbm4b:s5+s2], $0x80, v3, vm0, $0xb8;
	[tilespmem:$0x10400] =	vst v63  }
0x42: {  	_ = 	snop  }
0x43: {  	[tilespmem:s13], [sflag:$0x1] =	stream.indirect_vreg.gather [hbm4b:s6+s2], $0x80, v3, vm0, $0xb8;
	[tilespmem:$0x10400] =	vst v63  }
0x44: {  	v3 =	vld [tilespmem:$0x80];
	_ =	sdelay $0x4  }
0x45: {  	v50 =	vshll.u32 v3, $0x3  }
0x46: {  	v3 =	vand.u32 $0x7, v3;
	v4 =	vand.u32 $0xFFFFFFC0, v50  }
0x47: {  	v3 =	vor.u32 v3, v4  }
0x48: {  	v4 =	vperm.xlane v3, v0;
	_ =	sdelay $0x1  }
0x49: {  	v4 =	vadd.s32 v1, v4;
	_ =	sdelay $0x4  }
0x4a: {  	[tilespmem:s25], [sflag:$0x2] =	stream.indirect_vreg.gather [hbm4b:s3+s2], $0x80, v4, vm0, $0xb8;
	[tilespmem:$0x10400] =	vst v63  }
0x4b: {  	s14 =	simm.s32 $0x8C00;
	v3 =	vperm.xlane v3, v2  }
0x4c: {  	[tilespmem:s14], [sflag:$0x2] =	stream.indirect_vreg.gather [hbm4b:s4+s2], $0x80, v4, vm0, $0xb8;
	[tilespmem:$0x10400] =	vst v63  }
0x4d: {  	s17 =	simm.s32 $0x9400;
	v3 =	vadd.s32 v1, v3  }
0x4e: {  	[tilespmem:s17], [sflag:$0x2] =	stream.indirect_vreg.gather [hbm4b:s5+s2], $0x80, v4, vm0, $0xb8;
	[tilespmem:$0x10400] =	vst v63  }
0x4f: {  	s20 =	simm.s32 $0x9C00  }
0x50: {  	[tilespmem:s20], [sflag:$0x2] =	stream.indirect_vreg.gather [hbm4b:s6+s2], $0x80, v4, vm0, $0xb8;
	[tilespmem:$0x10400] =	vst v63  }
0x51: {  	s1 =	simm.s32 $0xA400  }
0x52: {  	[tilespmem:s1], [sflag:$0x2] =	stream.indirect_vreg.gather [hbm4b:s3+s2], $0x80, v3, vm0, $0xb8;
	[tilespmem:$0x10400] =	vst v63  }
0x53: {  	s17 =	simm.s32 $0xAC00  }
0x54: {  	[tilespmem:s17], [sflag:$0x2] =	stream.indirect_vreg.gather [hbm4b:s4+s2], $0x80, v3, vm0, $0xb8;
	[tilespmem:$0x10400] =	vst v63  }
0x55: {  	s1 =	simm.s32 $0xB400  }
0x56: {  	[tilespmem:s1], [sflag:$0x2] =	stream.indirect_vreg.gather [hbm4b:s5+s2], $0x80, v3, vm0, $0xb8;
	[tilespmem:$0x10400] =	vst v63  }
0x57: {  	s14 =	simm.s32 $0xBC00  }
0x58: {  	[tilespmem:s14], [sflag:$0x2] =	stream.indirect_vreg.gather [hbm4b:s6+s2], $0x80, v3, vm0, $0xb8;
	[tilespmem:$0x10400] =	vst v63  }
0x59: {  	v3 =	vld [tilespmem:$0x90];
	_ =	sdelay $0x4  }
0x5a: {  	v51 =	vshll.u32 v3, $0x3  }
0x5b: {  	v3 =	vand.u32 $0x7, v3;
	v4 =	vand.u32 $0xFFFFFFC0, v51  }
0x5c: {  	v3 =	vor.u32 v3, v4  }
0x5d: {  	v4 =	vperm.xlane v3, v0;
	_ =	sdelay $0x1  }
0x5e: {  	v4 =	vadd.s32 v1, v4;
	_ =	sdelay $0x3  }
0x5f: {  	s17 =	simm.s32 $0xC400  }
0x60: {  	[tilespmem:s17], [sflag:$0x2] =	stream.indirect_vreg.gather [hbm4b:s3+s2], $0x80, v4, vm0, $0xb8;
	[tilespmem:$0x10400] =	vst v63  }
0x61: {  	s1 =	simm.s32 $0xCC00;
	v3 =	vperm.xlane v3, v2  }
0x62: {  	[tilespmem:s1], [sflag:$0x2] =	stream.indirect_vreg.gather [hbm4b:s4+s2], $0x80, v4, vm0, $0xb8;
	[tilespmem:$0x10400] =	vst v63  }
0x63: {  	v3 =	vadd.s32 v1, v3;
	s1 =	simm.s32 $0xD400  }
0x64: {  	[tilespmem:s1], [sflag:$0x2] =	stream.indirect_vreg.gather [hbm4b:s5+s2], $0x80, v4, vm0, $0xb8;
	[tilespmem:$0x10400] =	vst v63  }
0x65: {  	s1 =	simm.s32 $0xDC00  }
0x66: {  	[tilespmem:s1], [sflag:$0x2] =	stream.indirect_vreg.gather [hbm4b:s6+s2], $0x80, v4, vm0, $0xb8;
	[tilespmem:$0x10400] =	vst v63  }
0x67: {  	s1 =	simm.s32 $0xE400  }
0x68: {  	[tilespmem:s1], [sflag:$0x2] =	stream.indirect_vreg.gather [hbm4b:s3+s2], $0x80, v3, vm0, $0xb8;
	[tilespmem:$0x10400] =	vst v63  }
0x69: {  	s1 =	simm.s32 $0xEC00  }
0x6a: {  	[tilespmem:s1], [sflag:$0x2] =	stream.indirect_vreg.gather [hbm4b:s4+s2], $0x80, v3, vm0, $0xb8;
	[tilespmem:$0x10400] =	vst v63  }
0x6b: {  	s1 =	simm.s32 $0xF400  }
0x6c: {  	[tilespmem:s1], [sflag:$0x2] =	stream.indirect_vreg.gather [hbm4b:s5+s2], $0x80, v3, vm0, $0xb8;
	[tilespmem:$0x10400] =	vst v63  }
0x6d: {  	s1 =	simm.s32 $0xFC00  }
0x6e: {  	[tilespmem:s1], [sflag:$0x2] =	stream.indirect_vreg.gather [hbm4b:s6+s2], $0x80, v3, vm0, $0xb8;
	[tilespmem:$0x10400] =	vst v63  }
0x6f: {  	_ =	swait.ge [sflag:s18], $0x8000  }
0x70: {  	[sflag:s18] =	ssyncset.done $0x0  }
0x71: {  	s1 =	rddreg [dreg:$0x3];
	[sflag:s18] =	ssyncadd.s32 $0xFFFF8000  }
0x72: {  	[hbm4b:s1+s2] =	stream.linear.scatter [tilespmem:s9], [sflag:$0x3], $0x8000, $0x38;
	[tilespmem:$0x10400] =	vst v63  }
0x73: {  	_ =	swait.ge [sflag:s8], $0x8000  }
0x74: {  	[sflag:s8] =	ssyncset.done $0x0  }
0x75: {  	[sflag:s8] =	ssyncadd.s32 $0xFFFF8000  }
0x76: {  	v3 =	vld [tilespmem:$0x100];
	_ =	sdelay $0x4  }
0x77: {  	v52 =	vshll.u32 v3, $0x3  }
0x78: {  	v3 =	vand.u32 $0x7, v3;
	v4 =	vand.u32 $0xFFFFFFC0, v52  }
0x79: {  	v3 =	vor.u32 v3, v4  }
0x7a: {  	v4 =	vperm.xlane v3, v0;
	_ =	sdelay $0x1  }
0x7b: {  	v4 =	vadd.s32 v1, v4;
	_ =	sdelay $0x4  }
0x7c: {  	[tilespmem:s9], [sflag:$0x1] =	stream.indirect_vreg.gather [hbm4b:s3+s2], $0x80, v4, vm0, $0xb8;
	[tilespmem:$0x10400] =	vst v63  }
0x7d: {  	v3 =	vperm.xlane v3, v2  }
0x7e: {  	[tilespmem:s21], [sflag:$0x1] =	stream.indirect_vreg.gather [hbm4b:s4+s2], $0x80, v4, vm0, $0xb8;
	[tilespmem:$0x10400] =	vst v63  }
0x7f: {  	v3 =	vadd.s32 v1, v3  }
0x80: {  	[tilespmem:s22], [sflag:$0x1] =	stream.indirect_vreg.gather [hbm4b:s5+s2], $0x80, v4, vm0, $0xb8;
	[tilespmem:$0x10400] =	vst v63  }
0x81: {  	_ = 	snop  }
0x82: {  	[tilespmem:s23], [sflag:$0x1] =	stream.indirect_vreg.gather [hbm4b:s6+s2], $0x80, v4, vm0, $0xb8;
	[tilespmem:$0x10400] =	vst v63  }
0x83: {  	_ = 	snop  }
0x84: {  	[tilespmem:s24], [sflag:$0x1] =	stream.indirect_vreg.gather [hbm4b:s3+s2], $0x80, v3, vm0, $0xb8;
	[tilespmem:$0x10400] =	vst v63  }
0x85: {  	_ = 	snop  }
0x86: {  	[tilespmem:s26], [sflag:$0x1] =	stream.indirect_vreg.gather [hbm4b:s4+s2], $0x80, v3, vm0, $0xb8;
	[tilespmem:$0x10400] =	vst v63  }
0x87: {  	_ = 	snop  }
0x88: {  	[tilespmem:s28], [sflag:$0x1] =	stream.indirect_vreg.gather [hbm4b:s5+s2], $0x80, v3, vm0, $0xb8;
	[tilespmem:$0x10400] =	vst v63  }
0x89: {  	_ = 	snop  }
0x8a: {  	[tilespmem:s29], [sflag:$0x1] =	stream.indirect_vreg.gather [hbm4b:s6+s2], $0x80, v3, vm0, $0xb8;
	[tilespmem:$0x10400] =	vst v63  }
0x8b: {  	v3 =	vld [tilespmem:$0x110];
	_ =	sdelay $0x4  }
0x8c: {  	v53 =	vshll.u32 v3, $0x3  }
0x8d: {  	v3 =	vand.u32 $0x7, v3;
	v4 =	vand.u32 $0xFFFFFFC0, v53  }
0x8e: {  	v3 =	vor.u32 v3, v4  }
0x8f: {  	v4 =	vperm.xlane v3, v0;
	_ =	sdelay $0x1  }
0x90: {  	v4 =	vadd.s32 v1, v4;
	_ =	sdelay $0x4  }
0x91: {  	[tilespmem:s30], [sflag:$0x1] =	stream.indirect_vreg.gather [hbm4b:s3+s2], $0x80, v4, vm0, $0xb8;
	[tilespmem:$0x10400] =	vst v63  }
0x92: {  	v3 =	vperm.xlane v3, v2  }
0x93: {  	[tilespmem:s31], [sflag:$0x1] =	stream.indirect_vreg.gather [hbm4b:s4+s2], $0x80, v4, vm0, $0xb8;
	[tilespmem:$0x10400] =	vst v63  }
0x94: {  	v3 =	vadd.s32 v1, v3  }
0x95: {  	[tilespmem:s16], [sflag:$0x1] =	stream.indirect_vreg.gather [hbm4b:s5+s2], $0x80, v4, vm0, $0xb8;
	[tilespmem:$0x10400] =	vst v63  }
0x96: {  	_ = 	snop  }
0x97: {  	[tilespmem:s15], [sflag:$0x1] =	stream.indirect_vreg.gather [hbm4b:s6+s2], $0x80, v4, vm0, $0xb8;
	[tilespmem:$0x10400] =	vst v63  }
0x98: {  	_ = 	snop  }
0x99: {  	[tilespmem:s10], [sflag:$0x1] =	stream.indirect_vreg.gather [hbm4b:s3+s2], $0x80, v3, vm0, $0xb8;
	[tilespmem:$0x10400] =	vst v63  }
0x9a: {  	_ = 	snop  }
0x9b: {  	[tilespmem:s11], [sflag:$0x1] =	stream.indirect_vreg.gather [hbm4b:s4+s2], $0x80, v3, vm0, $0xb8;
	[tilespmem:$0x10400] =	vst v63  }
0x9c: {  	_ = 	snop  }
0x9d: {  	[tilespmem:s12], [sflag:$0x1] =	stream.indirect_vreg.gather [hbm4b:s5+s2], $0x80, v3, vm0, $0xb8;
	[tilespmem:$0x10400] =	vst v63  }
0x9e: {  	_ = 	snop  }
0x9f: {  	[tilespmem:s13], [sflag:$0x1] =	stream.indirect_vreg.gather [hbm4b:s6+s2], $0x80, v3, vm0, $0xb8;
	[tilespmem:$0x10400] =	vst v63  }
0xa0: {  	_ =	swait.ge [sflag:s19], $0x8000  }
0xa1: {  	[sflag:s19] =	ssyncset.done $0x0  }
0xa2: {  	s1 =	rddreg [dreg:$0x4];
	[sflag:s19] =	ssyncadd.s32 $0xFFFF8000  }
0xa3: {  	[hbm4b:s1+s2] =	stream.linear.scatter [tilespmem:s25], [sflag:$0x3], $0x8000, $0x38;
	[tilespmem:$0x10400] =	vst v63  }
0xa4: {  	_ =	swait.ge [sflag:s8], $0x8000  }
0xa5: {  	[sflag:s8] =	ssyncset.done $0x0  }
0xa6: {  	[sflag:s8] =	ssyncadd.s32 $0xFFFF8000  }
0xa7: {  	v3 =	vld [tilespmem:$0x180];
	_ =	sdelay $0x4  }
0xa8: {  	v54 =	vshll.u32 v3, $0x3  }
0xa9: {  	v3 =	vand.u32 $0x7, v3;
	v4 =	vand.u32 $0xFFFFFFC0, v54  }
0xaa: {  	v3 =	vor.u32 v3, v4  }
0xab: {  	v4 =	vperm.xlane v3, v0;
	_ =	sdelay $0x1  }
0xac: {  	v4 =	vadd.s32 v1, v4;
	_ =	sdelay $0x4  }
0xad: {  	[tilespmem:s25], [sflag:$0x2] =	stream.indirect_vreg.gather [hbm4b:s3+s2], $0x80, v4, vm0, $0xb8;
	[tilespmem:$0x10400] =	vst v63  }
0xae: {  	s0 =	simm.s32 $0x8C00;
	v3 =	vperm.xlane v3, v2  }
0xaf: {  	[tilespmem:s0], [sflag:$0x2] =	stream.indirect_vreg.gather [hbm4b:s4+s2], $0x80, v4, vm0, $0xb8;
	[tilespmem:$0x10400] =	vst v63  }
0xb0: {  	v3 =	vadd.s32 v1, v3;
	s0 =	simm.s32 $0x9400  }
0xb1: {  	[tilespmem:s0], [sflag:$0x2] =	stream.indirect_vreg.gather [hbm4b:s5+s2], $0x80, v4, vm0, $0xb8;
	[tilespmem:$0x10400] =	vst v63  }
0xb2: {  	s1 =	simm.s32 $0x9C00  }
0xb3: {  	[tilespmem:s1], [sflag:$0x2] =	stream.indirect_vreg.gather [hbm4b:s6+s2], $0x80, v4, vm0, $0xb8;
	[tilespmem:$0x10400] =	vst v63  }
0xb4: {  	s20 =	simm.s32 $0xA400  }
0xb5: {  	[tilespmem:s20], [sflag:$0x2] =	stream.indirect_vreg.gather [hbm4b:s3+s2], $0x80, v3, vm0, $0xb8;
	[tilespmem:$0x10400] =	vst v63  }
0xb6: {  	s20 =	simm.s32 $0xAC00  }
0xb7: {  	[tilespmem:s20], [sflag:$0x2] =	stream.indirect_vreg.gather [hbm4b:s4+s2], $0x80, v3, vm0, $0xb8;
	[tilespmem:$0x10400] =	vst v63  }
0xb8: {  	s20 =	simm.s32 $0xB400  }
0xb9: {  	[tilespmem:s20], [sflag:$0x2] =	stream.indirect_vreg.gather [hbm4b:s5+s2], $0x80, v3, vm0, $0xb8;
	[tilespmem:$0x10400] =	vst v63  }
0xba: {  	s14 =	simm.s32 $0xBC00  }
0xbb: {  	[tilespmem:s14], [sflag:$0x2] =	stream.indirect_vreg.gather [hbm4b:s6+s2], $0x80, v3, vm0, $0xb8;
	[tilespmem:$0x10400] =	vst v63  }
0xbc: {  	v3 =	vld [tilespmem:$0x190];
	_ =	sdelay $0x4  }
0xbd: {  	v55 =	vshll.u32 v3, $0x3  }
0xbe: {  	v3 =	vand.u32 $0x7, v3;
	v4 =	vand.u32 $0xFFFFFFC0, v55  }
0xbf: {  	v3 =	vor.u32 v3, v4  }
0xc0: {  	v4 =	vperm.xlane v3, v0;
	_ =	sdelay $0x1  }
0xc1: {  	v4 =	vadd.s32 v1, v4;
	_ =	sdelay $0x3  }
0xc2: {  	s17 =	simm.s32 $0xC400  }
0xc3: {  	[tilespmem:s17], [sflag:$0x2] =	stream.indirect_vreg.gather [hbm4b:s3+s2], $0x80, v4, vm0, $0xb8;
	[tilespmem:$0x10400] =	vst v63  }
0xc4: {  	s20 =	simm.s32 $0xCC00;
	v3 =	vperm.xlane v3, v2  }
0xc5: {  	[tilespmem:s20], [sflag:$0x2] =	stream.indirect_vreg.gather [hbm4b:s4+s2], $0x80, v4, vm0, $0xb8;
	[tilespmem:$0x10400] =	vst v63  }
0xc6: {  	v3 =	vadd.s32 v1, v3;
	s17 =	simm.s32 $0xD400  }
0xc7: {  	[tilespmem:s17], [sflag:$0x2] =	stream.indirect_vreg.gather [hbm4b:s5+s2], $0x80, v4, vm0, $0xb8;
	[tilespmem:$0x10400] =	vst v63  }
0xc8: {  	s20 =	simm.s32 $0xDC00  }
0xc9: {  	[tilespmem:s20], [sflag:$0x2] =	stream.indirect_vreg.gather [hbm4b:s6+s2], $0x80, v4, vm0, $0xb8;
	[tilespmem:$0x10400] =	vst v63  }
0xca: {  	s17 =	simm.s32 $0xE400  }
0xcb: {  	[tilespmem:s17], [sflag:$0x2] =	stream.indirect_vreg.gather [hbm4b:s3+s2], $0x80, v3, vm0, $0xb8;
	[tilespmem:$0x10400] =	vst v63  }
0xcc: {  	s20 =	simm.s32 $0xEC00  }
0xcd: {  	[tilespmem:s20], [sflag:$0x2] =	stream.indirect_vreg.gather [hbm4b:s4+s2], $0x80, v3, vm0, $0xb8;
	[tilespmem:$0x10400] =	vst v63  }
0xce: {  	s17 =	simm.s32 $0xF400  }
0xcf: {  	[tilespmem:s17], [sflag:$0x2] =	stream.indirect_vreg.gather [hbm4b:s5+s2], $0x80, v3, vm0, $0xb8;
	[tilespmem:$0x10400] =	vst v63  }
0xd0: {  	s20 =	simm.s32 $0xFC00  }
0xd1: {  	[tilespmem:s20], [sflag:$0x2] =	stream.indirect_vreg.gather [hbm4b:s6+s2], $0x80, v3, vm0, $0xb8;
	[tilespmem:$0x10400] =	vst v63  }
0xd2: {  	_ =	swait.ge [sflag:s18], $0x8000  }
0xd3: {  	[sflag:s18] =	ssyncset.done $0x0  }
0xd4: {  	s17 =	rddreg [dreg:$0x5];
	[sflag:s18] =	ssyncadd.s32 $0xFFFF8000  }
0xd5: {  	[hbm4b:s17+s2] =	stream.linear.scatter [tilespmem:s9], [sflag:$0x3], $0x8000, $0x38;
	[tilespmem:$0x10400] =	vst v63  }
0xd6: {  	_ =	swait.ge [sflag:s8], $0x8000  }
0xd7: {  	[sflag:s8] =	ssyncset.done $0x0  }
0xd8: {  	[sflag:s8] =	ssyncadd.s32 $0xFFFF8000  }
0xd9: {  	v3 =	vld [tilespmem:$0x200];
	_ =	sdelay $0x4  }
0xda: {  	v56 =	vshll.u32 v3, $0x3  }
0xdb: {  	v3 =	vand.u32 $0x7, v3;
	v4 =	vand.u32 $0xFFFFFFC0, v56  }
0xdc: {  	v3 =	vor.u32 v3, v4  }
0xdd: {  	v4 =	vperm.xlane v3, v0;
	_ =	sdelay $0x1  }
0xde: {  	v4 =	vadd.s32 v1, v4;
	_ =	sdelay $0x4  }
0xdf: {  	[tilespmem:s9], [sflag:$0x1] =	stream.indirect_vreg.gather [hbm4b:s3+s2], $0x80, v4, vm0, $0xb8;
	[tilespmem:$0x10400] =	vst v63  }
0xe0: {  	v3 =	vperm.xlane v3, v2  }
0xe1: {  	[tilespmem:s21], [sflag:$0x1] =	stream.indirect_vreg.gather [hbm4b:s4+s2], $0x80, v4, vm0, $0xb8;
	[tilespmem:$0x10400] =	vst v63  }
0xe2: {  	v3 =	vadd.s32 v1, v3  }
0xe3: {  	[tilespmem:s22], [sflag:$0x1] =	stream.indirect_vreg.gather [hbm4b:s5+s2], $0x80, v4, vm0, $0xb8;
	[tilespmem:$0x10400] =	vst v63  }
0xe4: {  	_ = 	snop  }
0xe5: {  	[tilespmem:s23], [sflag:$0x1] =	stream.indirect_vreg.gather [hbm4b:s6+s2], $0x80, v4, vm0, $0xb8;
	[tilespmem:$0x10400] =	vst v63  }
0xe6: {  	_ = 	snop  }
0xe7: {  	[tilespmem:s24], [sflag:$0x1] =	stream.indirect_vreg.gather [hbm4b:s3+s2], $0x80, v3, vm0, $0xb8;
	[tilespmem:$0x10400] =	vst v63  }
0xe8: {  	_ = 	snop  }
0xe9: {  	[tilespmem:s26], [sflag:$0x1] =	stream.indirect_vreg.gather [hbm4b:s4+s2], $0x80, v3, vm0, $0xb8;
	[tilespmem:$0x10400] =	vst v63  }
0xea: {  	_ = 	snop  }
0xeb: {  	[tilespmem:s28], [sflag:$0x1] =	stream.indirect_vreg.gather [hbm4b:s5+s2], $0x80, v3, vm0, $0xb8;
	[tilespmem:$0x10400] =	vst v63  }
0xec: {  	_ = 	snop  }
0xed: {  	[tilespmem:s29], [sflag:$0x1] =	stream.indirect_vreg.gather [hbm4b:s6+s2], $0x80, v3, vm0, $0xb8;
	[tilespmem:$0x10400] =	vst v63  }
0xee: {  	v3 =	vld [tilespmem:$0x210];
	_ =	sdelay $0x4  }
0xef: {  	v57 =	vshll.u32 v3, $0x3  }
0xf0: {  	v3 =	vand.u32 $0x7, v3;
	v4 =	vand.u32 $0xFFFFFFC0, v57  }
0xf1: {  	v3 =	vor.u32 v3, v4  }
0xf2: {  	v4 =	vperm.xlane v3, v0;
	_ =	sdelay $0x1  }
0xf3: {  	v4 =	vadd.s32 v1, v4;
	_ =	sdelay $0x4  }
0xf4: {  	[tilespmem:s30], [sflag:$0x1] =	stream.indirect_vreg.gather [hbm4b:s3+s2], $0x80, v4, vm0, $0xb8;
	[tilespmem:$0x10400] =	vst v63  }
0xf5: {  	v3 =	vperm.xlane v3, v2  }
0xf6: {  	[tilespmem:s31], [sflag:$0x1] =	stream.indirect_vreg.gather [hbm4b:s4+s2], $0x80, v4, vm0, $0xb8;
	[tilespmem:$0x10400] =	vst v63  }
0xf7: {  	v3 =	vadd.s32 v1, v3  }
0xf8: {  	[tilespmem:s16], [sflag:$0x1] =	stream.indirect_vreg.gather [hbm4b:s5+s2], $0x80, v4, vm0, $0xb8;
	[tilespmem:$0x10400] =	vst v63  }
0xf9: {  	_ = 	snop  }
0xfa: {  	[tilespmem:s15], [sflag:$0x1] =	stream.indirect_vreg.gather [hbm4b:s6+s2], $0x80, v4, vm0, $0xb8;
	[tilespmem:$0x10400] =	vst v63  }
0xfb: {  	_ = 	snop  }
0xfc: {  	[tilespmem:s10], [sflag:$0x1] =	stream.indirect_vreg.gather [hbm4b:s3+s2], $0x80, v3, vm0, $0xb8;
	[tilespmem:$0x10400] =	vst v63  }
0xfd: {  	_ = 	snop  }
0xfe: {  	[tilespmem:s11], [sflag:$0x1] =	stream.indirect_vreg.gather [hbm4b:s4+s2], $0x80, v3, vm0, $0xb8;
	[tilespmem:$0x10400] =	vst v63  }
0xff: {  	_ = 	snop  }
0x100: {  	[tilespmem:s12], [sflag:$0x1] =	stream.indirect_vreg.gather [hbm4b:s5+s2], $0x80, v3, vm0, $0xb8;
	[tilespmem:$0x10400] =	vst v63  }
0x101: {  	_ = 	snop  }
0x102: {  	[tilespmem:s13], [sflag:$0x1] =	stream.indirect_vreg.gather [hbm4b:s6+s2], $0x80, v3, vm0, $0xb8;
	[tilespmem:$0x10400] =	vst v63  }
0x103: {  	_ =	swait.ge [sflag:s19], $0x8000  }
0x104: {  	[sflag:s19] =	ssyncset.done $0x0  }
0x105: {  	s14 =	rddreg [dreg:$0x6];
	[sflag:s19] =	ssyncadd.s32 $0xFFFF8000  }
0x106: {  	[hbm4b:s14+s2] =	stream.linear.scatter [tilespmem:s25], [sflag:$0x3], $0x8000, $0x38;
	[tilespmem:$0x10400] =	vst v63  }
0x107: {  	_ =	swait.ge [sflag:s8], $0x8000  }
0x108: {  	[sflag:s8] =	ssyncset.done $0x0  }
0x109: {  	[sflag:s8] =	ssyncadd.s32 $0xFFFF8000  }
0x10a: {  	v3 =	vld [tilespmem:$0x280];
	_ =	sdelay $0x4  }
0x10b: {  	v58 =	vshll.u32 v3, $0x3  }
0x10c: {  	v3 =	vand.u32 $0x7, v3;
	v4 =	vand.u32 $0xFFFFFFC0, v58  }
0x10d: {  	v3 =	vor.u32 v3, v4  }
0x10e: {  	v4 =	vperm.xlane v3, v0;
	_ =	sdelay $0x1  }
0x10f: {  	v4 =	vadd.s32 v1, v4;
	_ =	sdelay $0x4  }
0x110: {  	[tilespmem:s25], [sflag:$0x2] =	stream.indirect_vreg.gather [hbm4b:s3+s2], $0x80, v4, vm0, $0xb8;
	[tilespmem:$0x10400] =	vst v63  }
0x111: {  	s17 =	simm.s32 $0x8C00;
	v3 =	vperm.xlane v3, v2  }
0x112: {  	[tilespmem:s17], [sflag:$0x2] =	stream.indirect_vreg.gather [hbm4b:s4+s2], $0x80, v4, vm0, $0xb8;
	[tilespmem:$0x10400] =	vst v63  }
0x113: {  	v3 =	vadd.s32 v1, v3  }
0x114: {  	[tilespmem:s0], [sflag:$0x2] =	stream.indirect_vreg.gather [hbm4b:s5+s2], $0x80, v4, vm0, $0xb8;
	[tilespmem:$0x10400] =	vst v63  }
0x115: {  	_ = 	snop  }
0x116: {  	[tilespmem:s1], [sflag:$0x2] =	stream.indirect_vreg.gather [hbm4b:s6+s2], $0x80, v4, vm0, $0xb8;
	[tilespmem:$0x10400] =	vst v63  }
0x117: {  	s20 =	simm.s32 $0xA400  }
0x118: {  	[tilespmem:s20], [sflag:$0x2] =	stream.indirect_vreg.gather [hbm4b:s3+s2], $0x80, v3, vm0, $0xb8;
	[tilespmem:$0x10400] =	vst v63  }
0x119: {  	s17 =	simm.s32 $0xAC00  }
0x11a: {  	[tilespmem:s17], [sflag:$0x2] =	stream.indirect_vreg.gather [hbm4b:s4+s2], $0x80, v3, vm0, $0xb8;
	[tilespmem:$0x10400] =	vst v63  }
0x11b: {  	s20 =	simm.s32 $0xB400  }
0x11c: {  	[tilespmem:s20], [sflag:$0x2] =	stream.indirect_vreg.gather [hbm4b:s5+s2], $0x80, v3, vm0, $0xb8;
	[tilespmem:$0x10400] =	vst v63  }
0x11d: {  	s20 =	simm.s32 $0xBC00  }
0x11e: {  	[tilespmem:s20], [sflag:$0x2] =	stream.indirect_vreg.gather [hbm4b:s6+s2], $0x80, v3, vm0, $0xb8;
	[tilespmem:$0x10400] =	vst v63  }
0x11f: {  	v3 =	vld [tilespmem:$0x290];
	_ =	sdelay $0x4  }
0x120: {  	v59 =	vshll.u32 v3, $0x3  }
0x121: {  	v3 =	vand.u32 $0x7, v3;
	v4 =	vand.u32 $0xFFFFFFC0, v59  }
0x122: {  	v3 =	vor.u32 v3, v4  }
0x123: {  	v4 =	vperm.xlane v3, v0;
	_ =	sdelay $0x1  }
0x124: {  	v4 =	vadd.s32 v1, v4;
	_ =	sdelay $0x3  }
0x125: {  	s20 =	simm.s32 $0xC400  }
0x126: {  	[tilespmem:s20], [sflag:$0x2] =	stream.indirect_vreg.gather [hbm4b:s3+s2], $0x80, v4, vm0, $0xb8;
	[tilespmem:$0x10400] =	vst v63  }
0x127: {  	v3 =	vperm.xlane v3, v2;
	s20 =	simm.s32 $0xCC00  }
0x128: {  	[tilespmem:s20], [sflag:$0x2] =	stream.indirect_vreg.gather [hbm4b:s4+s2], $0x80, v4, vm0, $0xb8;
	[tilespmem:$0x10400] =	vst v63  }
0x129: {  	v3 =	vadd.s32 v1, v3;
	s20 =	simm.s32 $0xD400  }
0x12a: {  	[tilespmem:s20], [sflag:$0x2] =	stream.indirect_vreg.gather [hbm4b:s5+s2], $0x80, v4, vm0, $0xb8;
	[tilespmem:$0x10400] =	vst v63  }
0x12b: {  	s20 =	simm.s32 $0xDC00  }
0x12c: {  	[tilespmem:s20], [sflag:$0x2] =	stream.indirect_vreg.gather [hbm4b:s6+s2], $0x80, v4, vm0, $0xb8;
	[tilespmem:$0x10400] =	vst v63  }
0x12d: {  	s20 =	simm.s32 $0xE400  }
0x12e: {  	[tilespmem:s20], [sflag:$0x2] =	stream.indirect_vreg.gather [hbm4b:s3+s2], $0x80, v3, vm0, $0xb8;
	[tilespmem:$0x10400] =	vst v63  }
0x12f: {  	s20 =	simm.s32 $0xEC00  }
0x130: {  	[tilespmem:s20], [sflag:$0x2] =	stream.indirect_vreg.gather [hbm4b:s4+s2], $0x80, v3, vm0, $0xb8;
	[tilespmem:$0x10400] =	vst v63  }
0x131: {  	s20 =	simm.s32 $0xF400  }
0x132: {  	[tilespmem:s20], [sflag:$0x2] =	stream.indirect_vreg.gather [hbm4b:s5+s2], $0x80, v3, vm0, $0xb8;
	[tilespmem:$0x10400] =	vst v63  }
0x133: {  	s20 =	simm.s32 $0xFC00  }
0x134: {  	[tilespmem:s20], [sflag:$0x2] =	stream.indirect_vreg.gather [hbm4b:s6+s2], $0x80, v3, vm0, $0xb8;
	[tilespmem:$0x10400] =	vst v63  }
0x135: {  	_ =	swait.ge [sflag:s18], $0x8000  }
0x136: {  	[sflag:s18] =	ssyncset.done $0x0  }
0x137: {  	s20 =	rddreg [dreg:$0x7];
	[sflag:s18] =	ssyncadd.s32 $0xFFFF8000  }
0x138: {  	[hbm4b:s20+s2] =	stream.linear.scatter [tilespmem:s9], [sflag:$0x3], $0x8000, $0x38;
	[tilespmem:$0x10400] =	vst v63  }
0x139: {  	_ =	swait.ge [sflag:s8], $0x8000  }
0x13a: {  	[sflag:s8] =	ssyncset.done $0x0  }
0x13b: {  	[sflag:s8] =	ssyncadd.s32 $0xFFFF8000  }
0x13c: {  	v3 =	vld [tilespmem:$0x300];
	_ =	sdelay $0x4  }
0x13d: {  	v60 =	vshll.u32 v3, $0x3  }
0x13e: {  	v3 =	vand.u32 $0x7, v3;
	v4 =	vand.u32 $0xFFFFFFC0, v60  }
0x13f: {  	v3 =	vor.u32 v3, v4  }
0x140: {  	v4 =	vperm.xlane v3, v0;
	_ =	sdelay $0x1  }
0x141: {  	v4 =	vadd.s32 v1, v4;
	_ =	sdelay $0x4  }
0x142: {  	[tilespmem:s9], [sflag:$0x1] =	stream.indirect_vreg.gather [hbm4b:s3+s2], $0x80, v4, vm0, $0xb8;
	[tilespmem:$0x10400] =	vst v63  }
0x143: {  	v3 =	vperm.xlane v3, v2  }
0x144: {  	[tilespmem:s21], [sflag:$0x1] =	stream.indirect_vreg.gather [hbm4b:s4+s2], $0x80, v4, vm0, $0xb8;
	[tilespmem:$0x10400] =	vst v63  }
0x145: {  	v3 =	vadd.s32 v1, v3  }
0x146: {  	[tilespmem:s22], [sflag:$0x1] =	stream.indirect_vreg.gather [hbm4b:s5+s2], $0x80, v4, vm0, $0xb8;
	[tilespmem:$0x10400] =	vst v63  }
0x147: {  	_ = 	snop  }
0x148: {  	[tilespmem:s23], [sflag:$0x1] =	stream.indirect_vreg.gather [hbm4b:s6+s2], $0x80, v4, vm0, $0xb8;
	[tilespmem:$0x10400] =	vst v63  }
0x149: {  	_ = 	snop  }
0x14a: {  	[tilespmem:s24], [sflag:$0x1] =	stream.indirect_vreg.gather [hbm4b:s3+s2], $0x80, v3, vm0, $0xb8;
	[tilespmem:$0x10400] =	vst v63  }
0x14b: {  	_ = 	snop  }
0x14c: {  	[tilespmem:s26], [sflag:$0x1] =	stream.indirect_vreg.gather [hbm4b:s4+s2], $0x80, v3, vm0, $0xb8;
	[tilespmem:$0x10400] =	vst v63  }
0x14d: {  	_ = 	snop  }
0x14e: {  	[tilespmem:s28], [sflag:$0x1] =	stream.indirect_vreg.gather [hbm4b:s5+s2], $0x80, v3, vm0, $0xb8;
	[tilespmem:$0x10400] =	vst v63  }
0x14f: {  	_ = 	snop  }
0x150: {  	[tilespmem:s29], [sflag:$0x1] =	stream.indirect_vreg.gather [hbm4b:s6+s2], $0x80, v3, vm0, $0xb8;
	[tilespmem:$0x10400] =	vst v63  }
0x151: {  	v3 =	vld [tilespmem:$0x310];
	_ =	sdelay $0x4  }
0x152: {  	v61 =	vshll.u32 v3, $0x3  }
0x153: {  	v3 =	vand.u32 $0x7, v3;
	v4 =	vand.u32 $0xFFFFFFC0, v61  }
0x154: {  	v3 =	vor.u32 v3, v4  }
0x155: {  	v4 =	vperm.xlane v3, v0;
	_ =	sdelay $0x1  }
0x156: {  	v4 =	vadd.s32 v1, v4;
	_ =	sdelay $0x4  }
0x157: {  	[tilespmem:s30], [sflag:$0x1] =	stream.indirect_vreg.gather [hbm4b:s3+s2], $0x80, v4, vm0, $0xb8;
	[tilespmem:$0x10400] =	vst v63  }
0x158: {  	v3 =	vperm.xlane v3, v2  }
0x159: {  	[tilespmem:s31], [sflag:$0x1] =	stream.indirect_vreg.gather [hbm4b:s4+s2], $0x80, v4, vm0, $0xb8;
	[tilespmem:$0x10400] =	vst v63  }
0x15a: {  	v3 =	vadd.s32 v1, v3  }
0x15b: {  	[tilespmem:s16], [sflag:$0x1] =	stream.indirect_vreg.gather [hbm4b:s5+s2], $0x80, v4, vm0, $0xb8;
	[tilespmem:$0x10400] =	vst v63  }
0x15c: {  	_ = 	snop  }
0x15d: {  	[tilespmem:s15], [sflag:$0x1] =	stream.indirect_vreg.gather [hbm4b:s6+s2], $0x80, v4, vm0, $0xb8;
	[tilespmem:$0x10400] =	vst v63  }
0x15e: {  	_ = 	snop  }
0x15f: {  	[tilespmem:s10], [sflag:$0x1] =	stream.indirect_vreg.gather [hbm4b:s3+s2], $0x80, v3, vm0, $0xb8;
	[tilespmem:$0x10400] =	vst v63  }
0x160: {  	_ = 	snop  }
0x161: {  	[tilespmem:s11], [sflag:$0x1] =	stream.indirect_vreg.gather [hbm4b:s4+s2], $0x80, v3, vm0, $0xb8;
	[tilespmem:$0x10400] =	vst v63  }
0x162: {  	_ = 	snop  }
0x163: {  	[tilespmem:s12], [sflag:$0x1] =	stream.indirect_vreg.gather [hbm4b:s5+s2], $0x80, v3, vm0, $0xb8;
	[tilespmem:$0x10400] =	vst v63  }
0x164: {  	_ = 	snop  }
0x165: {  	[tilespmem:s13], [sflag:$0x1] =	stream.indirect_vreg.gather [hbm4b:s6+s2], $0x80, v3, vm0, $0xb8;
	[tilespmem:$0x10400] =	vst v63  }
0x166: {  	_ =	swait.ge [sflag:s19], $0x8000  }
0x167: {  	[sflag:s19] =	ssyncset.done $0x0  }
0x168: {  	s10 =	rddreg [dreg:$0x8];
	[sflag:s19] =	ssyncadd.s32 $0xFFFF8000  }
0x169: {  	[hbm4b:s10+s2] =	stream.linear.scatter [tilespmem:s25], [sflag:$0x3], $0x8000, $0x38;
	[tilespmem:$0x10400] =	vst v63  }
0x16a: {  	_ =	swait.ge [sflag:s8], $0x8000  }
0x16b: {  	[sflag:s8] =	ssyncset.done $0x0  }
0x16c: {  	[sflag:s8] =	ssyncadd.s32 $0xFFFF8000  }
0x16d: {  	v3 =	vld [tilespmem:$0x380];
	_ =	sdelay $0x4  }
0x16e: {  	v62 =	vshll.u32 v3, $0x3  }
0x16f: {  	v3 =	vand.u32 $0x7, v3;
	v4 =	vand.u32 $0xFFFFFFC0, v62  }
0x170: {  	v3 =	vor.u32 v3, v4  }
0x171: {  	v4 =	vperm.xlane v3, v0;
	_ =	sdelay $0x1  }
0x172: {  	v4 =	vadd.s32 v1, v4;
	_ =	sdelay $0x4  }
0x173: {  	[tilespmem:s25], [sflag:$0x2] =	stream.indirect_vreg.gather [hbm4b:s3+s2], $0x80, v4, vm0, $0xb8;
	[tilespmem:$0x10400] =	vst v63  }
0x174: {  	s20 =	simm.s32 $0x8C00;
	v3 =	vperm.xlane v3, v2  }
0x175: {  	[tilespmem:s20], [sflag:$0x2] =	stream.indirect_vreg.gather [hbm4b:s4+s2], $0x80, v4, vm0, $0xb8;
	[tilespmem:$0x10400] =	vst v63  }
0x176: {  	s0 =	simm.s32 $0x9400;
	v3 =	vadd.s32 v1, v3  }
0x177: {  	[tilespmem:s0], [sflag:$0x2] =	stream.indirect_vreg.gather [hbm4b:s5+s2], $0x80, v4, vm0, $0xb8;
	[tilespmem:$0x10400] =	vst v63  }
0x178: {  	s1 =	simm.s32 $0x9C00  }
0x179: {  	[tilespmem:s1], [sflag:$0x2] =	stream.indirect_vreg.gather [hbm4b:s6+s2], $0x80, v4, vm0, $0xb8;
	[tilespmem:$0x10400] =	vst v63  }
0x17a: {  	s10 =	simm.s32 $0xA400  }
0x17b: {  	[tilespmem:s10], [sflag:$0x2] =	stream.indirect_vreg.gather [hbm4b:s3+s2], $0x80, v3, vm0, $0xb8;
	[tilespmem:$0x10400] =	vst v63  }
0x17c: {  	s14 =	simm.s32 $0xAC00  }
0x17d: {  	[tilespmem:s14], [sflag:$0x2] =	stream.indirect_vreg.gather [hbm4b:s4+s2], $0x80, v3, vm0, $0xb8;
	[tilespmem:$0x10400] =	vst v63  }
0x17e: {  	s17 =	simm.s32 $0xB400  }
0x17f: {  	[tilespmem:s17], [sflag:$0x2] =	stream.indirect_vreg.gather [hbm4b:s5+s2], $0x80, v3, vm0, $0xb8;
	[tilespmem:$0x10400] =	vst v63  }
0x180: {  	s17 =	simm.s32 $0xBC00  }
0x181: {  	[tilespmem:s17], [sflag:$0x2] =	stream.indirect_vreg.gather [hbm4b:s6+s2], $0x80, v3, vm0, $0xb8;
	[tilespmem:$0x10400] =	vst v63  }
0x182: {  	v3 =	vld [tilespmem:$0x390];
	_ =	sdelay $0x4  }
0x183: {  	v63 =	vshll.u32 v3, $0x3  }
0x184: {  	v3 =	vand.u32 $0x7, v3;
	v4 =	vand.u32 $0xFFFFFFC0, v63  }
0x185: {  	v3 =	vor.u32 v3, v4  }
0x186: {  	v4 =	vperm.xlane v3, v0;
	_ =	sdelay $0x1  }
0x187: {  	v4 =	vadd.s32 v1, v4;
	_ =	sdelay $0x3  }
0x188: {  	s20 =	simm.s32 $0xC400  }
0x189: {  	[tilespmem:s20], [sflag:$0x2] =	stream.indirect_vreg.gather [hbm4b:s3+s2], $0x80, v4, vm0, $0xb8;
	[tilespmem:$0x10400] =	vst v63  }
0x18a: {  	s1 =	simm.s32 $0xCC00;
	v3 =	vperm.xlane v3, v2  }
0x18b: {  	[tilespmem:s1], [sflag:$0x2] =	stream.indirect_vreg.gather [hbm4b:s4+s2], $0x80, v4, vm0, $0xb8;
	[tilespmem:$0x10400] =	vst v63  }
0x18c: {  	s10 =	simm.s32 $0xD400;
	v3 =	vadd.s32 v1, v3  }
0x18d: {  	[tilespmem:s10], [sflag:$0x2] =	stream.indirect_vreg.gather [hbm4b:s5+s2], $0x80, v4, vm0, $0xb8;
	[tilespmem:$0x10400] =	vst v63  }
0x18e: {  	s14 =	simm.s32 $0xDC00  }
0x18f: {  	[tilespmem:s14], [sflag:$0x2] =	stream.indirect_vreg.gather [hbm4b:s6+s2], $0x80, v4, vm0, $0xb8;
	[tilespmem:$0x10400] =	vst v63  }
0x190: {  	s17 =	simm.s32 $0xE400  }
0x191: {  	[tilespmem:s17], [sflag:$0x2] =	stream.indirect_vreg.gather [hbm4b:s3+s2], $0x80, v3, vm0, $0xb8;
	[tilespmem:$0x10400] =	vst v63  }
0x192: {  	s20 =	simm.s32 $0xEC00  }
0x193: {  	[tilespmem:s20], [sflag:$0x2] =	stream.indirect_vreg.gather [hbm4b:s4+s2], $0x80, v3, vm0, $0xb8;
	[tilespmem:$0x10400] =	vst v63  }
0x194: {  	s1 =	simm.s32 $0xF400  }
0x195: {  	[tilespmem:s1], [sflag:$0x2] =	stream.indirect_vreg.gather [hbm4b:s5+s2], $0x80, v3, vm0, $0xb8;
	[tilespmem:$0x10400] =	vst v63  }
0x196: {  	s10 =	simm.s32 $0xFC00  }
0x197: {  	[tilespmem:s10], [sflag:$0x2] =	stream.indirect_vreg.gather [hbm4b:s6+s2], $0x80, v3, vm0, $0xb8;
	[tilespmem:$0x10400] =	vst v63  }
0x198: {  	_ =	swait.ge [sflag:s18], $0x8000  }
0x199: {  	[sflag:s18] =	ssyncset.done $0x0  }
0x19a: {  	s14 =	rddreg [dreg:$0x9];
	[sflag:s18] =	ssyncadd.s32 $0xFFFF8000  }
0x19b: {  	[hbm4b:s14+s2] =	stream.linear.scatter [tilespmem:s9], [sflag:$0x3], $0x8000, $0x38;
	[tilespmem:$0x10400] =	vst v63  }
0x19c: {  	_ =	swait.ge [sflag:s8], $0x8000  }
0x19d: {  	[sflag:s8] =	ssyncset.done $0x0  }
0x19e: {  	[sflag:s8] =	ssyncadd.s32 $0xFFFF8000  }
0x19f: {  	_ =	swait.ge [sflag:s19], $0x8000  }
0x1a0: {  	p0 =	sne.s32 s7, $0x1;
	[sflag:s19] =	ssyncset.done $0x0  }
.Ltmp0:
0x1a1: {  	s17 =	rddreg [dreg:$0xa];
	[sflag:s19] =	ssyncadd.s32 $0xFFFF8000;
	(pc) =	sbr.rel @p0 .LBB2_1-.Ltmp0, $4  }
0x1a2: {  	[hbm4b:s17+s2] =	stream.linear.scatter [tilespmem:s25], [sflag:$0x3], $0x8000, $0x38;
	[tilespmem:$0x10400] =	vst v63  }
0x1a3: {  	_ =	swait.ge [sflag:s8], $0x8000  }
0x1a4: {  	[sflag:s8] =	ssyncset.done $0x0  }
0x1a5: {  	s7 =	sadd.s32 $0xFFFFFFFF, s7;
	[sflag:s8] =	ssyncadd.s32 $0xFFFF8000  }
0x1a6: {  	_ =	sfence.sel $0x180000  }
0x1a7: {  	[bflag:$0x0] =	sbarrier.arrive $0xFFFF  }
0x1a8: {  	_ =	strace $0x9000004A  }
0x1a9: {  	s0 =	stileid.u32;
	[bflag:$0x2] =	sbarrier.arrive $0xFFFF  }
0x1aa: {  	p0 =	sne.s32 s0, $0x0;
	s0 =	rddreg [dreg:$0x1]  }
0x1ab: {  	s0 =	sadd.s32 @!p0 $0x100000, s0  }
0x1ac: {  	[sflag:s0] =	ssyncadd.tile.s32 @!p0 $0x1;
	_ =	shalt  }
.Lfunc_end2:
_tile_overlayer_lowered:
.L_overlay_start_2:
0x1ad: {  	(tag) =	ssettag $0x2  }
0x1ae: {  	s0 =	rddreg [dreg:$0x0];
	s2 =	stileid.u32  }
0x1af: {  	s1 =	rddreg [dreg:$0x1];
	p0 =	sne.s32 s2, $0x0  }
0x1b0: {  	s3 =	rddreg [dreg:$0x2];
	[bflag:$0x3] =	sbarrier.arrive $0xFFFF;
	s2 =	simm.s32 @!p0 $0x1C03  }
0x1b1: {  	[timem:s3], [sflag:s2] =	dma.local @!p0 [hbm:s0], s1  }
0x1b2: {  	s0 =	simm.s32 @!p0 $0x3  }
0x1b3: {  	_ =	swait.ge @!p0 [sflag:s0], s1  }
0x1b4: {  	s1 =	ssub.s32 @!p0 $0x0, s1;
	[sflag:s0] =	ssyncset.done @!p0 $0x0  }
0x1b5: {  	[sflag:s0] =	ssyncadd.s32 @!p0 s1  }
0x1b6: {  	[bflag:$0x3] =	sbarrier.arrive $0xFFFF  }
0x1b7: {  	_ =	shalt  }

// kernel: kernel.8.cloned.1.call-start
scs
__scs_entry_jumppad:
0x0: {  	(pc) =	sbr.rel $0x88, $3  }
0x1: {  	(tag) =	ssettag $0x0;
	lr =	simm.s32 $0x1  }
0x2: {  	[smem:$0x3F96] =	sst lr;
	_ =	strace $0xD0000000  }
0x3: {  	_ = 	snop  }
0x4: {  	_ = 	snop  }
0x5: {  	_ = 	snop  }
0x6: {  	_ = 	snop  }
0x7: {  	_ = 	snop  }
__scs_overlays_trampoline_lowered:
0x8: {  	[smem:$0x3FA5] =	sst s0  }
0x9: {  	[smem:$0x3FA6] =	sst s1  }
0xa: {  	[smem:$0x3FA7] =	sst s2  }
0xb: {  	[smem:$0x3FA8] =	sst s3  }
0xc: {  	[smem:$0x3FA9] =	sst s4  }
0xd: {  	[smem:$0x3FAA] =	sst s5  }
0xe: {  	[smem:$0x3FAB] =	sst s6  }
0xf: {  	[smem:$0x3FAC] =	sst s7  }
0x10: {  	[smem:$0x3FAD] =	sst s8  }
0x11: {  	[smem:$0x3FAE] =	sst s9;
	s0 =	simm.s32 @!p0 $0x0  }
0x12: {  	s1 =	sld [smem:$0x3F94];
	s0 =	simm.s32 @p0 $0x1  }
0x13: {  	[smem:$0x3FAF] =	sst s0;
	s0 =	simm.s32 @!p1 $0x0  }
0x14: {  	s2 =	sld [smem:$0x3F93];
	s0 =	simm.s32 @p1 $0x1  }
0x15: {  	[smem:$0x3FB0] =	sst s0;
	s0 =	simm.s32 @!p2 $0x0  }
0x16: {  	s3 =	sld [smem:$0x3FDB];
	s0 =	simm.s32 @p2 $0x1  }
0x17: {  	s4 =	simm.s32 $0x1BF5;
	[smem:$0x3FB2] =	sst s0  }
0x18: {  	s0 =	sld [smem:$0x3F95];
	_ =	swait.ge [sflag:s4], $0x0  }
0x19: {  	s7 =	sld [smem:$0x3F96]  }
0x1a: {  	s8 =	sadd.s32 $0xFFFFE003, lr  }
0x1b: {  	s9 =	sadd.s32 $0xFFFFFEF7, lr;
	s5 =	simm.s32 $0xFFFFFFFF;
	p2 =	slt.u32 s8, $0xFFFFF086  }
0x1c: {  	p1 =	slt.u32 s9, $0xF7A;
	s5 =	simm.s32 @!p2 $0x0  }
0x1d: {  	s5 =	simm.s32 @p1 $0x1;
	p0 =	seq.s32 s7, s2  }
0x1e: {  	s7 =	smul.u32 @!p0 $0xF7A, s2;
	p2 =	seq.s32 @!p0 s5, $0x0  }
0x1f: {  	s9 =	smul.u32 $0xF7A, s1;
	s8 =	simm.s32 @!p0 $0x1BF5;
	p2 =	por !p2, p0  }
0x20: {  	[sflag:s8] =	ssyncset.s32 @!p0 $0xFFFFF086;
	s6 =	sadd.s32 @!p0 s3, s7;
	s7 =	simm.s32 @!p0 $0x108  }
0x21: {  	s3 =	sadd.s32 s3, s9;
	s6 =	sadd.s32 @!p0 $0x88, s6;
	s7 =	simm.s32 @p2 $0x1082  }
0x22: {  	[simem:s7], [sflag:s8] =	dma.local @!p0 [hbm:s6], $0xF7A  }
0x23: {  	s9 =	sor.u32 $0xD0000000, s2;
	s6 =	simm.s32 $0x108;
	_ =	swait.ge @!p0 [sflag:s8], $0x0  }
0x24: {  	s3 =	sadd.s32 $0x88, s3;
	s6 =	simm.s32 @!p1 $0x1082;
	[sflag:s4] =	ssyncset.s32 $0xFFFFF086  }
0x25: {  	[simem:s6], [sflag:s4] =	dma.local [hbm:s3], $0xF7A  }
0x26: {  	[smem:$0x3F96] =	sst s1;
	(tag) =	ssettag s2;
	_ =	strace s9  }
0x27: {  	s1 =	sld [smem:$0x3FA6]  }
0x28: {  	s2 =	sld [smem:$0x3FA7]  }
0x29: {  	s4 =	sld [smem:$0x3FA9]  }
0x2a: {  	p0 =	seq.s32 s5, $0x0;
	s5 =	sld [smem:$0x3FAA]  }
0x2b: {  	s6 =	sld [smem:$0x3FAB]  }
0x2c: {  	s7 =	sld [smem:$0x3FAC]  }
0x2d: {  	s3 =	simm.s32 $0x108;
	s8 =	sld [smem:$0x3FAD]  }
0x2e: {  	s3 =	simm.s32 @!p0 $0x1082;
	s9 =	sld [smem:$0x3FAE]  }
0x2f: {  	lr =	sadd.s32 s0, s3;
	s0 =	sld [smem:$0x3FA5]  }
0x30: {  	s3 =	sld [smem:$0x3FA8]  }
0x31: {  	[smem:$0x3FB1] =	sst s10  }
0x32: {  	s10 =	sld [smem:$0x3FAF];
	_ =	sdelay $0x3  }
0x33: {  	p0 =	seq.s32 s10, $0x1;
	s10 =	sld [smem:$0x3FB1];
	_ =	sdelay $0x3  }
0x34: {  	[smem:$0x3FB1] =	sst s10  }
0x35: {  	s10 =	sld [smem:$0x3FB0];
	_ =	sdelay $0x3  }
0x36: {  	p1 =	seq.s32 s10, $0x1;
	s10 =	sld [smem:$0x3FB1];
	_ =	sdelay $0x3  }
0x37: {  	[smem:$0x3FB1] =	sst s10  }
0x38: {  	s10 =	sld [smem:$0x3FB2]  }
0x39: {  	_ = 	snop;
	(pc) =	sbr.ind lr, $3  }
0x3a: {  	_ = 	snop  }
0x3b: {  	_ = 	snop  }
0x3c: {  	p2 =	seq.s32 s10, $0x1;
	s10 =	sld [smem:$0x3FB1]  }
0x3d: {  	_ =	shalt  }
0x3e: {  	_ =	shalt  }
0x3f: {  	_ =	shalt  }
0x40: {  	_ =	shalt  }
0x41: {  	_ =	shalt  }
0x42: {  	_ =	shalt  }
0x43: {  	_ =	shalt  }
0x44: {  	_ =	shalt  }
0x45: {  	_ =	shalt  }
0x46: {  	_ =	shalt  }
0x47: {  	_ =	shalt  }
0x48: {  	_ =	shalt  }
0x49: {  	_ =	shalt  }
0x4a: {  	_ =	shalt  }
0x4b: {  	_ =	shalt  }
0x4c: {  	_ =	shalt  }
0x4d: {  	_ =	shalt  }
0x4e: {  	_ =	shalt  }
0x4f: {  	_ =	shalt  }
0x50: {  	_ =	shalt  }
0x51: {  	_ =	shalt  }
0x52: {  	_ =	shalt  }
0x53: {  	_ =	shalt  }
0x54: {  	_ =	shalt  }
0x55: {  	_ =	shalt  }
0x56: {  	_ =	shalt  }
0x57: {  	_ =	shalt  }
0x58: {  	_ =	shalt  }
0x59: {  	_ =	shalt  }
0x5a: {  	_ =	shalt  }
0x5b: {  	_ =	shalt  }
0x5c: {  	_ =	shalt  }
0x5d: {  	_ =	shalt  }
0x5e: {  	_ =	shalt  }
0x5f: {  	_ =	shalt  }
0x60: {  	_ =	shalt  }
0x61: {  	_ =	shalt  }
0x62: {  	_ =	shalt  }
0x63: {  	_ =	shalt  }
0x64: {  	_ =	shalt  }
0x65: {  	_ =	shalt  }
0x66: {  	_ =	shalt  }
0x67: {  	_ =	shalt  }
0x68: {  	_ =	shalt  }
0x69: {  	_ =	shalt  }
0x6a: {  	_ =	shalt  }
0x6b: {  	_ =	shalt  }
0x6c: {  	_ =	shalt  }
0x6d: {  	_ =	shalt  }
0x6e: {  	_ =	shalt  }
0x6f: {  	_ =	shalt  }
0x70: {  	_ =	shalt  }
0x71: {  	_ =	shalt  }
0x72: {  	_ =	shalt  }
0x73: {  	_ =	shalt  }
0x74: {  	_ =	shalt  }
0x75: {  	_ =	shalt  }
0x76: {  	_ =	shalt  }
0x77: {  	_ =	shalt  }
0x78: {  	_ =	shalt  }
0x79: {  	_ =	shalt  }
0x7a: {  	_ =	shalt  }
0x7b: {  	_ =	shalt  }
0x7c: {  	_ =	shalt  }
0x7d: {  	_ =	shalt  }
0x7e: {  	_ =	shalt  }
0x7f: {  	_ =	shalt  }
0x80: {  	_ =	shalt  }
0x81: {  	_ =	shalt  }
0x82: {  	_ =	shalt  }
0x83: {  	_ =	shalt  }
0x84: {  	_ =	shalt  }
0x85: {  	_ =	shalt  }
0x86: {  	_ =	shalt  }
0x87: {  	_ =	shalt  }
.Lfunc_end0:
.L_simem_size_0:
called_computation_lowered:
.L_overlay_start_0:
0x88: {  	s2 =	sld [smem:$0x3FD9]  }
0x89: {  	s3 =	sld [smem:$0x3FFE];
	_ =	sdelay $0x1  }
0x8a: {  	s1 =	srdreg.scid  }
0x8b: {  	s0 =	sand.u32 $0x1, s1  }
0x8c: {  	s17 =	sshll.u32 s0, $0xA;
	s2 =	sadd.s32 s3, s2  }
0x8d: {  	s2 =	sadd.s32 s2, s17  }
0x8e: {  	[smem:$0x3FBD] =	sst s2  }
0x8f: {  	_ = 	snop  }
0x90: {  	s2 =	sld [smem:$0x3FC9]  }
0x91: {  	s18 =	sld [smem:$0x3FD0];
	(tm) =	ssettm $0x1  }
0x92: {  	s4 =	sld [smem:$0x3FFB];
	_ =	sdelay $0x3  }
0x93: {  	_ =	strace s4  }
0x94: {  	s4 =	sld [smem:$0x3FFC];
	_ =	sdelay $0x3  }
0x95: {  	_ =	strace s4  }
0x96: {  	s4 =	sld [smem:$0x3FFD];
	_ =	sdelay $0x3  }
0x97: {  	_ =	strace s4  }
0x98: {  	_ =	strace $0x8FFFFFFF  }
0x99: {  	s19 =	sld [smem:$0x3FDB];
	_ =	sdelay $0x1  }
0x9a: {  	s5 =	simm.s32 $_scs_section_size  }
0x9b: {  	s6 =	simm.s32 $_size__tile_overlayer_lowered;
	s7 =	simm.s32 $_tile_overlayer_lowered  }
0x9c: {  	s22 =	simm.s32 $0x1BFF;
	s21 =	sshll.u32 s7, $0x1;
	s4 =	sadd.s32 s5, s19  }
0x9d: {  	s8 =	simm.s32 $0x0;
	s20 =	sshll.u32 s6, $0x1;
	s6 =	sadd.s32 s21, s4  }
0x9e: {  	[timem:s8], [sflag:s22] =	dma.local [hbm:s6], s20  }
0x9f: {  	_ =	swait.ge [sflag:s22], s20  }
0xa0: {  	s5 =	ssub.s32 $0x0, s20;
	[sflag:s22] =	ssyncset.done $0x0  }
0xa1: {  	[sflag:s22] =	ssyncadd.s32 s5;
	_ =	sdelay $0x1  }
0xa2: {  	s23 =	simm.s32 $0x1B8B  }
0xa3: {  	_ =	swait.ge [sflag:s23], $0x1  }
0xa4: {  	[sflag:s23] =	ssyncset.done $0x0  }
0xa5: {  	s25 =	simm.s32 $0x1B8E;
	s24 =	sld [smem:$0x3FFE];
	[sflag:s23] =	ssyncadd.s32 $0xFFFFFFFF  }
0xa6: {  	s26 =	simm.s32 $execute0_lowered;
	[smem:$0x3FD2] =	sst s25  }
0xa7: {  	s6 =	sshll.u32 s26, $0x1;
	_ =	strace $0x80000046;
	[dreg:$0x1] =	wrdreg $0xFFFFFFFF  }
0xa8: {  	s28 =	simm.s32 $_size_execute0_lowered;
	s4 =	sadd.s32 s4, s6;
	[dreg:$0x0] =	wrdreg $0x0  }
0xa9: {  	s6 =	sshll.u32 s28, $0x1;
	[dreg:$0x2] =	wrdreg s4  }
0xaa: {  	[dreg:$0x3] =	wrdreg s6  }
0xab: {  	[dreg:$0x4] =	wrdreg $0xC0  }
0xac: {  	_ =	task [dreg:s8], $0x5FFFF  }
0xad: {  	[dreg:$0x1] =	wrdreg $0xFFFFFFFF  }
0xae: {  	[dreg:$0x0] =	wrdreg $0x60  }
0xaf: {  	[dreg:$0x2] =	wrdreg s2  }
0xb0: {  	[dreg:$0x3] =	wrdreg s18  }
0xb1: {  	[dreg:$0x4] =	wrdreg s24  }
0xb2: {  	[dreg:$0x5] =	wrdreg $0x9  }
0xb3: {  	_ =	task.clear_ibuf [dreg:s8], $0x6FFFF;
	_ =	strace $0x90000046  }
0xb4: {  	s29 =	simm.s32 $0x9;
	_ =	strace $0x80000048  }
0xb5: {  	_ =	swait.ge [sflag:s29], $0x1  }
0xb6: {  	[sflag:s29] =	ssyncadd.s32 $0xFFFFFFFF  }
0xb7: {  	_ =	strace $0x90000048  }
0xb8: {  	_ =	sfence  }
0xb9: {  	s30 =	sld [smem:$0x0];
	_ =	sdelay $0x2  }
0xba: {  	s31 =	sshll.u32 s1, $0xD;
	s1 =	sshrl.u32 s1, $0x2  }
0xbb: {  	s3 =	sand.u32 $0x4000, s31;
	s1 =	sadd.s32 s1, s30  }
0xbc: {  	s0 =	sor.u32 s3, s0;
	s1 =	sshll.u32 s1, $0x11  }
0xbd: {  	s0 =	sor.u32 s1, s0  }
0xbe: {  	s0 =	sadd.s32 $0x8F2B, s0  }
0xbf: {  	[sflag:s0] =	ssyncadd.remote.s32 $0x1  }
0xc0: {  	_ =	sfence.sel $0xFFFF  }
0xc1: {  	[dreg:$0x0] =	wrdreg $0xFFFFFFFF;
	(pc) =	sbr.abs _section_cstart, $3  }
0xc2: {  	[dreg:$0x1] =	wrdreg $0xFFFFFFFF  }
0xc3: {  	_ =	task.clear_ibuf [dreg:s8], $0x2FFFF;
	_ =	strace $0x9FFFFFFF  }
0xc4: {  	(tm) =	ssettm $0x7FFFFFFF  }
0xc5: {  	_ =	shalt  }
tec
execute0_lowered:
.L_overlay_start_1:
0x0: {  	(tag) =	ssettag $0x1  }
0x1: {  	s0 =	rddreg [dreg:$0x0]  }
0x2: {  	s1 =	rddreg [dreg:$0x1]  }
0x3: {  	s4 =	rddreg [dreg:$0x2]  }
0x4: {  	s2 =	simm.s32 $0x0;
	s3 =	srdreg.scid;
	s6 =	stileid.u32  }
0x5: {  	s29 =	simm.s32 $0x3;
	s31 =	simm.s32 $0x3C00;
	s28 =	simm.s32 $0x7400  }
0x6: {  	[smem:$0x7FF] =	sst s2;
	s5 =	sand.u32 $0x1, s3;
	s6 =	sshll.u32 s6, $0x1  }
0x7: {  	s3 =	sadd.s32 $0x11000, s4;
	_ =	strace $0x80000047;
	s6 =	sor.u32 s5, s6  }
0x8: {  	s5 =	ssub.s32 $0x2, s5;
	s7 =	sshll.u32 s6, $0x7;
	s6 =	sshll.u32 s6, $0xE  }
0x9: {  	s8 =	sshrl.u32 s5, $0x1;
	s1 =	sadd.s32 s1, s7;
	s23 =	sadd.s32 s0, s6  }
0xa: {  	s24 =	ssub.s32 s5, s8;
	s5 =	sadd.s32 $0x11100, s4;
	[dreg:$0x4] =	wrdreg s1  }
0xb: {  	s6 =	sadd.s32 $0x11200, s4;
	s25 =	sadd.s32 $0x1000, s23;
	[dreg:$0x8] =	wrdreg s23  }
0xc: {  	v2 =	vlaneseq.u32;
	s7 =	sadd.s32 $0x11300, s4;
	s26 =	sadd.s32 $0x2000, s23;
	[dreg:$0x5] =	wrdreg s25  }
0xd: {  	vm0 =	vmmov $0xffff;
	v1 =	vshrl.u32 v2, $0x3;
	s30 =	sadd.s32 $0x3000, s23;
	s18 =	smax.u32 s24, $0x1;
	[dreg:$0x6] =	wrdreg s26  }
0xe: {  	v0 =	vand.u32 $0x7, v2;
	v2 =	vor.u32 $0x8, v2;
	v1 =	vmul.u32 $0x8, v1;
	[dreg:$0x7] =	wrdreg s30;
	s25 =	simm.s32 $0x6400;
	s26 =	simm.s32 $0x6C00  }
.LBB2_1:
0xf: {  	s23 =	rddreg [dreg:$0x4];
	s8 =	simm.s32 $0x4  }
0x10: {  	[tilespmem:s2], [sflag:$0x4] =	stream.linear.gather [hbm4b:s23+s2], $0x400, $0x38;
	[tilespmem:$0x10400] =	vst v63  }
0x11: {  	_ =	swait.ge [sflag:s8], $0x400  }
0x12: {  	[sflag:s8] =	ssyncset.done $0x0  }
0x13: {  	s0 =	simm.s32 $0x400;
	s24 =	rddreg [dreg:$0x8];
	[sflag:s8] =	ssyncadd.s32 $0xFFFFFC00  }
0x14: {  	[tilespmem:s0], [sflag:$0x1] =	stream.linear.gather [hbm4b:s24+s2], $0x8000, $0x38;
	[tilespmem:$0x10400] =	vst v63  }
0x15: {  	s10 =	simm.s32 $0x8400;
	s30 =	simm.s32 $0x1;
	s9 =	rddreg [dreg:$0x5]  }
0x16: {  	[tilespmem:s10], [sflag:$0x2] =	stream.linear.gather [hbm4b:s9+s2], $0x8000, $0x38;
	[tilespmem:$0x10400] =	vst v63  }
0x17: {  	_ =	swait.ge [sflag:s30], $0x8000  }
0x18: {  	[sflag:s30] =	ssyncset.done $0x0  }
0x19: {  	[sflag:s30] =	ssyncadd.s32 $0xFFFF8000  }
0x1a: {  	v3 =	vld [tilespmem:$0x0];
	_ =	sdelay $0x4  }
0x1b: {  	v4 =	vshll.u32 v3, $0x3  }
0x1c: {  	v3 =	vand.u32 $0x7, v3;
	v4 =	vand.u32 $0xFFFFFFC0, v4  }
0x1d: {  	v3 =	vor.u32 v3, v4  }
0x1e: {  	v4 =	vperm.xlane v3, v0;
	_ =	sdelay $0x1  }
0x1f: {  	v4 =	vadd.s32 v1, v4;
	_ =	sdelay $0x3  }
0x20: {  	s24 =	simm.s32 $0x400  }
0x21: {  	[hbm4b:s3+s2] =	stream.indirect_vreg.scatter [tilespmem:s24], [sflag:$0x3], $0x80, v4, vm0, $0xb8;
	[tilespmem:$0x10400] =	vst v63  }
0x22: {  	s11 =	simm.s32 $0xC00;
	v3 =	vperm.xlane v3, v2  }
0x23: {  	[hbm4b:s5+s2] =	stream.indirect_vreg.scatter [tilespmem:s11], [sflag:$0x3], $0x80, v4, vm0, $0xb8;
	[tilespmem:$0x10400] =	vst v63  }
0x24: {  	s12 =	simm.s32 $0x1400;
	v3 =	vadd.s32 v1, v3  }
0x25: {  	[hbm4b:s6+s2] =	stream.indirect_vreg.scatter [tilespmem:s12], [sflag:$0x3], $0x80, v4, vm0, $0xb8;
	[tilespmem:$0x10400] =	vst v63  }
0x26: {  	s13 =	simm.s32 $0x1C00  }
0x27: {  	[hbm4b:s7+s2] =	stream.indirect_vreg.scatter [tilespmem:s13], [sflag:$0x3], $0x80, v4, vm0, $0xb8;
	[tilespmem:$0x10400] =	vst v63  }
0x28: {  	s14 =	simm.s32 $0x2400  }
0x29: {  	[hbm4b:s3+s2] =	stream.indirect_vreg.scatter [tilespmem:s14], [sflag:$0x3], $0x80, v3, vm0, $0xb8;
	[tilespmem:$0x10400] =	vst v63  }
0x2a: {  	s15 =	simm.s32 $0x2C00  }
0x2b: {  	[hbm4b:s5+s2] =	stream.indirect_vreg.scatter [tilespmem:s15], [sflag:$0x3], $0x80, v3, vm0, $0xb8;
	[tilespmem:$0x10400] =	vst v63  }
0x2c: {  	s16 =	simm.s32 $0x3400  }
0x2d: {  	[hbm4b:s6+s2] =	stream.indirect_vreg.scatter [tilespmem:s16], [sflag:$0x3], $0x80, v3, vm0, $0xb8;
	[tilespmem:$0x10400] =	vst v63  }
0x2e: {  	s20 =	simm.s32 $0x3C00  }
0x2f: {  	[hbm4b:s7+s2] =	stream.indirect_vreg.scatter [tilespmem:s20], [sflag:$0x3], $0x80, v3, vm0, $0xb8;
	[tilespmem:$0x10400] =	vst v63  }
0x30: {  	v3 =	vld [tilespmem:$0x10];
	_ =	sdelay $0x4  }
0x31: {  	v49 =	vshll.u32 v3, $0x3  }
0x32: {  	v3 =	vand.u32 $0x7, v3;
	v4 =	vand.u32 $0xFFFFFFC0, v49  }
0x33: {  	v3 =	vor.u32 v3, v4  }
0x34: {  	v4 =	vperm.xlane v3, v0;
	_ =	sdelay $0x1  }
0x35: {  	v4 =	vadd.s32 v1, v4;
	_ =	sdelay $0x3  }
0x36: {  	s22 =	simm.s32 $0x4400  }
0x37: {  	[hbm4b:s3+s2] =	stream.indirect_vreg.scatter [tilespmem:s22], [sflag:$0x3], $0x80, v4, vm0, $0xb8;
	[tilespmem:$0x10400] =	vst v63  }
0x38: {  	s23 =	simm.s32 $0x4C00;
	v3 =	vperm.xlane v3, v2  }
0x39: {  	[hbm4b:s5+s2] =	stream.indirect_vreg.scatter [tilespmem:s23], [sflag:$0x3], $0x80, v4, vm0, $0xb8;
	[tilespmem:$0x10400] =	vst v63  }
0x3a: {  	s4 =	simm.s32 $0x5400;
	v3 =	vadd.s32 v1, v3  }
0x3b: {  	[hbm4b:s6+s2] =	stream.indirect_vreg.scatter [tilespmem:s4], [sflag:$0x3], $0x80, v4, vm0, $0xb8;
	[tilespmem:$0x10400] =	vst v63  }
0x3c: {  	s9 =	simm.s32 $0x5C00  }
0x3d: {  	[hbm4b:s7+s2] =	stream.indirect_vreg.scatter [tilespmem:s9], [sflag:$0x3], $0x80, v4, vm0, $0xb8;
	[tilespmem:$0x10400] =	vst v63  }
0x3e: {  	s10 =	simm.s32 $0x6400  }
0x3f: {  	[hbm4b:s3+s2] =	stream.indirect_vreg.scatter [tilespmem:s10], [sflag:$0x3], $0x80, v3, vm0, $0xb8;
	[tilespmem:$0x10400] =	vst v63  }
0x40: {  	s12 =	simm.s32 $0x6C00  }
0x41: {  	[hbm4b:s5+s2] =	stream.indirect_vreg.scatter [tilespmem:s12], [sflag:$0x3], $0x80, v3, vm0, $0xb8;
	[tilespmem:$0x10400] =	vst v63  }
0x42: {  	s20 =	simm.s32 $0x7400  }
0x43: {  	[hbm4b:s6+s2] =	stream.indirect_vreg.scatter [tilespmem:s20], [sflag:$0x3], $0x80, v3, vm0, $0xb8;
	[tilespmem:$0x10400] =	vst v63  }
0x44: {  	s22 =	simm.s32 $0x7C00  }
0x45: {  	[hbm4b:s7+s2] =	stream.indirect_vreg.scatter [tilespmem:s22], [sflag:$0x3], $0x80, v3, vm0, $0xb8;
	[tilespmem:$0x10400] =	vst v63  }
0x46: {  	v3 =	vld [tilespmem:$0x80];
	_ =	sdelay $0x4  }
0x47: {  	v50 =	vshll.u32 v3, $0x3  }
0x48: {  	v3 =	vand.u32 $0x7, v3;
	v4 =	vand.u32 $0xFFFFFFC0, v50  }
0x49: {  	v3 =	vor.u32 v3, v4  }
0x4a: {  	v4 =	vperm.xlane v3, v0;
	_ =	sdelay $0x1  }
0x4b: {  	v4 =	vadd.s32 v1, v4;
	_ =	sdelay $0x4  }
0x4c: {  	[hbm4b:s3+s2] =	stream.indirect_vreg.scatter [tilespmem:s24], [sflag:$0x3], $0x80, v4, vm0, $0xb8;
	[tilespmem:$0x10400] =	vst v63  }
0x4d: {  	s21 =	simm.s32 $0xC00;
	v3 =	vperm.xlane v3, v2  }
0x4e: {  	[hbm4b:s5+s2] =	stream.indirect_vreg.scatter [tilespmem:s21], [sflag:$0x3], $0x80, v4, vm0, $0xb8;
	[tilespmem:$0x10400] =	vst v63  }
0x4f: {  	s8 =	simm.s32 $0x1400;
	v3 =	vadd.s32 v1, v3  }
0x50: {  	[hbm4b:s6+s2] =	stream.indirect_vreg.scatter [tilespmem:s8], [sflag:$0x3], $0x80, v4, vm0, $0xb8;
	[tilespmem:$0x10400] =	vst v63  }
0x51: {  	s13 =	simm.s32 $0x1C00  }
0x52: {  	[hbm4b:s7+s2] =	stream.indirect_vreg.scatter [tilespmem:s13], [sflag:$0x3], $0x80, v4, vm0, $0xb8;
	[tilespmem:$0x10400] =	vst v63  }
0x53: {  	s17 =	simm.s32 $0x2400  }
0x54: {  	[hbm4b:s3+s2] =	stream.indirect_vreg.scatter [tilespmem:s17], [sflag:$0x3], $0x80, v3, vm0, $0xb8;
	[tilespmem:$0x10400] =	vst v63  }
0x55: {  	s19 =	simm.s32 $0x2C00  }
0x56: {  	[hbm4b:s5+s2] =	stream.indirect_vreg.scatter [tilespmem:s19], [sflag:$0x3], $0x80, v3, vm0, $0xb8;
	[tilespmem:$0x10400] =	vst v63  }
0x57: {  	s1 =	simm.s32 $0x3400  }
0x58: {  	[hbm4b:s6+s2] =	stream.indirect_vreg.scatter [tilespmem:s1], [sflag:$0x3], $0x80, v3, vm0, $0xb8;
	[tilespmem:$0x10400] =	vst v63  }
0x59: {  	s14 =	simm.s32 $0x3C00  }
0x5a: {  	[hbm4b:s7+s2] =	stream.indirect_vreg.scatter [tilespmem:s14], [sflag:$0x3], $0x80, v3, vm0, $0xb8;
	[tilespmem:$0x10400] =	vst v63  }
0x5b: {  	v3 =	vld [tilespmem:$0x90];
	_ =	sdelay $0x4  }
0x5c: {  	v51 =	vshll.u32 v3, $0x3  }
0x5d: {  	v3 =	vand.u32 $0x7, v3;
	v4 =	vand.u32 $0xFFFFFFC0, v51  }
0x5e: {  	v3 =	vor.u32 v3, v4  }
0x5f: {  	v4 =	vperm.xlane v3, v0;
	_ =	sdelay $0x1  }
0x60: {  	v4 =	vadd.s32 v1, v4;
	_ =	sdelay $0x3  }
0x61: {  	s15 =	simm.s32 $0x4400  }
0x62: {  	[hbm4b:s3+s2] =	stream.indirect_vreg.scatter [tilespmem:s15], [sflag:$0x3], $0x80, v4, vm0, $0xb8;
	[tilespmem:$0x10400] =	vst v63  }
0x63: {  	s16 =	simm.s32 $0x4C00;
	v3 =	vperm.xlane v3, v2  }
0x64: {  	[hbm4b:s5+s2] =	stream.indirect_vreg.scatter [tilespmem:s16], [sflag:$0x3], $0x80, v4, vm0, $0xb8;
	[tilespmem:$0x10400] =	vst v63  }
0x65: {  	s11 =	simm.s32 $0x5400;
	v3 =	vadd.s32 v1, v3  }
0x66: {  	[hbm4b:s6+s2] =	stream.indirect_vreg.scatter [tilespmem:s11], [sflag:$0x3], $0x80, v4, vm0, $0xb8;
	[tilespmem:$0x10400] =	vst v63  }
0x67: {  	s9 =	simm.s32 $0x5C00  }
0x68: {  	[hbm4b:s7+s2] =	stream.indirect_vreg.scatter [tilespmem:s9], [sflag:$0x3], $0x80, v4, vm0, $0xb8;
	[tilespmem:$0x10400] =	vst v63  }
0x69: {  	s4 =	simm.s32 $0x6400  }
0x6a: {  	[hbm4b:s3+s2] =	stream.indirect_vreg.scatter [tilespmem:s4], [sflag:$0x3], $0x80, v3, vm0, $0xb8;
	[tilespmem:$0x10400] =	vst v63  }
0x6b: {  	s10 =	simm.s32 $0x6C00  }
0x6c: {  	[hbm4b:s5+s2] =	stream.indirect_vreg.scatter [tilespmem:s10], [sflag:$0x3], $0x80, v3, vm0, $0xb8;
	[tilespmem:$0x10400] =	vst v63  }
0x6d: {  	s12 =	simm.s32 $0x7400  }
0x6e: {  	[hbm4b:s6+s2] =	stream.indirect_vreg.scatter [tilespmem:s12], [sflag:$0x3], $0x80, v3, vm0, $0xb8;
	[tilespmem:$0x10400] =	vst v63  }
0x6f: {  	s23 =	simm.s32 $0x7C00  }
0x70: {  	[hbm4b:s7+s2] =	stream.indirect_vreg.scatter [tilespmem:s23], [sflag:$0x3], $0x80, v3, vm0, $0xb8;
	[tilespmem:$0x10400] =	vst v63  }
0x71: {  	_ =	swait.ge [sflag:s29], $0x8000  }
0x72: {  	[sflag:s29] =	ssyncset.done $0x0  }
0x73: {  	[sflag:s29] =	ssyncadd.s32 $0xFFFF8000  }
0x74: {  	_ =	swait.ge [sflag:s29], $0x8000  }
0x75: {  	[sflag:s29] =	ssyncset.done $0x0  }
0x76: {  	s0 =	simm.s32 $0x2;
	s10 =	rddreg [dreg:$0x6];
	[sflag:s29] =	ssyncadd.s32 $0xFFFF8000  }
0x77: {  	[tilespmem:s24], [sflag:$0x1] =	stream.linear.gather [hbm4b:s10+s2], $0x8000, $0x38;
	[tilespmem:$0x10400] =	vst v63  }
0x78: {  	_ =	swait.ge [sflag:s0], $0x8000  }
0x79: {  	[sflag:s0] =	ssyncset.done $0x0  }
0x7a: {  	[sflag:s0] =	ssyncadd.s32 $0xFFFF8000  }
0x7b: {  	v3 =	vld [tilespmem:$0x100];
	_ =	sdelay $0x4  }
0x7c: {  	v52 =	vshll.u32 v3, $0x3  }
0x7d: {  	v3 =	vand.u32 $0x7, v3;
	v4 =	vand.u32 $0xFFFFFFC0, v52  }
0x7e: {  	v3 =	vor.u32 v3, v4  }
0x7f: {  	v4 =	vperm.xlane v3, v0;
	_ =	sdelay $0x1  }
0x80: {  	v4 =	vadd.s32 v1, v4;
	_ =	sdelay $0x3  }
0x81: {  	s23 =	simm.s32 $0x8400  }
0x82: {  	[hbm4b:s3+s2] =	stream.indirect_vreg.scatter [tilespmem:s23], [sflag:$0x3], $0x80, v4, vm0, $0xb8;
	[tilespmem:$0x10400] =	vst v63  }
0x83: {  	s19 =	simm.s32 $0x8C00;
	v3 =	vperm.xlane v3, v2  }
0x84: {  	[hbm4b:s5+s2] =	stream.indirect_vreg.scatter [tilespmem:s19], [sflag:$0x3], $0x80, v4, vm0, $0xb8;
	[tilespmem:$0x10400] =	vst v63  }
0x85: {  	s11 =	simm.s32 $0x9400;
	v3 =	vadd.s32 v1, v3  }
0x86: {  	[hbm4b:s6+s2] =	stream.indirect_vreg.scatter [tilespmem:s11], [sflag:$0x3], $0x80, v4, vm0, $0xb8;
	[tilespmem:$0x10400] =	vst v63  }
0x87: {  	s21 =	simm.s32 $0x9C00  }
0x88: {  	[hbm4b:s7+s2] =	stream.indirect_vreg.scatter [tilespmem:s21], [sflag:$0x3], $0x80, v4, vm0, $0xb8;
	[tilespmem:$0x10400] =	vst v63  }
0x89: {  	s12 =	simm.s32 $0xA400  }
0x8a: {  	[hbm4b:s3+s2] =	stream.indirect_vreg.scatter [tilespmem:s12], [sflag:$0x3], $0x80, v3, vm0, $0xb8;
	[tilespmem:$0x10400] =	vst v63  }
0x8b: {  	s13 =	simm.s32 $0xAC00  }
0x8c: {  	[hbm4b:s5+s2] =	stream.indirect_vreg.scatter [tilespmem:s13], [sflag:$0x3], $0x80, v3, vm0, $0xb8;
	[tilespmem:$0x10400] =	vst v63  }
0x8d: {  	s1 =	simm.s32 $0xB400  }
0x8e: {  	[hbm4b:s6+s2] =	stream.indirect_vreg.scatter [tilespmem:s1], [sflag:$0x3], $0x80, v3, vm0, $0xb8;
	[tilespmem:$0x10400] =	vst v63  }
0x8f: {  	s14 =	simm.s32 $0xBC00  }
0x90: {  	[hbm4b:s7+s2] =	stream.indirect_vreg.scatter [tilespmem:s14], [sflag:$0x3], $0x80, v3, vm0, $0xb8;
	[tilespmem:$0x10400] =	vst v63  }
0x91: {  	v3 =	vld [tilespmem:$0x110];
	_ =	sdelay $0x4  }
0x92: {  	v53 =	vshll.u32 v3, $0x3  }
0x93: {  	v3 =	vand.u32 $0x7, v3;
	v4 =	vand.u32 $0xFFFFFFC0, v53  }
0x94: {  	v3 =	vor.u32 v3, v4  }
0x95: {  	v4 =	vperm.xlane v3, v0;
	_ =	sdelay $0x1  }
0x96: {  	v4 =	vadd.s32 v1, v4;
	_ =	sdelay $0x3  }
0x97: {  	s9 =	simm.s32 $0xC400  }
0x98: {  	[hbm4b:s3+s2] =	stream.indirect_vreg.scatter [tilespmem:s9], [sflag:$0x3], $0x80, v4, vm0, $0xb8;
	[tilespmem:$0x10400] =	vst v63  }
0x99: {  	s15 =	simm.s32 $0xCC00;
	v3 =	vperm.xlane v3, v2  }
0x9a: {  	[hbm4b:s5+s2] =	stream.indirect_vreg.scatter [tilespmem:s15], [sflag:$0x3], $0x80, v4, vm0, $0xb8;
	[tilespmem:$0x10400] =	vst v63  }
0x9b: {  	s16 =	simm.s32 $0xD400;
	v3 =	vadd.s32 v1, v3  }
0x9c: {  	[hbm4b:s6+s2] =	stream.indirect_vreg.scatter [tilespmem:s16], [sflag:$0x3], $0x80, v4, vm0, $0xb8;
	[tilespmem:$0x10400] =	vst v63  }
0x9d: {  	s14 =	simm.s32 $0xDC00  }
0x9e: {  	[hbm4b:s7+s2] =	stream.indirect_vreg.scatter [tilespmem:s14], [sflag:$0x3], $0x80, v4, vm0, $0xb8;
	[tilespmem:$0x10400] =	vst v63  }
0x9f: {  	s15 =	simm.s32 $0xE400  }
0xa0: {  	[hbm4b:s3+s2] =	stream.indirect_vreg.scatter [tilespmem:s15], [sflag:$0x3], $0x80, v3, vm0, $0xb8;
	[tilespmem:$0x10400] =	vst v63  }
0xa1: {  	s16 =	simm.s32 $0xEC00  }
0xa2: {  	[hbm4b:s5+s2] =	stream.indirect_vreg.scatter [tilespmem:s16], [sflag:$0x3], $0x80, v3, vm0, $0xb8;
	[tilespmem:$0x10400] =	vst v63  }
0xa3: {  	s17 =	simm.s32 $0xF400  }
0xa4: {  	[hbm4b:s6+s2] =	stream.indirect_vreg.scatter [tilespmem:s17], [sflag:$0x3], $0x80, v3, vm0, $0xb8;
	[tilespmem:$0x10400] =	vst v63  }
0xa5: {  	s22 =	simm.s32 $0xFC00  }
0xa6: {  	[hbm4b:s7+s2] =	stream.indirect_vreg.scatter [tilespmem:s22], [sflag:$0x3], $0x80, v3, vm0, $0xb8;
	[tilespmem:$0x10400] =	vst v63  }
0xa7: {  	v3 =	vld [tilespmem:$0x180];
	_ =	sdelay $0x4  }
0xa8: {  	v54 =	vshll.u32 v3, $0x3  }
0xa9: {  	v3 =	vand.u32 $0x7, v3;
	v4 =	vand.u32 $0xFFFFFFC0, v54  }
0xaa: {  	v3 =	vor.u32 v3, v4  }
0xab: {  	v4 =	vperm.xlane v3, v0;
	_ =	sdelay $0x1  }
0xac: {  	v4 =	vadd.s32 v1, v4;
	_ =	sdelay $0x4  }
0xad: {  	[hbm4b:s3+s2] =	stream.indirect_vreg.scatter [tilespmem:s23], [sflag:$0x3], $0x80, v4, vm0, $0xb8;
	[tilespmem:$0x10400] =	vst v63  }
0xae: {  	v3 =	vperm.xlane v3, v2  }
0xaf: {  	[hbm4b:s5+s2] =	stream.indirect_vreg.scatter [tilespmem:s19], [sflag:$0x3], $0x80, v4, vm0, $0xb8;
	[tilespmem:$0x10400] =	vst v63  }
0xb0: {  	s20 =	simm.s32 $0x9400;
	v3 =	vadd.s32 v1, v3  }
0xb1: {  	[hbm4b:s6+s2] =	stream.indirect_vreg.scatter [tilespmem:s20], [sflag:$0x3], $0x80, v4, vm0, $0xb8;
	[tilespmem:$0x10400] =	vst v63  }
0xb2: {  	_ = 	snop  }
0xb3: {  	[hbm4b:s7+s2] =	stream.indirect_vreg.scatter [tilespmem:s21], [sflag:$0x3], $0x80, v4, vm0, $0xb8;
	[tilespmem:$0x10400] =	vst v63  }
0xb4: {  	s8 =	simm.s32 $0xA400  }
0xb5: {  	[hbm4b:s3+s2] =	stream.indirect_vreg.scatter [tilespmem:s8], [sflag:$0x3], $0x80, v3, vm0, $0xb8;
	[tilespmem:$0x10400] =	vst v63  }
0xb6: {  	s4 =	simm.s32 $0xAC00  }
0xb7: {  	[hbm4b:s5+s2] =	stream.indirect_vreg.scatter [tilespmem:s4], [sflag:$0x3], $0x80, v3, vm0, $0xb8;
	[tilespmem:$0x10400] =	vst v63  }
0xb8: {  	_ = 	snop  }
0xb9: {  	[hbm4b:s6+s2] =	stream.indirect_vreg.scatter [tilespmem:s1], [sflag:$0x3], $0x80, v3, vm0, $0xb8;
	[tilespmem:$0x10400] =	vst v63  }
0xba: {  	s11 =	simm.s32 $0xBC00  }
0xbb: {  	[hbm4b:s7+s2] =	stream.indirect_vreg.scatter [tilespmem:s11], [sflag:$0x3], $0x80, v3, vm0, $0xb8;
	[tilespmem:$0x10400] =	vst v63  }
0xbc: {  	v3 =	vld [tilespmem:$0x190];
	_ =	sdelay $0x4  }
0xbd: {  	v55 =	vshll.u32 v3, $0x3  }
0xbe: {  	v3 =	vand.u32 $0x7, v3;
	v4 =	vand.u32 $0xFFFFFFC0, v55  }
0xbf: {  	v3 =	vor.u32 v3, v4  }
0xc0: {  	v4 =	vperm.xlane v3, v0;
	_ =	sdelay $0x1  }
0xc1: {  	v4 =	vadd.s32 v1, v4;
	_ =	sdelay $0x4  }
0xc2: {  	[hbm4b:s3+s2] =	stream.indirect_vreg.scatter [tilespmem:s9], [sflag:$0x3], $0x80, v4, vm0, $0xb8;
	[tilespmem:$0x10400] =	vst v63  }
0xc3: {  	s10 =	simm.s32 $0xCC00;
	v3 =	vperm.xlane v3, v2  }
0xc4: {  	[hbm4b:s5+s2] =	stream.indirect_vreg.scatter [tilespmem:s10], [sflag:$0x3], $0x80, v4, vm0, $0xb8;
	[tilespmem:$0x10400] =	vst v63  }
0xc5: {  	s12 =	simm.s32 $0xD400;
	v3 =	vadd.s32 v1, v3  }
0xc6: {  	[hbm4b:s6+s2] =	stream.indirect_vreg.scatter [tilespmem:s12], [sflag:$0x3], $0x80, v4, vm0, $0xb8;
	[tilespmem:$0x10400] =	vst v63  }
0xc7: {  	_ = 	snop  }
0xc8: {  	[hbm4b:s7+s2] =	stream.indirect_vreg.scatter [tilespmem:s14], [sflag:$0x3], $0x80, v4, vm0, $0xb8;
	[tilespmem:$0x10400] =	vst v63  }
0xc9: {  	_ = 	snop  }
0xca: {  	[hbm4b:s3+s2] =	stream.indirect_vreg.scatter [tilespmem:s15], [sflag:$0x3], $0x80, v3, vm0, $0xb8;
	[tilespmem:$0x10400] =	vst v63  }
0xcb: {  	_ = 	snop  }
0xcc: {  	[hbm4b:s5+s2] =	stream.indirect_vreg.scatter [tilespmem:s16], [sflag:$0x3], $0x80, v3, vm0, $0xb8;
	[tilespmem:$0x10400] =	vst v63  }
0xcd: {  	s13 =	simm.s32 $0xF400  }
0xce: {  	[hbm4b:s6+s2] =	stream.indirect_vreg.scatter [tilespmem:s13], [sflag:$0x3], $0x80, v3, vm0, $0xb8;
	[tilespmem:$0x10400] =	vst v63  }
0xcf: {  	s17 =	simm.s32 $0xFC00  }
0xd0: {  	[hbm4b:s7+s2] =	stream.indirect_vreg.scatter [tilespmem:s17], [sflag:$0x3], $0x80, v3, vm0, $0xb8;
	[tilespmem:$0x10400] =	vst v63  }
0xd1: {  	_ =	swait.ge [sflag:s29], $0x8000  }
0xd2: {  	[sflag:s29] =	ssyncset.done $0x0  }
0xd3: {  	[sflag:s29] =	ssyncadd.s32 $0xFFFF8000  }
0xd4: {  	_ =	swait.ge [sflag:s29], $0x8000  }
0xd5: {  	[sflag:s29] =	ssyncset.done $0x0  }
0xd6: {  	s22 =	simm.s32 $0x8400;
	s8 =	rddreg [dreg:$0x7];
	[sflag:s29] =	ssyncadd.s32 $0xFFFF8000  }
0xd7: {  	[tilespmem:s22], [sflag:$0x2] =	stream.linear.gather [hbm4b:s8+s2], $0x8000, $0x38;
	[tilespmem:$0x10400] =	vst v63  }
0xd8: {  	_ =	swait.ge [sflag:s30], $0x8000  }
0xd9: {  	[sflag:s30] =	ssyncset.done $0x0  }
0xda: {  	[sflag:s30] =	ssyncadd.s32 $0xFFFF8000  }
0xdb: {  	v3 =	vld [tilespmem:$0x200];
	_ =	sdelay $0x4  }
0xdc: {  	v56 =	vshll.u32 v3, $0x3  }
0xdd: {  	v3 =	vand.u32 $0x7, v3;
	v4 =	vand.u32 $0xFFFFFFC0, v56  }
0xde: {  	v3 =	vor.u32 v3, v4  }
0xdf: {  	v4 =	vperm.xlane v3, v0;
	_ =	sdelay $0x1  }
0xe0: {  	v4 =	vadd.s32 v1, v4;
	_ =	sdelay $0x4  }
0xe1: {  	[hbm4b:s3+s2] =	stream.indirect_vreg.scatter [tilespmem:s24], [sflag:$0x3], $0x80, v4, vm0, $0xb8;
	[tilespmem:$0x10400] =	vst v63  }
0xe2: {  	s17 =	simm.s32 $0xC00;
	v3 =	vperm.xlane v3, v2  }
0xe3: {  	[hbm4b:s5+s2] =	stream.indirect_vreg.scatter [tilespmem:s17], [sflag:$0x3], $0x80, v4, vm0, $0xb8;
	[tilespmem:$0x10400] =	vst v63  }
0xe4: {  	s4 =	simm.s32 $0x1400;
	v3 =	vadd.s32 v1, v3  }
0xe5: {  	[hbm4b:s6+s2] =	stream.indirect_vreg.scatter [tilespmem:s4], [sflag:$0x3], $0x80, v4, vm0, $0xb8;
	[tilespmem:$0x10400] =	vst v63  }
0xe6: {  	s10 =	simm.s32 $0x1C00  }
0xe7: {  	[hbm4b:s7+s2] =	stream.indirect_vreg.scatter [tilespmem:s10], [sflag:$0x3], $0x80, v4, vm0, $0xb8;
	[tilespmem:$0x10400] =	vst v63  }
0xe8: {  	s12 =	simm.s32 $0x2400  }
0xe9: {  	[hbm4b:s3+s2] =	stream.indirect_vreg.scatter [tilespmem:s12], [sflag:$0x3], $0x80, v3, vm0, $0xb8;
	[tilespmem:$0x10400] =	vst v63  }
0xea: {  	s13 =	simm.s32 $0x2C00  }
0xeb: {  	[hbm4b:s5+s2] =	stream.indirect_vreg.scatter [tilespmem:s13], [sflag:$0x3], $0x80, v3, vm0, $0xb8;
	[tilespmem:$0x10400] =	vst v63  }
0xec: {  	s23 =	simm.s32 $0x3400  }
0xed: {  	[hbm4b:s6+s2] =	stream.indirect_vreg.scatter [tilespmem:s23], [sflag:$0x3], $0x80, v3, vm0, $0xb8;
	[tilespmem:$0x10400] =	vst v63  }
0xee: {  	_ = 	snop  }
0xef: {  	[hbm4b:s7+s2] =	stream.indirect_vreg.scatter [tilespmem:s31], [sflag:$0x3], $0x80, v3, vm0, $0xb8;
	[tilespmem:$0x10400] =	vst v63  }
0xf0: {  	v3 =	vld [tilespmem:$0x210];
	_ =	sdelay $0x4  }
0xf1: {  	v57 =	vshll.u32 v3, $0x3  }
0xf2: {  	v3 =	vand.u32 $0x7, v3;
	v4 =	vand.u32 $0xFFFFFFC0, v57  }
0xf3: {  	v3 =	vor.u32 v3, v4  }
0xf4: {  	v4 =	vperm.xlane v3, v0;
	_ =	sdelay $0x1  }
0xf5: {  	v4 =	vadd.s32 v1, v4;
	_ =	sdelay $0x3  }
0xf6: {  	s20 =	simm.s32 $0x4400  }
0xf7: {  	[hbm4b:s3+s2] =	stream.indirect_vreg.scatter [tilespmem:s20], [sflag:$0x3], $0x80, v4, vm0, $0xb8;
	[tilespmem:$0x10400] =	vst v63  }
0xf8: {  	s22 =	simm.s32 $0x4C00;
	v3 =	vperm.xlane v3, v2  }
0xf9: {  	[hbm4b:s5+s2] =	stream.indirect_vreg.scatter [tilespmem:s22], [sflag:$0x3], $0x80, v4, vm0, $0xb8;
	[tilespmem:$0x10400] =	vst v63  }
0xfa: {  	s30 =	simm.s32 $0x5400;
	v3 =	vadd.s32 v1, v3  }
0xfb: {  	[hbm4b:s6+s2] =	stream.indirect_vreg.scatter [tilespmem:s30], [sflag:$0x3], $0x80, v4, vm0, $0xb8;
	[tilespmem:$0x10400] =	vst v63  }
0xfc: {  	s8 =	simm.s32 $0x5C00  }
0xfd: {  	[hbm4b:s7+s2] =	stream.indirect_vreg.scatter [tilespmem:s8], [sflag:$0x3], $0x80, v4, vm0, $0xb8;
	[tilespmem:$0x10400] =	vst v63  }
0xfe: {  	_ = 	snop  }
0xff: {  	[hbm4b:s3+s2] =	stream.indirect_vreg.scatter [tilespmem:s25], [sflag:$0x3], $0x80, v3, vm0, $0xb8;
	[tilespmem:$0x10400] =	vst v63  }
0x100: {  	_ = 	snop  }
0x101: {  	[hbm4b:s5+s2] =	stream.indirect_vreg.scatter [tilespmem:s26], [sflag:$0x3], $0x80, v3, vm0, $0xb8;
	[tilespmem:$0x10400] =	vst v63  }
0x102: {  	_ = 	snop  }
0x103: {  	[hbm4b:s6+s2] =	stream.indirect_vreg.scatter [tilespmem:s28], [sflag:$0x3], $0x80, v3, vm0, $0xb8;
	[tilespmem:$0x10400] =	vst v63  }
0x104: {  	s11 =	simm.s32 $0x7C00  }
0x105: {  	[hbm4b:s7+s2] =	stream.indirect_vreg.scatter [tilespmem:s11], [sflag:$0x3], $0x80, v3, vm0, $0xb8;
	[tilespmem:$0x10400] =	vst v63  }
0x106: {  	v3 =	vld [tilespmem:$0x280];
	_ =	sdelay $0x4  }
0x107: {  	v58 =	vshll.u32 v3, $0x3  }
0x108: {  	v3 =	vand.u32 $0x7, v3;
	v4 =	vand.u32 $0xFFFFFFC0, v58  }
0x109: {  	v3 =	vor.u32 v3, v4  }
0x10a: {  	v4 =	vperm.xlane v3, v0;
	_ =	sdelay $0x1  }
0x10b: {  	v4 =	vadd.s32 v1, v4;
	_ =	sdelay $0x4  }
0x10c: {  	[hbm4b:s3+s2] =	stream.indirect_vreg.scatter [tilespmem:s24], [sflag:$0x3], $0x80, v4, vm0, $0xb8;
	[tilespmem:$0x10400] =	vst v63  }
0x10d: {  	v3 =	vperm.xlane v3, v2  }
0x10e: {  	[hbm4b:s5+s2] =	stream.indirect_vreg.scatter [tilespmem:s17], [sflag:$0x3], $0x80, v4, vm0, $0xb8;
	[tilespmem:$0x10400] =	vst v63  }
0x10f: {  	v3 =	vadd.s32 v1, v3  }
0x110: {  	[hbm4b:s6+s2] =	stream.indirect_vreg.scatter [tilespmem:s4], [sflag:$0x3], $0x80, v4, vm0, $0xb8;
	[tilespmem:$0x10400] =	vst v63  }
0x111: {  	_ = 	snop  }
0x112: {  	[hbm4b:s7+s2] =	stream.indirect_vreg.scatter [tilespmem:s10], [sflag:$0x3], $0x80, v4, vm0, $0xb8;
	[tilespmem:$0x10400] =	vst v63  }
0x113: {  	_ = 	snop  }
0x114: {  	[hbm4b:s3+s2] =	stream.indirect_vreg.scatter [tilespmem:s12], [sflag:$0x3], $0x80, v3, vm0, $0xb8;
	[tilespmem:$0x10400] =	vst v63  }
0x115: {  	_ = 	snop  }
0x116: {  	[hbm4b:s5+s2] =	stream.indirect_vreg.scatter [tilespmem:s13], [sflag:$0x3], $0x80, v3, vm0, $0xb8;
	[tilespmem:$0x10400] =	vst v63  }
0x117: {  	_ = 	snop  }
0x118: {  	[hbm4b:s6+s2] =	stream.indirect_vreg.scatter [tilespmem:s23], [sflag:$0x3], $0x80, v3, vm0, $0xb8;
	[tilespmem:$0x10400] =	vst v63  }
0x119: {  	_ = 	snop  }
0x11a: {  	[hbm4b:s7+s2] =	stream.indirect_vreg.scatter [tilespmem:s31], [sflag:$0x3], $0x80, v3, vm0, $0xb8;
	[tilespmem:$0x10400] =	vst v63  }
0x11b: {  	v3 =	vld [tilespmem:$0x290];
	_ =	sdelay $0x4  }
0x11c: {  	v59 =	vshll.u32 v3, $0x3  }
0x11d: {  	v3 =	vand.u32 $0x7, v3;
	v4 =	vand.u32 $0xFFFFFFC0, v59  }
0x11e: {  	v3 =	vor.u32 v3, v4  }
0x11f: {  	v4 =	vperm.xlane v3, v0;
	_ =	sdelay $0x1  }
0x120: {  	v4 =	vadd.s32 v1, v4;
	_ =	sdelay $0x4  }
0x121: {  	[hbm4b:s3+s2] =	stream.indirect_vreg.scatter [tilespmem:s20], [sflag:$0x3], $0x80, v4, vm0, $0xb8;
	[tilespmem:$0x10400] =	vst v63  }
0x122: {  	v3 =	vperm.xlane v3, v2  }
0x123: {  	[hbm4b:s5+s2] =	stream.indirect_vreg.scatter [tilespmem:s22], [sflag:$0x3], $0x80, v4, vm0, $0xb8;
	[tilespmem:$0x10400] =	vst v63  }
0x124: {  	v3 =	vadd.s32 v1, v3  }
0x125: {  	[hbm4b:s6+s2] =	stream.indirect_vreg.scatter [tilespmem:s30], [sflag:$0x3], $0x80, v4, vm0, $0xb8;
	[tilespmem:$0x10400] =	vst v63  }
0x126: {  	_ = 	snop  }
0x127: {  	[hbm4b:s7+s2] =	stream.indirect_vreg.scatter [tilespmem:s8], [sflag:$0x3], $0x80, v4, vm0, $0xb8;
	[tilespmem:$0x10400] =	vst v63  }
0x128: {  	_ = 	snop  }
0x129: {  	[hbm4b:s3+s2] =	stream.indirect_vreg.scatter [tilespmem:s25], [sflag:$0x3], $0x80, v3, vm0, $0xb8;
	[tilespmem:$0x10400] =	vst v63  }
0x12a: {  	_ = 	snop  }
0x12b: {  	[hbm4b:s5+s2] =	stream.indirect_vreg.scatter [tilespmem:s26], [sflag:$0x3], $0x80, v3, vm0, $0xb8;
	[tilespmem:$0x10400] =	vst v63  }
0x12c: {  	_ = 	snop  }
0x12d: {  	[hbm4b:s6+s2] =	stream.indirect_vreg.scatter [tilespmem:s28], [sflag:$0x3], $0x80, v3, vm0, $0xb8;
	[tilespmem:$0x10400] =	vst v63  }
0x12e: {  	_ = 	snop  }
0x12f: {  	[hbm4b:s7+s2] =	stream.indirect_vreg.scatter [tilespmem:s11], [sflag:$0x3], $0x80, v3, vm0, $0xb8;
	[tilespmem:$0x10400] =	vst v63  }
0x130: {  	_ =	swait.ge [sflag:s29], $0x8000  }
0x131: {  	[sflag:s29] =	ssyncset.done $0x0  }
0x132: {  	[sflag:s29] =	ssyncadd.s32 $0xFFFF8000  }
0x133: {  	_ =	swait.ge [sflag:s29], $0x8000  }
0x134: {  	[sflag:s29] =	ssyncset.done $0x0  }
0x135: {  	[sflag:s29] =	ssyncadd.s32 $0xFFFF8000  }
0x136: {  	_ =	swait.ge [sflag:s0], $0x8000  }
0x137: {  	[sflag:s0] =	ssyncset.done $0x0  }
0x138: {  	[sflag:s0] =	ssyncadd.s32 $0xFFFF8000  }
0x139: {  	v3 =	vld [tilespmem:$0x300];
	_ =	sdelay $0x4  }
0x13a: {  	v60 =	vshll.u32 v3, $0x3  }
0x13b: {  	v3 =	vand.u32 $0x7, v3;
	v4 =	vand.u32 $0xFFFFFFC0, v60  }
0x13c: {  	v3 =	vor.u32 v3, v4  }
0x13d: {  	v4 =	vperm.xlane v3, v0;
	_ =	sdelay $0x1  }
0x13e: {  	v4 =	vadd.s32 v1, v4;
	_ =	sdelay $0x3  }
0x13f: {  	s10 =	simm.s32 $0x8400  }
0x140: {  	[hbm4b:s3+s2] =	stream.indirect_vreg.scatter [tilespmem:s10], [sflag:$0x3], $0x80, v4, vm0, $0xb8;
	[tilespmem:$0x10400] =	vst v63  }
0x141: {  	v3 =	vperm.xlane v3, v2  }
0x142: {  	[hbm4b:s5+s2] =	stream.indirect_vreg.scatter [tilespmem:s19], [sflag:$0x3], $0x80, v4, vm0, $0xb8;
	[tilespmem:$0x10400] =	vst v63  }
0x143: {  	s11 =	simm.s32 $0x9400;
	v3 =	vadd.s32 v1, v3  }
0x144: {  	[hbm4b:s6+s2] =	stream.indirect_vreg.scatter [tilespmem:s11], [sflag:$0x3], $0x80, v4, vm0, $0xb8;
	[tilespmem:$0x10400] =	vst v63  }
0x145: {  	_ = 	snop  }
0x146: {  	[hbm4b:s7+s2] =	stream.indirect_vreg.scatter [tilespmem:s21], [sflag:$0x3], $0x80, v4, vm0, $0xb8;
	[tilespmem:$0x10400] =	vst v63  }
0x147: {  	s12 =	simm.s32 $0xA400  }
0x148: {  	[hbm4b:s3+s2] =	stream.indirect_vreg.scatter [tilespmem:s12], [sflag:$0x3], $0x80, v3, vm0, $0xb8;
	[tilespmem:$0x10400] =	vst v63  }
0x149: {  	s13 =	simm.s32 $0xAC00  }
0x14a: {  	[hbm4b:s5+s2] =	stream.indirect_vreg.scatter [tilespmem:s13], [sflag:$0x3], $0x80, v3, vm0, $0xb8;
	[tilespmem:$0x10400] =	vst v63  }
0x14b: {  	_ = 	snop  }
0x14c: {  	[hbm4b:s6+s2] =	stream.indirect_vreg.scatter [tilespmem:s1], [sflag:$0x3], $0x80, v3, vm0, $0xb8;
	[tilespmem:$0x10400] =	vst v63  }
0x14d: {  	s17 =	simm.s32 $0xBC00  }
0x14e: {  	[hbm4b:s7+s2] =	stream.indirect_vreg.scatter [tilespmem:s17], [sflag:$0x3], $0x80, v3, vm0, $0xb8;
	[tilespmem:$0x10400] =	vst v63  }
0x14f: {  	v3 =	vld [tilespmem:$0x310];
	_ =	sdelay $0x4  }
0x150: {  	v61 =	vshll.u32 v3, $0x3  }
0x151: {  	v3 =	vand.u32 $0x7, v3;
	v4 =	vand.u32 $0xFFFFFFC0, v61  }
0x152: {  	v3 =	vor.u32 v3, v4  }
0x153: {  	v4 =	vperm.xlane v3, v0;
	_ =	sdelay $0x1  }
0x154: {  	v4 =	vadd.s32 v1, v4;
	_ =	sdelay $0x4  }
0x155: {  	[hbm4b:s3+s2] =	stream.indirect_vreg.scatter [tilespmem:s9], [sflag:$0x3], $0x80, v4, vm0, $0xb8;
	[tilespmem:$0x10400] =	vst v63  }
0x156: {  	s22 =	simm.s32 $0xCC00;
	v3 =	vperm.xlane v3, v2  }
0x157: {  	[hbm4b:s5+s2] =	stream.indirect_vreg.scatter [tilespmem:s22], [sflag:$0x3], $0x80, v4, vm0, $0xb8;
	[tilespmem:$0x10400] =	vst v63  }
0x158: {  	s23 =	simm.s32 $0xD400;
	v3 =	vadd.s32 v1, v3  }
0x159: {  	[hbm4b:s6+s2] =	stream.indirect_vreg.scatter [tilespmem:s23], [sflag:$0x3], $0x80, v4, vm0, $0xb8;
	[tilespmem:$0x10400] =	vst v63  }
0x15a: {  	_ = 	snop  }
0x15b: {  	[hbm4b:s7+s2] =	stream.indirect_vreg.scatter [tilespmem:s14], [sflag:$0x3], $0x80, v4, vm0, $0xb8;
	[tilespmem:$0x10400] =	vst v63  }
0x15c: {  	_ = 	snop  }
0x15d: {  	[hbm4b:s3+s2] =	stream.indirect_vreg.scatter [tilespmem:s15], [sflag:$0x3], $0x80, v3, vm0, $0xb8;
	[tilespmem:$0x10400] =	vst v63  }
0x15e: {  	_ = 	snop  }
0x15f: {  	[hbm4b:s5+s2] =	stream.indirect_vreg.scatter [tilespmem:s16], [sflag:$0x3], $0x80, v3, vm0, $0xb8;
	[tilespmem:$0x10400] =	vst v63  }
0x160: {  	s24 =	simm.s32 $0xF400  }
0x161: {  	[hbm4b:s6+s2] =	stream.indirect_vreg.scatter [tilespmem:s24], [sflag:$0x3], $0x80, v3, vm0, $0xb8;
	[tilespmem:$0x10400] =	vst v63  }
0x162: {  	s30 =	simm.s32 $0xFC00  }
0x163: {  	[hbm4b:s7+s2] =	stream.indirect_vreg.scatter [tilespmem:s30], [sflag:$0x3], $0x80, v3, vm0, $0xb8;
	[tilespmem:$0x10400] =	vst v63  }
0x164: {  	v3 =	vld [tilespmem:$0x380];
	_ =	sdelay $0x4  }
0x165: {  	v62 =	vshll.u32 v3, $0x3  }
0x166: {  	v3 =	vand.u32 $0x7, v3;
	v4 =	vand.u32 $0xFFFFFFC0, v62  }
0x167: {  	v3 =	vor.u32 v3, v4  }
0x168: {  	v4 =	vperm.xlane v3, v0;
	_ =	sdelay $0x1  }
0x169: {  	v4 =	vadd.s32 v1, v4;
	_ =	sdelay $0x4  }
0x16a: {  	[hbm4b:s3+s2] =	stream.indirect_vreg.scatter [tilespmem:s10], [sflag:$0x3], $0x80, v4, vm0, $0xb8;
	[tilespmem:$0x10400] =	vst v63  }
0x16b: {  	v3 =	vperm.xlane v3, v2  }
0x16c: {  	[hbm4b:s5+s2] =	stream.indirect_vreg.scatter [tilespmem:s19], [sflag:$0x3], $0x80, v4, vm0, $0xb8;
	[tilespmem:$0x10400] =	vst v63  }
0x16d: {  	v3 =	vadd.s32 v1, v3  }
0x16e: {  	[hbm4b:s6+s2] =	stream.indirect_vreg.scatter [tilespmem:s11], [sflag:$0x3], $0x80, v4, vm0, $0xb8;
	[tilespmem:$0x10400] =	vst v63  }
0x16f: {  	_ = 	snop  }
0x170: {  	[hbm4b:s7+s2] =	stream.indirect_vreg.scatter [tilespmem:s21], [sflag:$0x3], $0x80, v4, vm0, $0xb8;
	[tilespmem:$0x10400] =	vst v63  }
0x171: {  	_ = 	snop  }
0x172: {  	[hbm4b:s3+s2] =	stream.indirect_vreg.scatter [tilespmem:s12], [sflag:$0x3], $0x80, v3, vm0, $0xb8;
	[tilespmem:$0x10400] =	vst v63  }
0x173: {  	_ = 	snop  }
0x174: {  	[hbm4b:s5+s2] =	stream.indirect_vreg.scatter [tilespmem:s13], [sflag:$0x3], $0x80, v3, vm0, $0xb8;
	[tilespmem:$0x10400] =	vst v63  }
0x175: {  	_ = 	snop  }
0x176: {  	[hbm4b:s6+s2] =	stream.indirect_vreg.scatter [tilespmem:s1], [sflag:$0x3], $0x80, v3, vm0, $0xb8;
	[tilespmem:$0x10400] =	vst v63  }
0x177: {  	_ = 	snop  }
0x178: {  	[hbm4b:s7+s2] =	stream.indirect_vreg.scatter [tilespmem:s17], [sflag:$0x3], $0x80, v3, vm0, $0xb8;
	[tilespmem:$0x10400] =	vst v63  }
0x179: {  	v3 =	vld [tilespmem:$0x390];
	_ =	sdelay $0x4  }
0x17a: {  	v63 =	vshll.u32 v3, $0x3  }
0x17b: {  	v3 =	vand.u32 $0x7, v3;
	v4 =	vand.u32 $0xFFFFFFC0, v63  }
0x17c: {  	v3 =	vor.u32 v3, v4  }
0x17d: {  	v4 =	vperm.xlane v3, v0;
	_ =	sdelay $0x1  }
0x17e: {  	v4 =	vadd.s32 v1, v4;
	_ =	sdelay $0x4  }
0x17f: {  	[hbm4b:s3+s2] =	stream.indirect_vreg.scatter [tilespmem:s9], [sflag:$0x3], $0x80, v4, vm0, $0xb8;
	[tilespmem:$0x10400] =	vst v63  }
0x180: {  	v3 =	vperm.xlane v3, v2  }
0x181: {  	[hbm4b:s5+s2] =	stream.indirect_vreg.scatter [tilespmem:s22], [sflag:$0x3], $0x80, v4, vm0, $0xb8;
	[tilespmem:$0x10400] =	vst v63  }
0x182: {  	v3 =	vadd.s32 v1, v3  }
0x183: {  	[hbm4b:s6+s2] =	stream.indirect_vreg.scatter [tilespmem:s23], [sflag:$0x3], $0x80, v4, vm0, $0xb8;
	[tilespmem:$0x10400] =	vst v63  }
0x184: {  	_ = 	snop  }
0x185: {  	[hbm4b:s7+s2] =	stream.indirect_vreg.scatter [tilespmem:s14], [sflag:$0x3], $0x80, v4, vm0, $0xb8;
	[tilespmem:$0x10400] =	vst v63  }
0x186: {  	_ = 	snop  }
0x187: {  	[hbm4b:s3+s2] =	stream.indirect_vreg.scatter [tilespmem:s15], [sflag:$0x3], $0x80, v3, vm0, $0xb8;
	[tilespmem:$0x10400] =	vst v63  }
0x188: {  	_ = 	snop  }
0x189: {  	[hbm4b:s5+s2] =	stream.indirect_vreg.scatter [tilespmem:s16], [sflag:$0x3], $0x80, v3, vm0, $0xb8;
	[tilespmem:$0x10400] =	vst v63  }
0x18a: {  	_ = 	snop  }
0x18b: {  	[hbm4b:s6+s2] =	stream.indirect_vreg.scatter [tilespmem:s24], [sflag:$0x3], $0x80, v3, vm0, $0xb8;
	[tilespmem:$0x10400] =	vst v63  }
0x18c: {  	_ = 	snop  }
0x18d: {  	[hbm4b:s7+s2] =	stream.indirect_vreg.scatter [tilespmem:s30], [sflag:$0x3], $0x80, v3, vm0, $0xb8;
	[tilespmem:$0x10400] =	vst v63  }
0x18e: {  	p0 =	sne.s32 s18, $0x1;
	_ =	swait.ge [sflag:s29], $0x8000  }
.Ltmp0:
0x18f: {  	[sflag:s29] =	ssyncset.done $0x0;
	(pc) =	sbr.rel @p0 .LBB2_1-.Ltmp0, $4  }
0x190: {  	[sflag:s29] =	ssyncadd.s32 $0xFFFF8000  }
0x191: {  	_ =	swait.ge [sflag:s29], $0x8000  }
0x192: {  	[sflag:s29] =	ssyncset.done $0x0  }
0x193: {  	s18 =	sadd.s32 $0xFFFFFFFF, s18;
	[sflag:s29] =	ssyncadd.s32 $0xFFFF8000  }
0x194: {  	_ =	sfence.sel $0x180000  }
0x195: {  	[bflag:$0x0] =	sbarrier.arrive $0xFFFF  }
0x196: {  	_ =	strace $0x90000047  }
0x197: {  	s0 =	stileid.u32;
	[bflag:$0x2] =	sbarrier.arrive $0xFFFF  }
0x198: {  	p0 =	sne.s32 s0, $0x0;
	s0 =	rddreg [dreg:$0x3]  }
0x199: {  	s0 =	sadd.s32 @!p0 $0x100000, s0  }
0x19a: {  	[sflag:s0] =	ssyncadd.tile.s32 @!p0 $0x1;
	_ =	shalt  }
.Lfunc_end2:
_tile_overlayer_lowered:
.L_overlay_start_2:
0x19b: {  	(tag) =	ssettag $0x2  }
0x19c: {  	s0 =	rddreg [dreg:$0x0];
	s2 =	stileid.u32  }
0x19d: {  	s1 =	rddreg [dreg:$0x1];
	p0 =	sne.s32 s2, $0x0  }
0x19e: {  	s3 =	rddreg [dreg:$0x2];
	[bflag:$0x3] =	sbarrier.arrive $0xFFFF;
	s2 =	simm.s32 @!p0 $0x1C04  }
0x19f: {  	[timem:s3], [sflag:s2] =	dma.local @!p0 [hbm:s0], s1  }
0x1a0: {  	s0 =	simm.s32 @!p0 $0x4  }
0x1a1: {  	_ =	swait.ge @!p0 [sflag:s0], s1  }
0x1a2: {  	s1 =	ssub.s32 @!p0 $0x0, s1;
	[sflag:s0] =	ssyncset.done @!p0 $0x0  }
0x1a3: {  	[sflag:s0] =	ssyncadd.s32 @!p0 s1  }
0x1a4: {  	[bflag:$0x3] =	sbarrier.arrive $0xFFFF  }
0x1a5: {  	_ =	shalt  }

</sc_bundles>
